<compile_context>
chip_gen: v7x
topology: tpu7x:2x2x1
jax: 0.10.2.dev20260603
libtpu: 0.0.44.dev20260713+nightly
codegen_flags: <defaults>
</compile_context>

<pallas_src>
import functools

import jax
import jax.numpy as jnp
from jax import lax
from jax.experimental import pallas as pl
from jax.experimental.pallas import tpu as pltpu
from jax.experimental.pallas import tpu_sc as plsc

N = 10000
NP = 10112
D_IN = 128
D_H = 64
E = 320000
NUM_CORES = 2
NUM_SUBCORES = 16
NW = NUM_CORES * NUM_SUBCORES
CHUNK = 112
EPW = E // NW
CPW = EPW // CHUNK
TAIL = EPW - CPW * CHUNK
ROWS_PER_SUB = NP // NUM_SUBCORES
NBUF = 4

_mesh = plsc.VectorSubcoreMesh(core_axis_name="c", subcore_axis_name="s")


@functools.partial(
    pl.kernel,
    out_type=(jax.ShapeDtypeStruct((NP, 16), jnp.float32),
              jax.ShapeDtypeStruct((NP, 16), jnp.float32)),
    mesh=_mesh,
    scratch_types=[
        pltpu.VMEM_SHARED((NP, 16), jnp.float32),
        pltpu.VMEM((EPW,), jnp.int32),
        pltpu.VMEM((CHUNK, 16), jnp.float32),
    ],
    compiler_params=pltpu.CompilerParams(use_tc_tiling_on_sc=False),
)
def _deg_sc(edge_hbm, zeros16_hbm, ones_hbm, out0_hbm, out1_hbm,
            deg_sh, didx, ones_v):
    c = lax.axis_index("c")
    s = lax.axis_index("s")
    wid = c * NUM_SUBCORES + s
    rsl = pl.ds(s * ROWS_PER_SUB, ROWS_PER_SUB)
    pltpu.sync_copy(zeros16_hbm.at[rsl], deg_sh.at[rsl])
    pltpu.sync_copy(ones_hbm, ones_v)
    pltpu.sync_copy(edge_hbm.at[1, pl.ds(wid * EPW, EPW)], didx)
    plsc.subcore_barrier()
    def body(j, _):
        pltpu.sync_copy(ones_v, deg_sh.at[didx.at[pl.ds(j * CHUNK, CHUNK)]],
                        add=True)
        return 0
    lax.fori_loop(0, CPW, body, 0)
    pltpu.sync_copy(ones_v.at[pl.ds(0, TAIL)],
                    deg_sh.at[didx.at[pl.ds(CPW * CHUNK, TAIL)]], add=True)
    plsc.subcore_barrier()

    @pl.when(c == 0)
    def _():
        pltpu.sync_copy(deg_sh.at[rsl], out0_hbm.at[rsl])

    @pl.when(c == 1)
    def _():
        pltpu.sync_copy(deg_sh.at[rsl], out1_hbm.at[rsl])


@functools.partial(
    pl.kernel,
    out_type=(jax.ShapeDtypeStruct((NP, D_H), jnp.float32),
              jax.ShapeDtypeStruct((NP, D_H), jnp.float32)),
    mesh=_mesh,
    scratch_types=[
        pltpu.VMEM_SHARED((NP, D_H), jnp.float32),
        pltpu.VMEM_SHARED((NP, D_H), jnp.float32),
        pltpu.VMEM((EPW,), jnp.int32),
        pltpu.VMEM((EPW,), jnp.int32),
        pltpu.VMEM((NBUF, CHUNK, D_H), jnp.float32),
        pltpu.SemaphoreType.DMA((NBUF,)),
        pltpu.SemaphoreType.DMA((NBUF,)),
    ],
    compiler_params=pltpu.CompilerParams(use_tc_tiling_on_sc=False),
)
def _scatter_sc(edge_hbm, hp_hbm, zeros64_hbm, out0_hbm, out1_hbm,
                acc_sh, hp_sh, sidx, didx, rows, gsem, ssem):
    c = lax.axis_index("c")
    s = lax.axis_index("s")
    wid = c * NUM_SUBCORES + s
    rsl = pl.ds(s * ROWS_PER_SUB, ROWS_PER_SUB)
    esl = pl.ds(wid * EPW, EPW)
    pltpu.async_copy(zeros64_hbm.at[rsl], acc_sh.at[rsl], gsem.at[0])
    pltpu.async_copy(hp_hbm.at[rsl], hp_sh.at[rsl], gsem.at[1])
    pltpu.async_copy(edge_hbm.at[0, esl], sidx, gsem.at[2])
    pltpu.async_copy(edge_hbm.at[1, esl], didx, gsem.at[3])
    pltpu.make_async_copy(zeros64_hbm.at[rsl], acc_sh.at[rsl],
                          gsem.at[0]).wait()
    pltpu.make_async_copy(hp_hbm.at[rsl], hp_sh.at[rsl], gsem.at[1]).wait()
    pltpu.make_async_copy(edge_hbm.at[0, esl], sidx, gsem.at[2]).wait()
    pltpu.make_async_copy(edge_hbm.at[1, esl], didx, gsem.at[3]).wait()
    plsc.subcore_barrier()

    def src_at(g):
        return sidx.at[pl.ds(g * CHUNK, CHUNK)]

    def dst_at(g):
        return didx.at[pl.ds(g * CHUNK, CHUNK)]

    for b in range(2):
        pltpu.async_copy(hp_sh.at[src_at(b)], rows.at[b], gsem.at[b])

    def body(g, _):
        b = g & (NBUF - 1)
        pltpu.make_async_copy(hp_sh.at[src_at(g)], rows.at[b],
                              gsem.at[b]).wait()
        pltpu.async_copy(rows.at[b], acc_sh.at[dst_at(g)], ssem.at[b],
                         add=True)

        @pl.when(g + 2 < CPW)
        def _():
            b2 = (g + 2) & (NBUF - 1)

            @pl.when(g >= 2)
            def _():
                pltpu.make_async_copy(rows.at[b2],
                                      acc_sh.at[dst_at(g - 2)],
                                      ssem.at[b2]).wait()

            pltpu.async_copy(hp_sh.at[src_at(g + 2)], rows.at[b2],
                             gsem.at[b2])
        return 0

    lax.fori_loop(0, CPW, body, 0)
    for g in range(CPW - 4, CPW):
        b = g % NBUF
        pltpu.make_async_copy(rows.at[b], acc_sh.at[dst_at(g)],
                              ssem.at[b]).wait()
    pltpu.sync_copy(hp_sh.at[sidx.at[pl.ds(CPW * CHUNK, TAIL)]],
                    rows.at[0, pl.ds(0, TAIL)])
    pltpu.sync_copy(rows.at[0, pl.ds(0, TAIL)],
                    acc_sh.at[didx.at[pl.ds(CPW * CHUNK, TAIL)]], add=True)
    plsc.subcore_barrier()

    @pl.when(c == 0)
    def _():
        pltpu.sync_copy(acc_sh.at[rsl], out0_hbm.at[rsl])

    @pl.when(c == 1)
    def _():
        pltpu.sync_copy(acc_sh.at[rsl], out1_hbm.at[rsl])


def _row_mask(shape):
    rows = lax.broadcasted_iota(jnp.int32, shape, 0)
    return rows < N


def _bn_masked(pre, g, b):
    mean = jnp.sum(pre, axis=0, keepdims=True) * (1.0 / N)
    var = jnp.sum(pre * pre, axis=0, keepdims=True) * (1.0 / N) - mean * mean
    return (pre - mean) * lax.rsqrt(var + 1e-5) * g + b


def _mm0_body(x_ref, w_ref, dp0_ref, dp1_ref, hp_ref, dinv_ref):
    h = jnp.dot(x_ref[...], w_ref[...], preferred_element_type=jnp.float32)
    deg = dp0_ref[:, 0:1] + dp1_ref[:, 0:1] + 1.0
    dinv = jnp.where(_row_mask((NP, 1)), lax.rsqrt(deg), 0.0)
    dinv_ref[...] = dinv
    hp_ref[...] = h * dinv


def _mm0(xp, W0, dp0, dp1):
    return pl.pallas_call(
        _mm0_body,
        out_shape=(jax.ShapeDtypeStruct((NP, D_H), jnp.float32),
                   jax.ShapeDtypeStruct((NP, 1), jnp.float32)),
    )(xp, W0, dp0, dp1)


def _combine_body(relu, has_res, acc0_ref, acc1_ref, hp_ref, dinv_ref, b_ref,
                  g_ref, be_ref, w_ref, res_ref, y_ref, hpn_ref):
    dinv = dinv_ref[...]
    pre = (acc0_ref[...] + acc1_ref[...] + hp_ref[...]) * dinv + b_ref[...]
    pre = jnp.where(_row_mask((NP, D_H)), pre, 0.0)
    y = _bn_masked(pre, g_ref[...], be_ref[...])
    if relu:
        y = jnp.maximum(y, 0.0)
    if has_res:
        y = y + res_ref[...]
    y_ref[...] = y
    hpn_ref[...] = jnp.dot(y, w_ref[...],
                           preferred_element_type=jnp.float32) * dinv


def _combine(acc, hp, dinv, b, g, be, Wn, res, relu):
    has_res = res is not None
    if res is None:
        res = hp
    return pl.pallas_call(
        functools.partial(_combine_body, relu, has_res),
        out_shape=(jax.ShapeDtypeStruct((NP, D_H), jnp.float32),
                   jax.ShapeDtypeStruct((NP, D_H), jnp.float32)),
    )(acc[0], acc[1], hp, dinv, b, g, be, Wn, res)


def _final_body(acc0_ref, acc1_ref, hp_ref, dinv_ref, b_ref, g_ref, be_ref,
                res_ref, w1_ref, b1_ref, g1_ref, be1_ref, w2_ref, b2_ref,
                g2_ref, be2_ref, w3_ref, b3_ref, z_ref):
    dinv = dinv_ref[...]
    pre = (acc0_ref[...] + acc1_ref[...] + hp_ref[...]) * dinv + b_ref[...]
    pre = jnp.where(_row_mask((NP, D_H)), pre, 0.0)
    h2 = _bn_masked(pre, g_ref[...], be_ref[...]) + res_ref[...]
    t1 = jnp.dot(h2, w1_ref[...], preferred_element_type=jnp.float32)
    t1 = jnp.where(_row_mask((NP, 4 * 16)), t1 + b1_ref[...], 0.0)
    z1 = jnp.maximum(_bn_masked(t1, g1_ref[...], be1_ref[...]), 0.0)
    t2 = jnp.dot(z1, w2_ref[...], preferred_element_type=jnp.float32)
    t2 = jnp.where(_row_mask((NP, 4 * 8)), t2 + b2_ref[...], 0.0)
    z2 = jnp.maximum(_bn_masked(t2, g2_ref[...], be2_ref[...]), 0.0)
    t3 = jnp.dot(z2, w3_ref[...], preferred_element_type=jnp.float32)
    t3 = t3 + b3_ref[...]
    z_ref[...] = 1.0 / (1.0 + jnp.exp(-t3))


def _final(acc, hp, dinv, b, g, be, res, w1, b1, g1, be1, w2, b2, g2, be2,
           w3, b3):
    return pl.pallas_call(
        _final_body,
        out_shape=jax.ShapeDtypeStruct((NP, 4), jnp.float32),
    )(acc[0], acc[1], hp, dinv, b, g, be, res, w1, b1, g1, be1, w2, b2, g2,
      be2, w3, b3)


def kernel(x, edge_index, batch_idx, node_type,
           W0, b0, g0, be0, W1, b1, g1, be1, W2, b2, g2, be2,
           cW1, cb1, cg1, cbe1, cW2, cb2, cg2, cbe2, cW3, cb3):
    del batch_idx, node_type
    f32 = jnp.float32
    xp = jnp.zeros((NP, D_IN), f32).at[:N].set(x)
    zeros16 = jnp.zeros((NP, 16), f32)
    zeros64 = jnp.zeros((NP, D_H), f32)

    b0r = b0.reshape(1, D_H)
    g0r = g0.reshape(1, D_H)
    be0r = be0.reshape(1, D_H)
    b1r = b1.reshape(1, D_H)
    g1r = g1.reshape(1, D_H)
    be1r = be1.reshape(1, D_H)
    b2r = b2.reshape(1, D_H)
    g2r = g2.reshape(1, D_H)
    be2r = be2.reshape(1, D_H)

    cw1f = cW1.transpose(1, 0, 2).reshape(D_H, 4 * 16)
    cb1f = cb1.reshape(1, 4 * 16)
    cg1f = cg1.reshape(1, 4 * 16)
    cbe1f = cbe1.reshape(1, 4 * 16)
    cw2bd = jax.scipy.linalg.block_diag(*[cW2[i] for i in range(4)])
    cb2f = cb2.reshape(1, 4 * 8)
    cg2f = cg2.reshape(1, 4 * 8)
    cbe2f = cbe2.reshape(1, 4 * 8)
    cw3bd = jax.scipy.linalg.block_diag(*[cW3[i] for i in range(4)])
    cb3f = cb3.reshape(1, 4)

    ones16 = jnp.ones((CHUNK, 16), f32)
    deg_parts = _deg_sc(edge_index, zeros16, ones16)
    hp0, dinv = _mm0(xp, W0, *deg_parts)
    acc0 = _scatter_sc(edge_index, hp0, zeros64)
    h0, hp1 = _combine(acc0, hp0, dinv, b0r, g0r, be0r, W1, None, relu=True)
    acc1 = _scatter_sc(edge_index, hp1, zeros64)
    h1, hp2 = _combine(acc1, hp1, dinv, b1r, g1r, be1r, W2, h0, relu=True)
    acc2 = _scatter_sc(edge_index, hp2, zeros64)
    z = _final(acc2, hp2, dinv, b2r, g2r, be2r, h1,
               cw1f, cb1f, cg1f, cbe1f, cw2bd, cb2f, cg2f, cbe2f,
               cw3bd, cb3f)
    return z[:N]

# --- scband reference (transcript-rebuilt; emitter-appended) ---
"""Pipeline reference for scband-hierarchical-patch-model-9328668967797 (READ-ONLY COPY).

The authoritative reference and input builder live on the scoring server;
editing this copy changes nothing except your own understanding.
"""

import jax, jax.numpy as jnp
import numpy as np

N = 10000
E = 320000
D_IN = 128
D_H = 64
CH = 16
NC = 4


def _bn(h, g, b):
    # nn.BatchNorm1d in training mode: batch statistics, eps=1e-5
    m = h.mean(axis=0)
    v = h.var(axis=0)
    return (h - m) / jnp.sqrt(v + 1e-5) * g + b


def _gcn(x, edge_index, W, b):
    # PyG GCNConv: add self loops, symmetric deg normalization, scatter-add at dst
    n = x.shape[0]
    src = edge_index[0]
    dst = edge_index[1]
    loop = jnp.arange(n, dtype=src.dtype)
    s = jnp.concatenate([src, loop])
    d = jnp.concatenate([dst, loop])
    deg = jax.ops.segment_sum(jnp.ones(s.shape[0], jnp.float32), d, num_segments=n)
    dinv = jnp.where(deg > 0, jax.lax.rsqrt(jnp.maximum(deg, 1e-12)), 0.0)
    norm = dinv[s] * dinv[d]
    h = x @ W
    out = jax.ops.segment_sum(h[s] * norm[:, None], d, num_segments=n)
    return out + b


def _forward(x, edge_index, W0, b0, g0, be0, W1, b1, g1, be1, W2, b2, g2, be2,
             cW1, cb1, cg1, cbe1, cW2, cb2, cg2, cbe2, cW3, cb3):
    # layer 0: 128 -> 64, BN + ReLU, no residual (dim mismatch)
    h0 = jax.nn.relu(_bn(_gcn(x, edge_index, W0, b0), g0, be0))
    # layer 1: 64 -> 64, BN + ReLU, residual
    h1 = jax.nn.relu(_bn(_gcn(h0, edge_index, W1, b1), g1, be1)) + h0
    # layer 2 (last): 64 -> 64, BN + Identity, residual; JK mode 'last'
    h2 = _bn(_gcn(h1, edge_index, W2, b2), g2, be2) + h1
    outs = []
    for i in range(NC):
        z = jax.nn.relu(_bn(h2 @ cW1[i] + cb1[i], cg1[i], cbe1[i]))
        z = jax.nn.relu(_bn(z @ cW2[i] + cb2[i], cg2[i], cbe2[i]))
        z = jax.nn.sigmoid(z @ cW3[i] + cb3[i])
        outs.append(z)
    return jnp.concatenate(outs, axis=1)


def setup_inputs(seed: int = 0):
    key = jax.random.key(seed)
    ks = jax.random.split(key, 16)
    x = jax.random.normal(ks[0], (N, D_IN), jnp.float32)
    edge_index = jax.random.randint(ks[1], (2, E), 0, N, dtype=jnp.int32)
    batch_idx = jnp.zeros((N,), jnp.int32)
    node_type = jnp.zeros((N,), jnp.int32)
    inp = {
        'x': x, 'edge_index': edge_index, 'batch_idx': batch_idx, 'node_type': node_type,
        'W0': jax.random.normal(ks[2], (D_IN, D_H), jnp.float32) * 0.05,
        'b0': jnp.zeros((D_H,), jnp.float32),
        'g0': jnp.ones((D_H,), jnp.float32),
        'be0': jnp.zeros((D_H,), jnp.float32),
        'W1': jax.random.normal(ks[3], (D_H, D_H), jnp.float32) * 0.05,
        'b1': jnp.zeros((D_H,), jnp.float32),
        'g1': jnp.ones((D_H,), jnp.float32),
        'be1': jnp.zeros((D_H,), jnp.float32),
        'W2': jax.random.normal(ks[4], (D_H, D_H), jnp.float32) * 0.05,
        'b2': jnp.zeros((D_H,), jnp.float32),
        'g2': jnp.ones((D_H,), jnp.float32),
        'be2': jnp.zeros((D_H,), jnp.float32),
        'cW1': jax.random.normal(ks[5], (NC, D_H, CH), jnp.float32) * 0.05,
        'cb1': jnp.zeros((NC, CH), jnp.float32),
        'cg1': jnp.ones((NC, CH), jnp.float32),
        'cbe1': jnp.zeros((NC, CH), jnp.float32),
        'cW2': jax.random.normal(ks[6], (NC, CH, CH // 2), jnp.float32) * 0.05,
        'cb2': jnp.zeros((NC, CH // 2), jnp.float32),
        'cg2': jnp.ones((NC, CH // 2), jnp.float32),
        'cbe2': jnp.zeros((NC, CH // 2), jnp.float32),
        'cW3': jax.random.normal(ks[7], (NC, CH // 2, 1), jnp.float32) * 0.05,
        'cb3': jnp.zeros((NC, 1), jnp.float32),
    }
    return inp


def reference(x, edge_index, batch_idx, node_type,
              W0, b0, g0, be0, W1, b1, g1, be1, W2, b2, g2, be2,
              cW1, cb1, cg1, cbe1, cW2, cb2, cg2, cbe2, cW3, cb3):
    num_samples_in_batch = batch_idx[-1] + 1  # faithful to torch forward; unused in non-coordinate path
    del num_samples_in_batch, node_type
    return _forward(x, edge_index, W0, b0, g0, be0, W1, b1, g1, be1, W2, b2, g2, be2,
                    cW1, cb1, cg1, cbe1, cW2, cb2, cg2, cbe2, cW3, cb3)

if __name__ == "__main__":
    import jax
    _d = setup_inputs()
    print(jax.jit(kernel)(*tuple(_d.values())))

</pallas_src>

<mosaic_0001>
#map = affine_map<(d0, d1) -> (0, 0)>
module attributes {stable_mosaic.version = 14 : i64} {
  func.func @_scatter_sc(%arg0: i32, %arg1: i32, %arg2: memref<2x320000xi32, #tpu.memory_space<hbm>>, %arg3: memref<10112x64xf32, #tpu.memory_space<hbm>>, %arg4: memref<10112x64xf32, #tpu.memory_space<hbm>>, %arg5: memref<10112x64xf32, #tpu.memory_space<hbm>>, %arg6: memref<10112x64xf32, #tpu.memory_space<hbm>>, %arg7: memref<10112x64xf32, #tpu.memory_space<vmem_shared>>, %arg8: memref<10112x64xf32, #tpu.memory_space<vmem_shared>>, %arg9: memref<10000xi32, #tpu.memory_space<vmem>>, %arg10: memref<10000xi32, #tpu.memory_space<vmem>>, %arg11: memref<4x112x64xf32, #tpu.memory_space<vmem>>, %arg12: memref<4x!tpu.dma_semaphore, #tpu.memory_space<semaphore_mem>>, %arg13: memref<4x!tpu.dma_semaphore, #tpu.memory_space<semaphore_mem>>) attributes {dimension_semantics = [#tpu.dimension_semantics<core_parallel>, #tpu.dimension_semantics<subcore_parallel>], iteration_bounds = array<i64: 2, 16>, scalar_prefetch = 0 : i64, scratch_operands = 7 : i64, tpu.core_type = #tpu.core_type<sc_vector_subcore>, window_params = [{transform_indices = #map}, {transform_indices = #map}, {transform_indices = #map}, {transform_indices = #map}, {transform_indices = #map}]} {
    %mul3A = arith.constant 16 : i32
    %mul3A_0 = arith.muli %arg0, %mul3A : i32
    %add3A = arith.addi %mul3A_0, %arg1 : i32
    %mul3A_1 = arith.constant 632 : i32
    %mul3A_2 = arith.muli %arg1, %mul3A_1 : i32
    %mul3A_3 = arith.constant 10000 : i32
    %mul3A_4 = arith.muli %add3A, %mul3A_3 : i32
    %dma_start3A = arith.constant 0 : i32
    %dma_start3A_5 = tpu.memref_slice %arg12[%dma_start3A] : memref<4x!tpu.dma_semaphore, #tpu.memory_space<semaphore_mem>> -> memref<1x!tpu.dma_semaphore, #tpu.memory_space<semaphore_mem>>
    %dma_start3A_6 = tpu.memref_squeeze %dma_start3A_5 : memref<1x!tpu.dma_semaphore, #tpu.memory_space<semaphore_mem>> -> memref<!tpu.dma_semaphore, #tpu.memory_space<semaphore_mem>>
    %dma_start3A_7 = arith.constant 0 : i32
    %dma_start3A_8 = tpu.memref_slice %arg7[%mul3A_2, %dma_start3A_7] : memref<10112x64xf32, #tpu.memory_space<vmem_shared>> -> memref<632x64xf32, #tpu.memory_space<vmem_shared>>
    %dma_start3A_9 = arith.constant 0 : i32
    %dma_start3A_10 = tpu.memref_slice %arg4[%mul3A_2, %dma_start3A_9] : memref<10112x64xf32, #tpu.memory_space<hbm>> -> memref<632x64xf32, #tpu.memory_space<hbm>>
    tpu.enqueue_dma source(%dma_start3A_10 : memref<632x64xf32, #tpu.memory_space<hbm>>) target(%dma_start3A_8 : memref<632x64xf32, #tpu.memory_space<vmem_shared>>) target_semaphore(%dma_start3A_6 : memref<!tpu.dma_semaphore, #tpu.memory_space<semaphore_mem>>)
    %dma_start3A_11 = arith.constant 1 : i32
    %dma_start3A_12 = tpu.memref_slice %arg12[%dma_start3A_11] : memref<4x!tpu.dma_semaphore, #tpu.memory_space<semaphore_mem>> -> memref<1x!tpu.dma_semaphore, #tpu.memory_space<semaphore_mem>>
    %dma_start3A_13 = tpu.memref_squeeze %dma_start3A_12 : memref<1x!tpu.dma_semaphore, #tpu.memory_space<semaphore_mem>> -> memref<!tpu.dma_semaphore, #tpu.memory_space<semaphore_mem>>
    %dma_start3A_14 = arith.constant 0 : i32
    %dma_start3A_15 = tpu.memref_slice %arg8[%mul3A_2, %dma_start3A_14] : memref<10112x64xf32, #tpu.memory_space<vmem_shared>> -> memref<632x64xf32, #tpu.memory_space<vmem_shared>>
    %dma_start3A_16 = arith.constant 0 : i32
    %dma_start3A_17 = tpu.memref_slice %arg3[%mul3A_2, %dma_start3A_16] : memref<10112x64xf32, #tpu.memory_space<hbm>> -> memref<632x64xf32, #tpu.memory_space<hbm>>
    tpu.enqueue_dma source(%dma_start3A_17 : memref<632x64xf32, #tpu.memory_space<hbm>>) target(%dma_start3A_15 : memref<632x64xf32, #tpu.memory_space<vmem_shared>>) target_semaphore(%dma_start3A_13 : memref<!tpu.dma_semaphore, #tpu.memory_space<semaphore_mem>>)
    %dma_start3A_18 = arith.constant 0 : i32
    %dma_start3A_19 = arith.constant 2 : i32
    %dma_start3A_20 = tpu.memref_slice %arg2[%dma_start3A_18, %mul3A_4] : memref<2x320000xi32, #tpu.memory_space<hbm>> -> memref<1x10000xi32, #tpu.memory_space<hbm>>
    %dma_start3A_21 = tpu.memref_squeeze %dma_start3A_20 : memref<1x10000xi32, #tpu.memory_space<hbm>> -> memref<10000xi32, #tpu.memory_space<hbm>>
    %dma_start3A_22 = tpu.memref_slice %arg12[%dma_start3A_19] : memref<4x!tpu.dma_semaphore, #tpu.memory_space<semaphore_mem>> -> memref<1x!tpu.dma_semaphore, #tpu.memory_space<semaphore_mem>>
    %dma_start3A_23 = tpu.memref_squeeze %dma_start3A_22 : memref<1x!tpu.dma_semaphore, #tpu.memory_space<semaphore_mem>> -> memref<!tpu.dma_semaphore, #tpu.memory_space<semaphore_mem>>
    %dma_start3A_24 = tpu.memref_slice %arg2[%dma_start3A_18, %mul3A_4] : memref<2x320000xi32, #tpu.memory_space<hbm>> -> memref<1x10000xi32, #tpu.memory_space<hbm>>
    %dma_start3A_25 = tpu.memref_squeeze %dma_start3A_24 : memref<1x10000xi32, #tpu.memory_space<hbm>> -> memref<10000xi32, #tpu.memory_space<hbm>>
    tpu.enqueue_dma source(%dma_start3A_25 : memref<10000xi32, #tpu.memory_space<hbm>>) target(%arg9 : memref<10000xi32, #tpu.memory_space<vmem>>) target_semaphore(%dma_start3A_23 : memref<!tpu.dma_semaphore, #tpu.memory_space<semaphore_mem>>)
    %dma_start3A_26 = arith.constant 1 : i32
    %dma_start3A_27 = arith.constant 3 : i32
    %dma_start3A_28 = tpu.memref_slice %arg2[%dma_start3A_26, %mul3A_4] : memref<2x320000xi32, #tpu.memory_space<hbm>> -> memref<1x10000xi32, #tpu.memory_space<hbm>>
    %dma_start3A_29 = tpu.memref_squeeze %dma_start3A_28 : memref<1x10000xi32, #tpu.memory_space<hbm>> -> memref<10000xi32, #tpu.memory_space<hbm>>
    %dma_start3A_30 = tpu.memref_slice %arg12[%dma_start3A_27] : memref<4x!tpu.dma_semaphore, #tpu.memory_space<semaphore_mem>> -> memref<1x!tpu.dma_semaphore, #tpu.memory_space<semaphore_mem>>
    %dma_start3A_31 = tpu.memref_squeeze %dma_start3A_30 : memref<1x!tpu.dma_semaphore, #tpu.memory_space<semaphore_mem>> -> memref<!tpu.dma_semaphore, #tpu.memory_space<semaphore_mem>>
    %dma_start3A_32 = tpu.memref_slice %arg2[%dma_start3A_26, %mul3A_4] : memref<2x320000xi32, #tpu.memory_space<hbm>> -> memref<1x10000xi32, #tpu.memory_space<hbm>>
    %dma_start3A_33 = tpu.memref_squeeze %dma_start3A_32 : memref<1x10000xi32, #tpu.memory_space<hbm>> -> memref<10000xi32, #tpu.memory_space<hbm>>
    tpu.enqueue_dma source(%dma_start3A_33 : memref<10000xi32, #tpu.memory_space<hbm>>) target(%arg10 : memref<10000xi32, #tpu.memory_space<vmem>>) target_semaphore(%dma_start3A_31 : memref<!tpu.dma_semaphore, #tpu.memory_space<semaphore_mem>>)
    %dma_wait3A = arith.constant 0 : i32
    %dma_wait3A_34 = tpu.memref_slice %arg12[%dma_wait3A] : memref<4x!tpu.dma_semaphore, #tpu.memory_space<semaphore_mem>> -> memref<1x!tpu.dma_semaphore, #tpu.memory_space<semaphore_mem>>
    %dma_wait3A_35 = tpu.memref_squeeze %dma_wait3A_34 : memref<1x!tpu.dma_semaphore, #tpu.memory_space<semaphore_mem>> -> memref<!tpu.dma_semaphore, #tpu.memory_space<semaphore_mem>>
    %dma_wait3A_36 = arith.constant 0 : i32
    %dma_wait3A_37 = tpu.memref_slice %arg7[%mul3A_2, %dma_wait3A_36] : memref<10112x64xf32, #tpu.memory_space<vmem_shared>> -> memref<632x64xf32, #tpu.memory_space<vmem_shared>>
    %dma_wait3A_38 = arith.constant 0 : i32
    %dma_wait3A_39 = tpu.memref_slice %arg4[%mul3A_2, %dma_wait3A_38] : memref<10112x64xf32, #tpu.memory_space<hbm>> -> memref<632x64xf32, #tpu.memory_space<hbm>>
    tpu.wait_dma2 semaphore(%dma_wait3A_35 : memref<!tpu.dma_semaphore, #tpu.memory_space<semaphore_mem>>) src(%dma_wait3A_39 : memref<632x64xf32, #tpu.memory_space<hbm>>) dst(%dma_wait3A_37 : memref<632x64xf32, #tpu.memory_space<vmem_shared>>)
    %dma_wait3A_40 = arith.constant 1 : i32
    %dma_wait3A_41 = tpu.memref_slice %arg12[%dma_wait3A_40] : memref<4x!tpu.dma_semaphore, #tpu.memory_space<semaphore_mem>> -> memref<1x!tpu.dma_semaphore, #tpu.memory_space<semaphore_mem>>
    %dma_wait3A_42 = tpu.memref_squeeze %dma_wait3A_41 : memref<1x!tpu.dma_semaphore, #tpu.memory_space<semaphore_mem>> -> memref<!tpu.dma_semaphore, #tpu.memory_space<semaphore_mem>>
    %dma_wait3A_43 = arith.constant 0 : i32
    %dma_wait3A_44 = tpu.memref_slice %arg8[%mul3A_2, %dma_wait3A_43] : memref<10112x64xf32, #tpu.memory_space<vmem_shared>> -> memref<632x64xf32, #tpu.memory_space<vmem_shared>>
    %dma_wait3A_45 = arith.constant 0 : i32
    %dma_wait3A_46 = tpu.memref_slice %arg3[%mul3A_2, %dma_wait3A_45] : memref<10112x64xf32, #tpu.memory_space<hbm>> -> memref<632x64xf32, #tpu.memory_space<hbm>>
    tpu.wait_dma2 semaphore(%dma_wait3A_42 : memref<!tpu.dma_semaphore, #tpu.memory_space<semaphore_mem>>) src(%dma_wait3A_46 : memref<632x64xf32, #tpu.memory_space<hbm>>) dst(%dma_wait3A_44 : memref<632x64xf32, #tpu.memory_space<vmem_shared>>)
    %dma_wait3A_47 = arith.constant 0 : i32
    %dma_wait3A_48 = arith.constant 2 : i32
    %dma_wait3A_49 = tpu.memref_slice %arg2[%dma_wait3A_47, %mul3A_4] : memref<2x320000xi32, #tpu.memory_space<hbm>> -> memref<1x10000xi32, #tpu.memory_space<hbm>>
    %dma_wait3A_50 = tpu.memref_squeeze %dma_wait3A_49 : memref<1x10000xi32, #tpu.memory_space<hbm>> -> memref<10000xi32, #tpu.memory_space<hbm>>
    %dma_wait3A_51 = tpu.memref_slice %arg12[%dma_wait3A_48] : memref<4x!tpu.dma_semaphore, #tpu.memory_space<semaphore_mem>> -> memref<1x!tpu.dma_semaphore, #tpu.memory_space<semaphore_mem>>
    %dma_wait3A_52 = tpu.memref_squeeze %dma_wait3A_51 : memref<1x!tpu.dma_semaphore, #tpu.memory_space<semaphore_mem>> -> memref<!tpu.dma_semaphore, #tpu.memory_space<semaphore_mem>>
    %dma_wait3A_53 = tpu.memref_slice %arg2[%dma_wait3A_47, %mul3A_4] : memref<2x320000xi32, #tpu.memory_space<hbm>> -> memref<1x10000xi32, #tpu.memory_space<hbm>>
    %dma_wait3A_54 = tpu.memref_squeeze %dma_wait3A_53 : memref<1x10000xi32, #tpu.memory_space<hbm>> -> memref<10000xi32, #tpu.memory_space<hbm>>
    tpu.wait_dma2 semaphore(%dma_wait3A_52 : memref<!tpu.dma_semaphore, #tpu.memory_space<semaphore_mem>>) src(%dma_wait3A_54 : memref<10000xi32, #tpu.memory_space<hbm>>) dst(%arg9 : memref<10000xi32, #tpu.memory_space<vmem>>)
    %dma_wait3A_55 = arith.constant 1 : i32
    %dma_wait3A_56 = arith.constant 3 : i32
    %dma_wait3A_57 = tpu.memref_slice %arg2[%dma_wait3A_55, %mul3A_4] : memref<2x320000xi32, #tpu.memory_space<hbm>> -> memref<1x10000xi32, #tpu.memory_space<hbm>>
    %dma_wait3A_58 = tpu.memref_squeeze %dma_wait3A_57 : memref<1x10000xi32, #tpu.memory_space<hbm>> -> memref<10000xi32, #tpu.memory_space<hbm>>
    %dma_wait3A_59 = tpu.memref_slice %arg12[%dma_wait3A_56] : memref<4x!tpu.dma_semaphore, #tpu.memory_space<semaphore_mem>> -> memref<1x!tpu.dma_semaphore, #tpu.memory_space<semaphore_mem>>
    %dma_wait3A_60 = tpu.memref_squeeze %dma_wait3A_59 : memref<1x!tpu.dma_semaphore, #tpu.memory_space<semaphore_mem>> -> memref<!tpu.dma_semaphore, #tpu.memory_space<semaphore_mem>>
    %dma_wait3A_61 = tpu.memref_slice %arg2[%dma_wait3A_55, %mul3A_4] : memref<2x320000xi32, #tpu.memory_space<hbm>> -> memref<1x10000xi32, #tpu.memory_space<hbm>>
    %dma_wait3A_62 = tpu.memref_squeeze %dma_wait3A_61 : memref<1x10000xi32, #tpu.memory_space<hbm>> -> memref<10000xi32, #tpu.memory_space<hbm>>
    tpu.wait_dma2 semaphore(%dma_wait3A_60 : memref<!tpu.dma_semaphore, #tpu.memory_space<semaphore_mem>>) src(%dma_wait3A_62 : memref<10000xi32, #tpu.memory_space<hbm>>) dst(%arg10 : memref<10000xi32, #tpu.memory_space<vmem>>)
    %barrier3A = arith.constant 0 : index
    tpu.barrier barrier_id(%barrier3A)
    %dma_start3A_63 = arith.constant 0 : i32
    %dma_start3A_64 = arith.constant 0 : i32
    %dma_start3A_65 = arith.constant 0 : i32
    %dma_start3A_66 = arith.constant 0 : i32
    %dma_start3A_67 = tpu.memref_slice %arg11[%dma_start3A_63, %dma_start3A_65, %dma_start3A_66] : memref<4x112x64xf32, #tpu.memory_space<vmem>> -> memref<1x112x64xf32, #tpu.memory_space<vmem>>
    %dma_start3A_68 = tpu.memref_squeeze %dma_start3A_67 : memref<1x112x64xf32, #tpu.memory_space<vmem>> -> memref<112x64xf32, #tpu.memory_space<vmem>>
    %dma_start3A_69 = arith.constant 0 : i32
    %dma_start3A_70 = tpu.memref_slice %arg9[%dma_start3A_69] : memref<10000xi32, #tpu.memory_space<vmem>> -> memref<112xi32, #tpu.memory_space<vmem>>
    %dma_start3A_71 = arith.constant 0 : i32
    %dma_start3A_72 = arith.constant 0 : i32
    %dma_start3A_73 = tpu.memref_slice %arg8[%dma_start3A_71, %dma_start3A_72] : memref<10112x64xf32, #tpu.memory_space<vmem_shared>> -> memref<10112x64xf32, #tpu.memory_space<vmem_shared>>
    %dma_start3A_74 = tpu.memref_slice %arg12[%dma_start3A_64] : memref<4x!tpu.dma_semaphore, #tpu.memory_space<semaphore_mem>> -> memref<1x!tpu.dma_semaphore, #tpu.memory_space<semaphore_mem>>
    %dma_start3A_75 = tpu.memref_squeeze %dma_start3A_74 : memref<1x!tpu.dma_semaphore, #tpu.memory_space<semaphore_mem>> -> memref<!tpu.dma_semaphore, #tpu.memory_space<semaphore_mem>>
    tpu.enqueue_indirect_dma source(%dma_start3A_73 : memref<10112x64xf32, #tpu.memory_space<vmem_shared>>) target(%dma_start3A_68 : memref<112x64xf32, #tpu.memory_space<vmem>>) offsets(%dma_start3A_70 : memref<112xi32, #tpu.memory_space<vmem>>) semaphore(%dma_start3A_75 : memref<!tpu.dma_semaphore, #tpu.memory_space<semaphore_mem>>)
    %dma_start3A_76 = arith.constant 1 : i32
    %dma_start3A_77 = arith.constant 1 : i32
    %dma_start3A_78 = arith.constant 0 : i32
    %dma_start3A_79 = arith.constant 0 : i32
    %dma_start3A_80 = tpu.memref_slice %arg11[%dma_start3A_76, %dma_start3A_78, %dma_start3A_79] : memref<4x112x64xf32, #tpu.memory_space<vmem>> -> memref<1x112x64xf32, #tpu.memory_space<vmem>>
    %dma_start3A_81 = tpu.memref_squeeze %dma_start3A_80 : memref<1x112x64xf32, #tpu.memory_space<vmem>> -> memref<112x64xf32, #tpu.memory_space<vmem>>
    %dma_start3A_82 = arith.constant 112 : i32
    %dma_start3A_83 = tpu.memref_slice %arg9[%dma_start3A_82] : memref<10000xi32, #tpu.memory_space<vmem>> -> memref<112xi32, #tpu.memory_space<vmem>>
    %dma_start3A_84 = arith.constant 0 : i32
    %dma_start3A_85 = arith.constant 0 : i32
    %dma_start3A_86 = tpu.memref_slice %arg8[%dma_start3A_84, %dma_start3A_85] : memref<10112x64xf32, #tpu.memory_space<vmem_shared>> -> memref<10112x64xf32, #tpu.memory_space<vmem_shared>>
    %dma_start3A_87 = tpu.memref_slice %arg12[%dma_start3A_77] : memref<4x!tpu.dma_semaphore, #tpu.memory_space<semaphore_mem>> -> memref<1x!tpu.dma_semaphore, #tpu.memory_space<semaphore_mem>>
    %dma_start3A_88 = tpu.memref_squeeze %dma_start3A_87 : memref<1x!tpu.dma_semaphore, #tpu.memory_space<semaphore_mem>> -> memref<!tpu.dma_semaphore, #tpu.memory_space<semaphore_mem>>
    tpu.enqueue_indirect_dma source(%dma_start3A_86 : memref<10112x64xf32, #tpu.memory_space<vmem_shared>>) target(%dma_start3A_81 : memref<112x64xf32, #tpu.memory_space<vmem>>) offsets(%dma_start3A_83 : memref<112xi32, #tpu.memory_space<vmem>>) semaphore(%dma_start3A_88 : memref<!tpu.dma_semaphore, #tpu.memory_space<semaphore_mem>>)
    %scan3A = arith.constant 0 : i32
    %scan3A_89 = arith.constant 0 : i32
    %scan3A_90 = arith.constant 89 : i32
    %scan3A_91 = arith.addi %scan3A_89, %scan3A_90 : i32
    %scan3A_92 = arith.constant 1 : i32
    %scan3A_93 = scf.for %scan3A_156 = %scan3A_89 to %scan3A_91 step %scan3A_92 iter_args(%scan3A_157 = %scan3A) -> (i32)  : i32 {
      %and3A = arith.constant 3 : i32
      %and3A_158 = arith.andi %scan3A_156, %and3A : i32
      %mul3A_159 = arith.constant 112 : i32
      %mul3A_160 = arith.muli %scan3A_156, %mul3A_159 : i32
      %dma_wait3A_161 = arith.constant 0 : i32
      %dma_wait3A_162 = arith.constant 0 : i32
      %dma_wait3A_163 = tpu.memref_slice %arg11[%and3A_158, %dma_wait3A_161, %dma_wait3A_162] : memref<4x112x64xf32, #tpu.memory_space<vmem>> -> memref<1x112x64xf32, #tpu.memory_space<vmem>>
      %dma_wait3A_164 = tpu.memref_squeeze %dma_wait3A_163 : memref<1x112x64xf32, #tpu.memory_space<vmem>> -> memref<112x64xf32, #tpu.memory_space<vmem>>
      %dma_wait3A_165 = tpu.memref_slice %arg9[%mul3A_160] : memref<10000xi32, #tpu.memory_space<vmem>> -> memref<112xi32, #tpu.memory_space<vmem>>
      %dma_wait3A_166 = arith.constant 0 : i32
      %dma_wait3A_167 = arith.constant 0 : i32
      %dma_wait3A_168 = tpu.memref_slice %arg8[%dma_wait3A_166, %dma_wait3A_167] : memref<10112x64xf32, #tpu.memory_space<vmem_shared>> -> memref<10112x64xf32, #tpu.memory_space<vmem_shared>>
      %dma_wait3A_169 = tpu.memref_slice %arg12[%and3A_158] : memref<4x!tpu.dma_semaphore, #tpu.memory_space<semaphore_mem>> -> memref<1x!tpu.dma_semaphore, #tpu.memory_space<semaphore_mem>>
      %dma_wait3A_170 = tpu.memref_squeeze %dma_wait3A_169 : memref<1x!tpu.dma_semaphore, #tpu.memory_space<semaphore_mem>> -> memref<!tpu.dma_semaphore, #tpu.memory_space<semaphore_mem>>
      tpu.wait_indirect_dma semaphore(%dma_wait3A_170 : memref<!tpu.dma_semaphore, #tpu.memory_space<semaphore_mem>>) src(%dma_wait3A_168 : memref<10112x64xf32, #tpu.memory_space<vmem_shared>>) dst(%dma_wait3A_164 : memref<112x64xf32, #tpu.memory_space<vmem>>)
      %mul3A_171 = arith.constant 112 : i32
      %mul3A_172 = arith.muli %scan3A_156, %mul3A_171 : i32
      %dma_start3A_173 = arith.constant 0 : i32
      %dma_start3A_174 = arith.constant 0 : i32
      %dma_start3A_175 = tpu.memref_slice %arg11[%and3A_158, %dma_start3A_173, %dma_start3A_174] : memref<4x112x64xf32, #tpu.memory_space<vmem>> -> memref<1x112x64xf32, #tpu.memory_space<vmem>>
      %dma_start3A_176 = tpu.memref_squeeze %dma_start3A_175 : memref<1x112x64xf32, #tpu.memory_space<vmem>> -> memref<112x64xf32, #tpu.memory_space<vmem>>
      %dma_start3A_177 = tpu.memref_slice %arg10[%mul3A_172] : memref<10000xi32, #tpu.memory_space<vmem>> -> memref<112xi32, #tpu.memory_space<vmem>>
      %dma_start3A_178 = arith.constant 0 : i32
      %dma_start3A_179 = arith.constant 0 : i32
      %dma_start3A_180 = tpu.memref_slice %arg7[%dma_start3A_178, %dma_start3A_179] : memref<10112x64xf32, #tpu.memory_space<vmem_shared>> -> memref<10112x64xf32, #tpu.memory_space<vmem_shared>>
      %dma_start3A_181 = tpu.memref_slice %arg13[%and3A_158] : memref<4x!tpu.dma_semaphore, #tpu.memory_space<semaphore_mem>> -> memref<1x!tpu.dma_semaphore, #tpu.memory_space<semaphore_mem>>
      %dma_start3A_182 = tpu.memref_squeeze %dma_start3A_181 : memref<1x!tpu.dma_semaphore, #tpu.memory_space<semaphore_mem>> -> memref<!tpu.dma_semaphore, #tpu.memory_space<semaphore_mem>>
      tpu.enqueue_indirect_dma source(%dma_start3A_176 : memref<112x64xf32, #tpu.memory_space<vmem>>) target(%dma_start3A_180 : memref<10112x64xf32, #tpu.memory_space<vmem_shared>>) offsets(%dma_start3A_177 : memref<112xi32, #tpu.memory_space<vmem>>) semaphore(%dma_start3A_182 : memref<!tpu.dma_semaphore, #tpu.memory_space<semaphore_mem>>) {add = true}
      %add3A_183 = arith.constant 2 : i32
      %add3A_184 = arith.addi %scan3A_156, %add3A_183 : i32
      %lt3A = arith.constant 89 : i32
      %lt3A_185 = arith.cmpi slt, %add3A_184, %lt3A : i32
      %convert_element_type3A_186 = arith.extui %lt3A_185 : i1 to i32
      %cond3A_187 = arith.constant 0 : i32
      %cond3A_188 = arith.cmpi ne, %convert_element_type3A_186, %cond3A_187 : i32
      scf.if %cond3A_188 {
        %add3A_190 = arith.constant 2 : i32
        %add3A_191 = arith.addi %scan3A_156, %add3A_190 : i32
        %and3A_192 = arith.constant 3 : i32
        %and3A_193 = arith.andi %add3A_191, %and3A_192 : i32
        %ge3A = arith.constant 2 : i32
        %ge3A_194 = arith.cmpi sge, %scan3A_156, %ge3A : i32
        %convert_element_type3A_195 = arith.extui %ge3A_194 : i1 to i32
        %cond3A_196 = arith.constant 0 : i32
        %cond3A_197 = arith.cmpi ne, %convert_element_type3A_195, %cond3A_196 : i32
        scf.if %cond3A_197 {
          %sub3A = arith.constant 2 : i32
          %sub3A_212 = arith.subi %scan3A_156, %sub3A : i32
          %mul3A_213 = arith.constant 112 : i32
          %mul3A_214 = arith.muli %sub3A_212, %mul3A_213 : i32
          %dma_wait3A_215 = arith.constant 0 : i32
          %dma_wait3A_216 = arith.constant 0 : i32
          %dma_wait3A_217 = tpu.memref_slice %arg11[%and3A_193, %dma_wait3A_215, %dma_wait3A_216] : memref<4x112x64xf32, #tpu.memory_space<vmem>> -> memref<1x112x64xf32, #tpu.memory_space<vmem>>
          %dma_wait3A_218 = tpu.memref_squeeze %dma_wait3A_217 : memref<1x112x64xf32, #tpu.memory_space<vmem>> -> memref<112x64xf32, #tpu.memory_space<vmem>>
          %dma_wait3A_219 = tpu.memref_slice %arg10[%mul3A_214] : memref<10000xi32, #tpu.memory_space<vmem>> -> memref<112xi32, #tpu.memory_space<vmem>>
          %dma_wait3A_220 = arith.constant 0 : i32
          %dma_wait3A_221 = arith.constant 0 : i32
          %dma_wait3A_222 = tpu.memref_slice %arg7[%dma_wait3A_220, %dma_wait3A_221] : memref<10112x64xf32, #tpu.memory_space<vmem_shared>> -> memref<10112x64xf32, #tpu.memory_space<vmem_shared>>
          %dma_wait3A_223 = tpu.memref_slice %arg13[%and3A_193] : memref<4x!tpu.dma_semaphore, #tpu.memory_space<semaphore_mem>> -> memref<1x!tpu.dma_semaphore, #tpu.memory_space<semaphore_mem>>
          %dma_wait3A_224 = tpu.memref_squeeze %dma_wait3A_223 : memref<1x!tpu.dma_semaphore, #tpu.memory_space<semaphore_mem>> -> memref<!tpu.dma_semaphore, #tpu.memory_space<semaphore_mem>>
          tpu.wait_indirect_dma semaphore(%dma_wait3A_224 : memref<!tpu.dma_semaphore, #tpu.memory_space<semaphore_mem>>) src(%dma_wait3A_218 : memref<112x64xf32, #tpu.memory_space<vmem>>) dst(%dma_wait3A_222 : memref<10112x64xf32, #tpu.memory_space<vmem_shared>>)
        } else {
        }
        %add3A_198 = arith.constant 2 : i32
        %add3A_199 = arith.addi %scan3A_156, %add3A_198 : i32
        %mul3A_200 = arith.constant 112 : i32
        %mul3A_201 = arith.muli %add3A_199, %mul3A_200 : i32
        %dma_start3A_202 = arith.constant 0 : i32
        %dma_start3A_203 = arith.constant 0 : i32
        %dma_start3A_204 = tpu.memref_slice %arg11[%and3A_193, %dma_start3A_202, %dma_start3A_203] : memref<4x112x64xf32, #tpu.memory_space<vmem>> -> memref<1x112x64xf32, #tpu.memory_space<vmem>>
        %dma_start3A_205 = tpu.memref_squeeze %dma_start3A_204 : memref<1x112x64xf32, #tpu.memory_space<vmem>> -> memref<112x64xf32, #tpu.memory_space<vmem>>
        %dma_start3A_206 = tpu.memref_slice %arg9[%mul3A_201] : memref<10000xi32, #tpu.memory_space<vmem>> -> memref<112xi32, #tpu.memory_space<vmem>>
        %dma_start3A_207 = arith.constant 0 : i32
        %dma_start3A_208 = arith.constant 0 : i32
        %dma_start3A_209 = tpu.memref_slice %arg8[%dma_start3A_207, %dma_start3A_208] : memref<10112x64xf32, #tpu.memory_space<vmem_shared>> -> memref<10112x64xf32, #tpu.memory_space<vmem_shared>>
        %dma_start3A_210 = tpu.memref_slice %arg12[%and3A_193] : memref<4x!tpu.dma_semaphore, #tpu.memory_space<semaphore_mem>> -> memref<1x!tpu.dma_semaphore, #tpu.memory_space<semaphore_mem>>
        %dma_start3A_211 = tpu.memref_squeeze %dma_start3A_210 : memref<1x!tpu.dma_semaphore, #tpu.memory_space<semaphore_mem>> -> memref<!tpu.dma_semaphore, #tpu.memory_space<semaphore_mem>>
        tpu.enqueue_indirect_dma source(%dma_start3A_209 : memref<10112x64xf32, #tpu.memory_space<vmem_shared>>) target(%dma_start3A_205 : memref<112x64xf32, #tpu.memory_space<vmem>>) offsets(%dma_start3A_206 : memref<112xi32, #tpu.memory_space<vmem>>) semaphore(%dma_start3A_211 : memref<!tpu.dma_semaphore, #tpu.memory_space<semaphore_mem>>)
      } else {
      }
      %scan3A_189 = arith.constant 0 : i32
      scf.yield %scan3A_189 : i32
    }
    %scan3A_94 = arith.constant 89 : i32
    %dma_wait3A_95 = arith.constant 1 : i32
    %dma_wait3A_96 = arith.constant 1 : i32
    %dma_wait3A_97 = arith.constant 0 : i32
    %dma_wait3A_98 = arith.constant 0 : i32
    %dma_wait3A_99 = tpu.memref_slice %arg11[%dma_wait3A_95, %dma_wait3A_97, %dma_wait3A_98] : memref<4x112x64xf32, #tpu.memory_space<vmem>> -> memref<1x112x64xf32, #tpu.memory_space<vmem>>
    %dma_wait3A_100 = tpu.memref_squeeze %dma_wait3A_99 : memref<1x112x64xf32, #tpu.memory_space<vmem>> -> memref<112x64xf32, #tpu.memory_space<vmem>>
    %dma_wait3A_101 = arith.constant 9520 : i32
    %dma_wait3A_102 = tpu.memref_slice %arg10[%dma_wait3A_101] : memref<10000xi32, #tpu.memory_space<vmem>> -> memref<112xi32, #tpu.memory_space<vmem>>
    %dma_wait3A_103 = arith.constant 0 : i32
    %dma_wait3A_104 = arith.constant 0 : i32
    %dma_wait3A_105 = tpu.memref_slice %arg7[%dma_wait3A_103, %dma_wait3A_104] : memref<10112x64xf32, #tpu.memory_space<vmem_shared>> -> memref<10112x64xf32, #tpu.memory_space<vmem_shared>>
    %dma_wait3A_106 = tpu.memref_slice %arg13[%dma_wait3A_96] : memref<4x!tpu.dma_semaphore, #tpu.memory_space<semaphore_mem>> -> memref<1x!tpu.dma_semaphore, #tpu.memory_space<semaphore_mem>>
    %dma_wait3A_107 = tpu.memref_squeeze %dma_wait3A_106 : memref<1x!tpu.dma_semaphore, #tpu.memory_space<semaphore_mem>> -> memref<!tpu.dma_semaphore, #tpu.memory_space<semaphore_mem>>
    tpu.wait_indirect_dma semaphore(%dma_wait3A_107 : memref<!tpu.dma_semaphore, #tpu.memory_space<semaphore_mem>>) src(%dma_wait3A_100 : memref<112x64xf32, #tpu.memory_space<vmem>>) dst(%dma_wait3A_105 : memref<10112x64xf32, #tpu.memory_space<vmem_shared>>)
    %dma_wait3A_108 = arith.constant 2 : i32
    %dma_wait3A_109 = arith.constant 2 : i32
    %dma_wait3A_110 = arith.constant 0 : i32
    %dma_wait3A_111 = arith.constant 0 : i32
    %dma_wait3A_112 = tpu.memref_slice %arg11[%dma_wait3A_108, %dma_wait3A_110, %dma_wait3A_111] : memref<4x112x64xf32, #tpu.memory_space<vmem>> -> memref<1x112x64xf32, #tpu.memory_space<vmem>>
    %dma_wait3A_113 = tpu.memref_squeeze %dma_wait3A_112 : memref<1x112x64xf32, #tpu.memory_space<vmem>> -> memref<112x64xf32, #tpu.memory_space<vmem>>
    %dma_wait3A_114 = arith.constant 9632 : i32
    %dma_wait3A_115 = tpu.memref_slice %arg10[%dma_wait3A_114] : memref<10000xi32, #tpu.memory_space<vmem>> -> memref<112xi32, #tpu.memory_space<vmem>>
    %dma_wait3A_116 = arith.constant 0 : i32
    %dma_wait3A_117 = arith.constant 0 : i32
    %dma_wait3A_118 = tpu.memref_slice %arg7[%dma_wait3A_116, %dma_wait3A_117] : memref<10112x64xf32, #tpu.memory_space<vmem_shared>> -> memref<10112x64xf32, #tpu.memory_space<vmem_shared>>
    %dma_wait3A_119 = tpu.memref_slice %arg13[%dma_wait3A_109] : memref<4x!tpu.dma_semaphore, #tpu.memory_space<semaphore_mem>> -> memref<1x!tpu.dma_semaphore, #tpu.memory_space<semaphore_mem>>
    %dma_wait3A_120 = tpu.memref_squeeze %dma_wait3A_119 : memref<1x!tpu.dma_semaphore, #tpu.memory_space<semaphore_mem>> -> memref<!tpu.dma_semaphore, #tpu.memory_space<semaphore_mem>>
    tpu.wait_indirect_dma semaphore(%dma_wait3A_120 : memref<!tpu.dma_semaphore, #tpu.memory_space<semaphore_mem>>) src(%dma_wait3A_113 : memref<112x64xf32, #tpu.memory_space<vmem>>) dst(%dma_wait3A_118 : memref<10112x64xf32, #tpu.memory_space<vmem_shared>>)
    %dma_wait3A_121 = arith.constant 3 : i32
    %dma_wait3A_122 = arith.constant 3 : i32
    %dma_wait3A_123 = arith.constant 0 : i32
    %dma_wait3A_124 = arith.constant 0 : i32
    %dma_wait3A_125 = tpu.memref_slice %arg11[%dma_wait3A_121, %dma_wait3A_123, %dma_wait3A_124] : memref<4x112x64xf32, #tpu.memory_space<vmem>> -> memref<1x112x64xf32, #tpu.memory_space<vmem>>
    %dma_wait3A_126 = tpu.memref_squeeze %dma_wait3A_125 : memref<1x112x64xf32, #tpu.memory_space<vmem>> -> memref<112x64xf32, #tpu.memory_space<vmem>>
    %dma_wait3A_127 = arith.constant 9744 : i32
    %dma_wait3A_128 = tpu.memref_slice %arg10[%dma_wait3A_127] : memref<10000xi32, #tpu.memory_space<vmem>> -> memref<112xi32, #tpu.memory_space<vmem>>
    %dma_wait3A_129 = arith.constant 0 : i32
    %dma_wait3A_130 = arith.constant 0 : i32
    %dma_wait3A_131 = tpu.memref_slice %arg7[%dma_wait3A_129, %dma_wait3A_130] : memref<10112x64xf32, #tpu.memory_space<vmem_shared>> -> memref<10112x64xf32, #tpu.memory_space<vmem_shared>>
    %dma_wait3A_132 = tpu.memref_slice %arg13[%dma_wait3A_122] : memref<4x!tpu.dma_semaphore, #tpu.memory_space<semaphore_mem>> -> memref<1x!tpu.dma_semaphore, #tpu.memory_space<semaphore_mem>>
    %dma_wait3A_133 = tpu.memref_squeeze %dma_wait3A_132 : memref<1x!tpu.dma_semaphore, #tpu.memory_space<semaphore_mem>> -> memref<!tpu.dma_semaphore, #tpu.memory_space<semaphore_mem>>
    tpu.wait_indirect_dma semaphore(%dma_wait3A_133 : memref<!tpu.dma_semaphore, #tpu.memory_space<semaphore_mem>>) src(%dma_wait3A_126 : memref<112x64xf32, #tpu.memory_space<vmem>>) dst(%dma_wait3A_131 : memref<10112x64xf32, #tpu.memory_space<vmem_shared>>)
    %dma_wait3A_134 = arith.constant 0 : i32
    %dma_wait3A_135 = arith.constant 0 : i32
    %dma_wait3A_136 = arith.constant 0 : i32
    %dma_wait3A_137 = arith.constant 0 : i32
    %dma_wait3A_138 = tpu.memref_slice %arg11[%dma_wait3A_134, %dma_wait3A_136, %dma_wait3A_137] : memref<4x112x64xf32, #tpu.memory_space<vmem>> -> memref<1x112x64xf32, #tpu.memory_space<vmem>>
    %dma_wait3A_139 = tpu.memref_squeeze %dma_wait3A_138 : memref<1x112x64xf32, #tpu.memory_space<vmem>> -> memref<112x64xf32, #tpu.memory_space<vmem>>
    %dma_wait3A_140 = arith.constant 9856 : i32
    %dma_wait3A_141 = tpu.memref_slice %arg10[%dma_wait3A_140] : memref<10000xi32, #tpu.memory_space<vmem>> -> memref<112xi32, #tpu.memory_space<vmem>>
    %dma_wait3A_142 = arith.constant 0 : i32
    %dma_wait3A_143 = arith.constant 0 : i32
    %dma_wait3A_144 = tpu.memref_slice %arg7[%dma_wait3A_142, %dma_wait3A_143] : memref<10112x64xf32, #tpu.memory_space<vmem_shared>> -> memref<10112x64xf32, #tpu.memory_space<vmem_shared>>
    %dma_wait3A_145 = tpu.memref_slice %arg13[%dma_wait3A_135] : memref<4x!tpu.dma_semaphore, #tpu.memory_space<semaphore_mem>> -> memref<1x!tpu.dma_semaphore, #tpu.memory_space<semaphore_mem>>
    %dma_wait3A_146 = tpu.memref_squeeze %dma_wait3A_145 : memref<1x!tpu.dma_semaphore, #tpu.memory_space<semaphore_mem>> -> memref<!tpu.dma_semaphore, #tpu.memory_space<semaphore_mem>>
    tpu.wait_indirect_dma semaphore(%dma_wait3A_146 : memref<!tpu.dma_semaphore, #tpu.memory_space<semaphore_mem>>) src(%dma_wait3A_139 : memref<112x64xf32, #tpu.memory_space<vmem>>) dst(%dma_wait3A_144 : memref<10112x64xf32, #tpu.memory_space<vmem_shared>>)
    %run_scoped3A = arith.constant 0 : i32
    "tpu.region"() ({
      %run_scoped3A_156 = tpu.sem_alloc : memref<!tpu.dma_semaphore, #tpu.memory_space<semaphore_mem>>
      %dma_start3A_157 = arith.constant 0 : i32
      %dma_start3A_158 = arith.constant 0 : i32
      %dma_start3A_159 = tpu.memref_slice %arg11[%run_scoped3A, %dma_start3A_157, %dma_start3A_158] : memref<4x112x64xf32, #tpu.memory_space<vmem>> -> memref<1x32x64xf32, #tpu.memory_space<vmem>>
      %dma_start3A_160 = tpu.memref_squeeze %dma_start3A_159 : memref<1x32x64xf32, #tpu.memory_space<vmem>> -> memref<32x64xf32, #tpu.memory_space<vmem>>
      %dma_start3A_161 = arith.constant 9968 : i32
      %dma_start3A_162 = tpu.memref_slice %arg9[%dma_start3A_161] : memref<10000xi32, #tpu.memory_space<vmem>> -> memref<32xi32, #tpu.memory_space<vmem>>
      %dma_start3A_163 = arith.constant 0 : i32
      %dma_start3A_164 = arith.constant 0 : i32
      %dma_start3A_165 = tpu.memref_slice %arg8[%dma_start3A_163, %dma_start3A_164] : memref<10112x64xf32, #tpu.memory_space<vmem_shared>> -> memref<10112x64xf32, #tpu.memory_space<vmem_shared>>
      tpu.enqueue_indirect_dma source(%dma_start3A_165 : memref<10112x64xf32, #tpu.memory_space<vmem_shared>>) target(%dma_start3A_160 : memref<32x64xf32, #tpu.memory_space<vmem>>) offsets(%dma_start3A_162 : memref<32xi32, #tpu.memory_space<vmem>>) semaphore(%run_scoped3A_156 : memref<!tpu.dma_semaphore, #tpu.memory_space<semaphore_mem>>)
      %dma_wait3A_166 = arith.constant 0 : i32
      %dma_wait3A_167 = arith.constant 0 : i32
      %dma_wait3A_168 = tpu.memref_slice %arg11[%run_scoped3A, %dma_wait3A_166, %dma_wait3A_167] : memref<4x112x64xf32, #tpu.memory_space<vmem>> -> memref<1x32x64xf32, #tpu.memory_space<vmem>>
      %dma_wait3A_169 = tpu.memref_squeeze %dma_wait3A_168 : memref<1x32x64xf32, #tpu.memory_space<vmem>> -> memref<32x64xf32, #tpu.memory_space<vmem>>
      %dma_wait3A_170 = arith.constant 9968 : i32
      %dma_wait3A_171 = tpu.memref_slice %arg9[%dma_wait3A_170] : memref<10000xi32, #tpu.memory_space<vmem>> -> memref<32xi32, #tpu.memory_space<vmem>>
      %dma_wait3A_172 = arith.constant 0 : i32
      %dma_wait3A_173 = arith.constant 0 : i32
      %dma_wait3A_174 = tpu.memref_slice %arg8[%dma_wait3A_172, %dma_wait3A_173] : memref<10112x64xf32, #tpu.memory_space<vmem_shared>> -> memref<10112x64xf32, #tpu.memory_space<vmem_shared>>
      tpu.wait_indirect_dma semaphore(%run_scoped3A_156 : memref<!tpu.dma_semaphore, #tpu.memory_space<semaphore_mem>>) src(%dma_wait3A_174 : memref<10112x64xf32, #tpu.memory_space<vmem_shared>>) dst(%dma_wait3A_169 : memref<32x64xf32, #tpu.memory_space<vmem>>)
      tpu.yield
    }) : () -> ()
    %run_scoped3A_147 = arith.constant 0 : i32
    "tpu.region"() ({
      %run_scoped3A_156 = tpu.sem_alloc : memref<!tpu.dma_semaphore, #tpu.memory_space<semaphore_mem>>
      %dma_start3A_157 = arith.constant 0 : i32
      %dma_start3A_158 = arith.constant 0 : i32
      %dma_start3A_159 = tpu.memref_slice %arg11[%run_scoped3A_147, %dma_start3A_157, %dma_start3A_158] : memref<4x112x64xf32, #tpu.memory_space<vmem>> -> memref<1x32x64xf32, #tpu.memory_space<vmem>>
      %dma_start3A_160 = tpu.memref_squeeze %dma_start3A_159 : memref<1x32x64xf32, #tpu.memory_space<vmem>> -> memref<32x64xf32, #tpu.memory_space<vmem>>
      %dma_start3A_161 = arith.constant 9968 : i32
      %dma_start3A_162 = tpu.memref_slice %arg10[%dma_start3A_161] : memref<10000xi32, #tpu.memory_space<vmem>> -> memref<32xi32, #tpu.memory_space<vmem>>
      %dma_start3A_163 = arith.constant 0 : i32
      %dma_start3A_164 = arith.constant 0 : i32
      %dma_start3A_165 = tpu.memref_slice %arg7[%dma_start3A_163, %dma_start3A_164] : memref<10112x64xf32, #tpu.memory_space<vmem_shared>> -> memref<10112x64xf32, #tpu.memory_space<vmem_shared>>
      tpu.enqueue_indirect_dma source(%dma_start3A_160 : memref<32x64xf32, #tpu.memory_space<vmem>>) target(%dma_start3A_165 : memref<10112x64xf32, #tpu.memory_space<vmem_shared>>) offsets(%dma_start3A_162 : memref<32xi32, #tpu.memory_space<vmem>>) semaphore(%run_scoped3A_156 : memref<!tpu.dma_semaphore, #tpu.memory_space<semaphore_mem>>) {add = true}
      %dma_wait3A_166 = arith.constant 0 : i32
      %dma_wait3A_167 = arith.constant 0 : i32
      %dma_wait3A_168 = tpu.memref_slice %arg11[%run_scoped3A_147, %dma_wait3A_166, %dma_wait3A_167] : memref<4x112x64xf32, #tpu.memory_space<vmem>> -> memref<1x32x64xf32, #tpu.memory_space<vmem>>
      %dma_wait3A_169 = tpu.memref_squeeze %dma_wait3A_168 : memref<1x32x64xf32, #tpu.memory_space<vmem>> -> memref<32x64xf32, #tpu.memory_space<vmem>>
      %dma_wait3A_170 = arith.constant 9968 : i32
      %dma_wait3A_171 = tpu.memref_slice %arg10[%dma_wait3A_170] : memref<10000xi32, #tpu.memory_space<vmem>> -> memref<32xi32, #tpu.memory_space<vmem>>
      %dma_wait3A_172 = arith.constant 0 : i32
      %dma_wait3A_173 = arith.constant 0 : i32
      %dma_wait3A_174 = tpu.memref_slice %arg7[%dma_wait3A_172, %dma_wait3A_173] : memref<10112x64xf32, #tpu.memory_space<vmem_shared>> -> memref<10112x64xf32, #tpu.memory_space<vmem_shared>>
      tpu.wait_indirect_dma semaphore(%run_scoped3A_156 : memref<!tpu.dma_semaphore, #tpu.memory_space<semaphore_mem>>) src(%dma_wait3A_169 : memref<32x64xf32, #tpu.memory_space<vmem>>) dst(%dma_wait3A_174 : memref<10112x64xf32, #tpu.memory_space<vmem_shared>>)
      tpu.yield
    }) : () -> ()
    %barrier3A_148 = arith.constant 0 : index
    tpu.barrier barrier_id(%barrier3A_148)
    %eq3A = arith.constant 0 : i32
    %eq3A_149 = arith.cmpi eq, %arg0, %eq3A : i32
    %convert_element_type3A = arith.extui %eq3A_149 : i1 to i32
    %cond3A = arith.constant 0 : i32
    %cond3A_150 = arith.cmpi ne, %convert_element_type3A, %cond3A : i32
    scf.if %cond3A_150 {
      "tpu.region"() ({
        %run_scoped3A_156 = tpu.sem_alloc : memref<!tpu.dma_semaphore, #tpu.memory_space<semaphore_mem>>
        %dma_start3A_157 = arith.constant 0 : i32
        %dma_start3A_158 = tpu.memref_slice %arg5[%mul3A_2, %dma_start3A_157] : memref<10112x64xf32, #tpu.memory_space<hbm>> -> memref<632x64xf32, #tpu.memory_space<hbm>>
        %dma_start3A_159 = arith.constant 0 : i32
        %dma_start3A_160 = tpu.memref_slice %arg7[%mul3A_2, %dma_start3A_159] : memref<10112x64xf32, #tpu.memory_space<vmem_shared>> -> memref<632x64xf32, #tpu.memory_space<vmem_shared>>
        tpu.enqueue_dma source(%dma_start3A_160 : memref<632x64xf32, #tpu.memory_space<vmem_shared>>) target(%dma_start3A_158 : memref<632x64xf32, #tpu.memory_space<hbm>>) target_semaphore(%run_scoped3A_156 : memref<!tpu.dma_semaphore, #tpu.memory_space<semaphore_mem>>)
        %dma_wait3A_161 = arith.constant 0 : i32
        %dma_wait3A_162 = tpu.memref_slice %arg5[%mul3A_2, %dma_wait3A_161] : memref<10112x64xf32, #tpu.memory_space<hbm>> -> memref<632x64xf32, #tpu.memory_space<hbm>>
        %dma_wait3A_163 = arith.constant 0 : i32
        %dma_wait3A_164 = tpu.memref_slice %arg7[%mul3A_2, %dma_wait3A_163] : memref<10112x64xf32, #tpu.memory_space<vmem_shared>> -> memref<632x64xf32, #tpu.memory_space<vmem_shared>>
        tpu.wait_dma2 semaphore(%run_scoped3A_156 : memref<!tpu.dma_semaphore, #tpu.memory_space<semaphore_mem>>) src(%dma_wait3A_164 : memref<632x64xf32, #tpu.memory_space<vmem_shared>>) dst(%dma_wait3A_162 : memref<632x64xf32, #tpu.memory_space<hbm>>)
        tpu.yield
      }) : () -> ()
    } else {
    }
    %eq3A_151 = arith.constant 1 : i32
    %eq3A_152 = arith.cmpi eq, %arg0, %eq3A_151 : i32
    %convert_element_type3A_153 = arith.extui %eq3A_152 : i1 to i32
    %cond3A_154 = arith.constant 0 : i32
    %cond3A_155 = arith.cmpi ne, %convert_element_type3A_153, %cond3A_154 : i32
    scf.if %cond3A_155 {
      "tpu.region"() ({
        %run_scoped3A_156 = tpu.sem_alloc : memref<!tpu.dma_semaphore, #tpu.memory_space<semaphore_mem>>
        %dma_start3A_157 = arith.constant 0 : i32
        %dma_start3A_158 = tpu.memref_slice %arg6[%mul3A_2, %dma_start3A_157] : memref<10112x64xf32, #tpu.memory_space<hbm>> -> memref<632x64xf32, #tpu.memory_space<hbm>>
        %dma_start3A_159 = arith.constant 0 : i32
        %dma_start3A_160 = tpu.memref_slice %arg7[%mul3A_2, %dma_start3A_159] : memref<10112x64xf32, #tpu.memory_space<vmem_shared>> -> memref<632x64xf32, #tpu.memory_space<vmem_shared>>
        tpu.enqueue_dma source(%dma_start3A_160 : memref<632x64xf32, #tpu.memory_space<vmem_shared>>) target(%dma_start3A_158 : memref<632x64xf32, #tpu.memory_space<hbm>>) target_semaphore(%run_scoped3A_156 : memref<!tpu.dma_semaphore, #tpu.memory_space<semaphore_mem>>)
        %dma_wait3A_161 = arith.constant 0 : i32
        %dma_wait3A_162 = tpu.memref_slice %arg6[%mul3A_2, %dma_wait3A_161] : memref<10112x64xf32, #tpu.memory_space<hbm>> -> memref<632x64xf32, #tpu.memory_space<hbm>>
        %dma_wait3A_163 = arith.constant 0 : i32
        %dma_wait3A_164 = tpu.memref_slice %arg7[%mul3A_2, %dma_wait3A_163] : memref<10112x64xf32, #tpu.memory_space<vmem_shared>> -> memref<632x64xf32, #tpu.memory_space<vmem_shared>>
        tpu.wait_dma2 semaphore(%run_scoped3A_156 : memref<!tpu.dma_semaphore, #tpu.memory_space<semaphore_mem>>) src(%dma_wait3A_164 : memref<632x64xf32, #tpu.memory_space<vmem_shared>>) dst(%dma_wait3A_162 : memref<632x64xf32, #tpu.memory_space<hbm>>)
        tpu.yield
      }) : () -> ()
    } else {
    }
    return
  }
}

#map = affine_map<(d0, d1) -> (0, 0)>
module attributes {stable_mosaic.version = 14 : i64} {
  func.func @_deg_sc(%arg0: i32, %arg1: i32, %arg2: memref<2x320000xi32, #tpu.memory_space<hbm>>, %arg3: memref<10112x16xf32, #tpu.memory_space<hbm>>, %arg4: memref<112x16xf32, #tpu.memory_space<hbm>>, %arg5: memref<10112x16xf32, #tpu.memory_space<hbm>>, %arg6: memref<10112x16xf32, #tpu.memory_space<hbm>>, %arg7: memref<10112x16xf32, #tpu.memory_space<vmem_shared>>, %arg8: memref<10000xi32, #tpu.memory_space<vmem>>, %arg9: memref<112x16xf32, #tpu.memory_space<vmem>>) attributes {dimension_semantics = [#tpu.dimension_semantics<core_parallel>, #tpu.dimension_semantics<subcore_parallel>], iteration_bounds = array<i64: 2, 16>, scalar_prefetch = 0 : i64, scratch_operands = 3 : i64, tpu.core_type = #tpu.core_type<sc_vector_subcore>, window_params = [{transform_indices = #map}, {transform_indices = #map}, {transform_indices = #map}, {transform_indices = #map}, {transform_indices = #map}]} {
    %mul3A = arith.constant 16 : i32
    %mul3A_0 = arith.muli %arg0, %mul3A : i32
    %add3A = arith.addi %mul3A_0, %arg1 : i32
    %mul3A_1 = arith.constant 632 : i32
    %mul3A_2 = arith.muli %arg1, %mul3A_1 : i32
    "tpu.region"() ({
      %run_scoped3A_19 = tpu.sem_alloc : memref<!tpu.dma_semaphore, #tpu.memory_space<semaphore_mem>>
      %dma_start3A = arith.constant 0 : i32
      %dma_start3A_20 = tpu.memref_slice %arg7[%mul3A_2, %dma_start3A] : memref<10112x16xf32, #tpu.memory_space<vmem_shared>> -> memref<632x16xf32, #tpu.memory_space<vmem_shared>>
      %dma_start3A_21 = arith.constant 0 : i32
      %dma_start3A_22 = tpu.memref_slice %arg3[%mul3A_2, %dma_start3A_21] : memref<10112x16xf32, #tpu.memory_space<hbm>> -> memref<632x16xf32, #tpu.memory_space<hbm>>
      tpu.enqueue_dma source(%dma_start3A_22 : memref<632x16xf32, #tpu.memory_space<hbm>>) target(%dma_start3A_20 : memref<632x16xf32, #tpu.memory_space<vmem_shared>>) target_semaphore(%run_scoped3A_19 : memref<!tpu.dma_semaphore, #tpu.memory_space<semaphore_mem>>)
      %dma_wait3A = arith.constant 0 : i32
      %dma_wait3A_23 = tpu.memref_slice %arg7[%mul3A_2, %dma_wait3A] : memref<10112x16xf32, #tpu.memory_space<vmem_shared>> -> memref<632x16xf32, #tpu.memory_space<vmem_shared>>
      %dma_wait3A_24 = arith.constant 0 : i32
      %dma_wait3A_25 = tpu.memref_slice %arg3[%mul3A_2, %dma_wait3A_24] : memref<10112x16xf32, #tpu.memory_space<hbm>> -> memref<632x16xf32, #tpu.memory_space<hbm>>
      tpu.wait_dma2 semaphore(%run_scoped3A_19 : memref<!tpu.dma_semaphore, #tpu.memory_space<semaphore_mem>>) src(%dma_wait3A_25 : memref<632x16xf32, #tpu.memory_space<hbm>>) dst(%dma_wait3A_23 : memref<632x16xf32, #tpu.memory_space<vmem_shared>>)
      tpu.yield
    }) : () -> ()
    "tpu.region"() ({
      %run_scoped3A_19 = tpu.sem_alloc : memref<!tpu.dma_semaphore, #tpu.memory_space<semaphore_mem>>
      tpu.enqueue_dma source(%arg4 : memref<112x16xf32, #tpu.memory_space<hbm>>) target(%arg9 : memref<112x16xf32, #tpu.memory_space<vmem>>) target_semaphore(%run_scoped3A_19 : memref<!tpu.dma_semaphore, #tpu.memory_space<semaphore_mem>>)
      tpu.wait_dma2 semaphore(%run_scoped3A_19 : memref<!tpu.dma_semaphore, #tpu.memory_space<semaphore_mem>>) src(%arg4 : memref<112x16xf32, #tpu.memory_space<hbm>>) dst(%arg9 : memref<112x16xf32, #tpu.memory_space<vmem>>)
      tpu.yield
    }) : () -> ()
    %mul3A_3 = arith.constant 10000 : i32
    %mul3A_4 = arith.muli %add3A, %mul3A_3 : i32
    %run_scoped3A = arith.constant 1 : i32
    "tpu.region"() ({
      %run_scoped3A_19 = tpu.sem_alloc : memref<!tpu.dma_semaphore, #tpu.memory_space<semaphore_mem>>
      %dma_start3A = tpu.memref_slice %arg2[%run_scoped3A, %mul3A_4] : memref<2x320000xi32, #tpu.memory_space<hbm>> -> memref<1x10000xi32, #tpu.memory_space<hbm>>
      %dma_start3A_20 = tpu.memref_squeeze %dma_start3A : memref<1x10000xi32, #tpu.memory_space<hbm>> -> memref<10000xi32, #tpu.memory_space<hbm>>
      %dma_start3A_21 = tpu.memref_slice %arg2[%run_scoped3A, %mul3A_4] : memref<2x320000xi32, #tpu.memory_space<hbm>> -> memref<1x10000xi32, #tpu.memory_space<hbm>>
      %dma_start3A_22 = tpu.memref_squeeze %dma_start3A_21 : memref<1x10000xi32, #tpu.memory_space<hbm>> -> memref<10000xi32, #tpu.memory_space<hbm>>
      tpu.enqueue_dma source(%dma_start3A_22 : memref<10000xi32, #tpu.memory_space<hbm>>) target(%arg8 : memref<10000xi32, #tpu.memory_space<vmem>>) target_semaphore(%run_scoped3A_19 : memref<!tpu.dma_semaphore, #tpu.memory_space<semaphore_mem>>)
      %dma_wait3A = tpu.memref_slice %arg2[%run_scoped3A, %mul3A_4] : memref<2x320000xi32, #tpu.memory_space<hbm>> -> memref<1x10000xi32, #tpu.memory_space<hbm>>
      %dma_wait3A_23 = tpu.memref_squeeze %dma_wait3A : memref<1x10000xi32, #tpu.memory_space<hbm>> -> memref<10000xi32, #tpu.memory_space<hbm>>
      %dma_wait3A_24 = tpu.memref_slice %arg2[%run_scoped3A, %mul3A_4] : memref<2x320000xi32, #tpu.memory_space<hbm>> -> memref<1x10000xi32, #tpu.memory_space<hbm>>
      %dma_wait3A_25 = tpu.memref_squeeze %dma_wait3A_24 : memref<1x10000xi32, #tpu.memory_space<hbm>> -> memref<10000xi32, #tpu.memory_space<hbm>>
      tpu.wait_dma2 semaphore(%run_scoped3A_19 : memref<!tpu.dma_semaphore, #tpu.memory_space<semaphore_mem>>) src(%dma_wait3A_25 : memref<10000xi32, #tpu.memory_space<hbm>>) dst(%arg8 : memref<10000xi32, #tpu.memory_space<vmem>>)
      tpu.yield
    }) : () -> ()
    %barrier3A = arith.constant 0 : index
    tpu.barrier barrier_id(%barrier3A)
    %scan3A = arith.constant 0 : i32
    %scan3A_5 = arith.constant 0 : i32
    %scan3A_6 = arith.constant 89 : i32
    %scan3A_7 = arith.addi %scan3A_5, %scan3A_6 : i32
    %scan3A_8 = arith.constant 1 : i32
    %scan3A_9 = scf.for %scan3A_19 = %scan3A_5 to %scan3A_7 step %scan3A_8 iter_args(%scan3A_20 = %scan3A) -> (i32)  : i32 {
      %mul3A_21 = arith.constant 112 : i32
      %mul3A_22 = arith.muli %scan3A_19, %mul3A_21 : i32
      "tpu.region"() ({
        %run_scoped3A_24 = tpu.sem_alloc : memref<!tpu.dma_semaphore, #tpu.memory_space<semaphore_mem>>
        %dma_start3A = tpu.memref_slice %arg8[%mul3A_22] : memref<10000xi32, #tpu.memory_space<vmem>> -> memref<112xi32, #tpu.memory_space<vmem>>
        %dma_start3A_25 = arith.constant 0 : i32
        %dma_start3A_26 = arith.constant 0 : i32
        %dma_start3A_27 = tpu.memref_slice %arg7[%dma_start3A_25, %dma_start3A_26] : memref<10112x16xf32, #tpu.memory_space<vmem_shared>> -> memref<10112x16xf32, #tpu.memory_space<vmem_shared>>
        tpu.enqueue_indirect_dma source(%arg9 : memref<112x16xf32, #tpu.memory_space<vmem>>) target(%dma_start3A_27 : memref<10112x16xf32, #tpu.memory_space<vmem_shared>>) offsets(%dma_start3A : memref<112xi32, #tpu.memory_space<vmem>>) semaphore(%run_scoped3A_24 : memref<!tpu.dma_semaphore, #tpu.memory_space<semaphore_mem>>) {add = true}
        %dma_wait3A = tpu.memref_slice %arg8[%mul3A_22] : memref<10000xi32, #tpu.memory_space<vmem>> -> memref<112xi32, #tpu.memory_space<vmem>>
        %dma_wait3A_28 = arith.constant 0 : i32
        %dma_wait3A_29 = arith.constant 0 : i32
        %dma_wait3A_30 = tpu.memref_slice %arg7[%dma_wait3A_28, %dma_wait3A_29] : memref<10112x16xf32, #tpu.memory_space<vmem_shared>> -> memref<10112x16xf32, #tpu.memory_space<vmem_shared>>
        tpu.wait_indirect_dma semaphore(%run_scoped3A_24 : memref<!tpu.dma_semaphore, #tpu.memory_space<semaphore_mem>>) src(%arg9 : memref<112x16xf32, #tpu.memory_space<vmem>>) dst(%dma_wait3A_30 : memref<10112x16xf32, #tpu.memory_space<vmem_shared>>)
        tpu.yield
      }) : () -> ()
      %scan3A_23 = arith.constant 0 : i32
      scf.yield %scan3A_23 : i32
    }
    %scan3A_10 = arith.constant 89 : i32
    "tpu.region"() ({
      %run_scoped3A_19 = tpu.sem_alloc : memref<!tpu.dma_semaphore, #tpu.memory_space<semaphore_mem>>
      %dma_start3A = arith.constant 0 : i32
      %dma_start3A_20 = arith.constant 0 : i32
      %dma_start3A_21 = tpu.memref_slice %arg9[%dma_start3A, %dma_start3A_20] : memref<112x16xf32, #tpu.memory_space<vmem>> -> memref<32x16xf32, #tpu.memory_space<vmem>>
      %dma_start3A_22 = arith.constant 9968 : i32
      %dma_start3A_23 = tpu.memref_slice %arg8[%dma_start3A_22] : memref<10000xi32, #tpu.memory_space<vmem>> -> memref<32xi32, #tpu.memory_space<vmem>>
      %dma_start3A_24 = arith.constant 0 : i32
      %dma_start3A_25 = arith.constant 0 : i32
      %dma_start3A_26 = tpu.memref_slice %arg7[%dma_start3A_24, %dma_start3A_25] : memref<10112x16xf32, #tpu.memory_space<vmem_shared>> -> memref<10112x16xf32, #tpu.memory_space<vmem_shared>>
      tpu.enqueue_indirect_dma source(%dma_start3A_21 : memref<32x16xf32, #tpu.memory_space<vmem>>) target(%dma_start3A_26 : memref<10112x16xf32, #tpu.memory_space<vmem_shared>>) offsets(%dma_start3A_23 : memref<32xi32, #tpu.memory_space<vmem>>) semaphore(%run_scoped3A_19 : memref<!tpu.dma_semaphore, #tpu.memory_space<semaphore_mem>>) {add = true}
      %dma_wait3A = arith.constant 0 : i32
      %dma_wait3A_27 = arith.constant 0 : i32
      %dma_wait3A_28 = tpu.memref_slice %arg9[%dma_wait3A, %dma_wait3A_27] : memref<112x16xf32, #tpu.memory_space<vmem>> -> memref<32x16xf32, #tpu.memory_space<vmem>>
      %dma_wait3A_29 = arith.constant 9968 : i32
      %dma_wait3A_30 = tpu.memref_slice %arg8[%dma_wait3A_29] : memref<10000xi32, #tpu.memory_space<vmem>> -> memref<32xi32, #tpu.memory_space<vmem>>
      %dma_wait3A_31 = arith.constant 0 : i32
      %dma_wait3A_32 = arith.constant 0 : i32
      %dma_wait3A_33 = tpu.memref_slice %arg7[%dma_wait3A_31, %dma_wait3A_32] : memref<10112x16xf32, #tpu.memory_space<vmem_shared>> -> memref<10112x16xf32, #tpu.memory_space<vmem_shared>>
      tpu.wait_indirect_dma semaphore(%run_scoped3A_19 : memref<!tpu.dma_semaphore, #tpu.memory_space<semaphore_mem>>) src(%dma_wait3A_28 : memref<32x16xf32, #tpu.memory_space<vmem>>) dst(%dma_wait3A_33 : memref<10112x16xf32, #tpu.memory_space<vmem_shared>>)
      tpu.yield
    }) : () -> ()
    %barrier3A_11 = arith.constant 0 : index
    tpu.barrier barrier_id(%barrier3A_11)
    %eq3A = arith.constant 0 : i32
    %eq3A_12 = arith.cmpi eq, %arg0, %eq3A : i32
    %convert_element_type3A = arith.extui %eq3A_12 : i1 to i32
    %cond3A = arith.constant 0 : i32
    %cond3A_13 = arith.cmpi ne, %convert_element_type3A, %cond3A : i32
    scf.if %cond3A_13 {
      "tpu.region"() ({
        %run_scoped3A_19 = tpu.sem_alloc : memref<!tpu.dma_semaphore, #tpu.memory_space<semaphore_mem>>
        %dma_start3A = arith.constant 0 : i32
        %dma_start3A_20 = tpu.memref_slice %arg5[%mul3A_2, %dma_start3A] : memref<10112x16xf32, #tpu.memory_space<hbm>> -> memref<632x16xf32, #tpu.memory_space<hbm>>
        %dma_start3A_21 = arith.constant 0 : i32
        %dma_start3A_22 = tpu.memref_slice %arg7[%mul3A_2, %dma_start3A_21] : memref<10112x16xf32, #tpu.memory_space<vmem_shared>> -> memref<632x16xf32, #tpu.memory_space<vmem_shared>>
        tpu.enqueue_dma source(%dma_start3A_22 : memref<632x16xf32, #tpu.memory_space<vmem_shared>>) target(%dma_start3A_20 : memref<632x16xf32, #tpu.memory_space<hbm>>) target_semaphore(%run_scoped3A_19 : memref<!tpu.dma_semaphore, #tpu.memory_space<semaphore_mem>>)
        %dma_wait3A = arith.constant 0 : i32
        %dma_wait3A_23 = tpu.memref_slice %arg5[%mul3A_2, %dma_wait3A] : memref<10112x16xf32, #tpu.memory_space<hbm>> -> memref<632x16xf32, #tpu.memory_space<hbm>>
        %dma_wait3A_24 = arith.constant 0 : i32
        %dma_wait3A_25 = tpu.memref_slice %arg7[%mul3A_2, %dma_wait3A_24] : memref<10112x16xf32, #tpu.memory_space<vmem_shared>> -> memref<632x16xf32, #tpu.memory_space<vmem_shared>>
        tpu.wait_dma2 semaphore(%run_scoped3A_19 : memref<!tpu.dma_semaphore, #tpu.memory_space<semaphore_mem>>) src(%dma_wait3A_25 : memref<632x16xf32, #tpu.memory_space<vmem_shared>>) dst(%dma_wait3A_23 : memref<632x16xf32, #tpu.memory_space<hbm>>)
        tpu.yield
      }) : () -> ()
    } else {
    }
    %eq3A_14 = arith.constant 1 : i32
    %eq3A_15 = arith.cmpi eq, %arg0, %eq3A_14 : i32
    %convert_element_type3A_16 = arith.extui %eq3A_15 : i1 to i32
    %cond3A_17 = arith.constant 0 : i32
    %cond3A_18 = arith.cmpi ne, %convert_element_type3A_16, %cond3A_17 : i32
    scf.if %cond3A_18 {
      "tpu.region"() ({
        %run_scoped3A_19 = tpu.sem_alloc : memref<!tpu.dma_semaphore, #tpu.memory_space<semaphore_mem>>
        %dma_start3A = arith.constant 0 : i32
        %dma_start3A_20 = tpu.memref_slice %arg6[%mul3A_2, %dma_start3A] : memref<10112x16xf32, #tpu.memory_space<hbm>> -> memref<632x16xf32, #tpu.memory_space<hbm>>
        %dma_start3A_21 = arith.constant 0 : i32
        %dma_start3A_22 = tpu.memref_slice %arg7[%mul3A_2, %dma_start3A_21] : memref<10112x16xf32, #tpu.memory_space<vmem_shared>> -> memref<632x16xf32, #tpu.memory_space<vmem_shared>>
        tpu.enqueue_dma source(%dma_start3A_22 : memref<632x16xf32, #tpu.memory_space<vmem_shared>>) target(%dma_start3A_20 : memref<632x16xf32, #tpu.memory_space<hbm>>) target_semaphore(%run_scoped3A_19 : memref<!tpu.dma_semaphore, #tpu.memory_space<semaphore_mem>>)
        %dma_wait3A = arith.constant 0 : i32
        %dma_wait3A_23 = tpu.memref_slice %arg6[%mul3A_2, %dma_wait3A] : memref<10112x16xf32, #tpu.memory_space<hbm>> -> memref<632x16xf32, #tpu.memory_space<hbm>>
        %dma_wait3A_24 = arith.constant 0 : i32
        %dma_wait3A_25 = tpu.memref_slice %arg7[%mul3A_2, %dma_wait3A_24] : memref<10112x16xf32, #tpu.memory_space<vmem_shared>> -> memref<632x16xf32, #tpu.memory_space<vmem_shared>>
        tpu.wait_dma2 semaphore(%run_scoped3A_19 : memref<!tpu.dma_semaphore, #tpu.memory_space<semaphore_mem>>) src(%dma_wait3A_25 : memref<632x16xf32, #tpu.memory_space<vmem_shared>>) dst(%dma_wait3A_23 : memref<632x16xf32, #tpu.memory_space<hbm>>)
        tpu.yield
      }) : () -> ()
    } else {
    }
    return
  }
}

#map = affine_map<(d0, d1) -> (0, 0)>
module attributes {stable_mosaic.version = 14 : i64} {
  func.func @_scatter_sc(%arg0: i32, %arg1: i32, %arg2: memref<2x320000xi32, #tpu.memory_space<hbm>>, %arg3: memref<10112x64xf32, #tpu.memory_space<hbm>>, %arg4: memref<10112x64xf32, #tpu.memory_space<hbm>>, %arg5: memref<10112x64xf32, #tpu.memory_space<hbm>>, %arg6: memref<10112x64xf32, #tpu.memory_space<hbm>>, %arg7: memref<10112x64xf32, #tpu.memory_space<vmem_shared>>, %arg8: memref<10112x64xf32, #tpu.memory_space<vmem_shared>>, %arg9: memref<10000xi32, #tpu.memory_space<vmem>>, %arg10: memref<10000xi32, #tpu.memory_space<vmem>>, %arg11: memref<4x112x64xf32, #tpu.memory_space<vmem>>, %arg12: memref<4x!tpu.dma_semaphore, #tpu.memory_space<semaphore_mem>>, %arg13: memref<4x!tpu.dma_semaphore, #tpu.memory_space<semaphore_mem>>) attributes {dimension_semantics = [#tpu.dimension_semantics<core_parallel>, #tpu.dimension_semantics<subcore_parallel>], iteration_bounds = array<i64: 2, 16>, scalar_prefetch = 0 : i64, scratch_operands = 7 : i64, tpu.core_type = #tpu.core_type<sc_vector_subcore>, window_params = [{transform_indices = #map}, {transform_indices = #map}, {transform_indices = #map}, {transform_indices = #map}, {transform_indices = #map}]} {
    %mul3A = arith.constant 16 : i32
    %mul3A_0 = arith.muli %arg0, %mul3A : i32
    %add3A = arith.addi %mul3A_0, %arg1 : i32
    %mul3A_1 = arith.constant 632 : i32
    %mul3A_2 = arith.muli %arg1, %mul3A_1 : i32
    %mul3A_3 = arith.constant 10000 : i32
    %mul3A_4 = arith.muli %add3A, %mul3A_3 : i32
    %dma_start3A = arith.constant 0 : i32
    %dma_start3A_5 = tpu.memref_slice %arg12[%dma_start3A] : memref<4x!tpu.dma_semaphore, #tpu.memory_space<semaphore_mem>> -> memref<1x!tpu.dma_semaphore, #tpu.memory_space<semaphore_mem>>
    %dma_start3A_6 = tpu.memref_squeeze %dma_start3A_5 : memref<1x!tpu.dma_semaphore, #tpu.memory_space<semaphore_mem>> -> memref<!tpu.dma_semaphore, #tpu.memory_space<semaphore_mem>>
    %dma_start3A_7 = arith.constant 0 : i32
    %dma_start3A_8 = tpu.memref_slice %arg7[%mul3A_2, %dma_start3A_7] : memref<10112x64xf32, #tpu.memory_space<vmem_shared>> -> memref<632x64xf32, #tpu.memory_space<vmem_shared>>
    %dma_start3A_9 = arith.constant 0 : i32
    %dma_start3A_10 = tpu.memref_slice %arg4[%mul3A_2, %dma_start3A_9] : memref<10112x64xf32, #tpu.memory_space<hbm>> -> memref<632x64xf32, #tpu.memory_space<hbm>>
    tpu.enqueue_dma source(%dma_start3A_10 : memref<632x64xf32, #tpu.memory_space<hbm>>) target(%dma_start3A_8 : memref<632x64xf32, #tpu.memory_space<vmem_shared>>) target_semaphore(%dma_start3A_6 : memref<!tpu.dma_semaphore, #tpu.memory_space<semaphore_mem>>)
    %dma_start3A_11 = arith.constant 1 : i32
    %dma_start3A_12 = tpu.memref_slice %arg12[%dma_start3A_11] : memref<4x!tpu.dma_semaphore, #tpu.memory_space<semaphore_mem>> -> memref<1x!tpu.dma_semaphore, #tpu.memory_space<semaphore_mem>>
    %dma_start3A_13 = tpu.memref_squeeze %dma_start3A_12 : memref<1x!tpu.dma_semaphore, #tpu.memory_space<semaphore_mem>> -> memref<!tpu.dma_semaphore, #tpu.memory_space<semaphore_mem>>
    %dma_start3A_14 = arith.constant 0 : i32
    %dma_start3A_15 = tpu.memref_slice %arg8[%mul3A_2, %dma_start3A_14] : memref<10112x64xf32, #tpu.memory_space<vmem_shared>> -> memref<632x64xf32, #tpu.memory_space<vmem_shared>>
    %dma_start3A_16 = arith.constant 0 : i32
    %dma_start3A_17 = tpu.memref_slice %arg3[%mul3A_2, %dma_start3A_16] : memref<10112x64xf32, #tpu.memory_space<hbm>> -> memref<632x64xf32, #tpu.memory_space<hbm>>
    tpu.enqueue_dma source(%dma_start3A_17 : memref<632x64xf32, #tpu.memory_space<hbm>>) target(%dma_start3A_15 : memref<632x64xf32, #tpu.memory_space<vmem_shared>>) target_semaphore(%dma_start3A_13 : memref<!tpu.dma_semaphore, #tpu.memory_space<semaphore_mem>>)
    %dma_start3A_18 = arith.constant 0 : i32
    %dma_start3A_19 = arith.constant 2 : i32
    %dma_start3A_20 = tpu.memref_slice %arg2[%dma_start3A_18, %mul3A_4] : memref<2x320000xi32, #tpu.memory_space<hbm>> -> memref<1x10000xi32, #tpu.memory_space<hbm>>
    %dma_start3A_21 = tpu.memref_squeeze %dma_start3A_20 : memref<1x10000xi32, #tpu.memory_space<hbm>> -> memref<10000xi32, #tpu.memory_space<hbm>>
    %dma_start3A_22 = tpu.memref_slice %arg12[%dma_start3A_19] : memref<4x!tpu.dma_semaphore, #tpu.memory_space<semaphore_mem>> -> memref<1x!tpu.dma_semaphore, #tpu.memory_space<semaphore_mem>>
    %dma_start3A_23 = tpu.memref_squeeze %dma_start3A_22 : memref<1x!tpu.dma_semaphore, #tpu.memory_space<semaphore_mem>> -> memref<!tpu.dma_semaphore, #tpu.memory_space<semaphore_mem>>
    %dma_start3A_24 = tpu.memref_slice %arg2[%dma_start3A_18, %mul3A_4] : memref<2x320000xi32, #tpu.memory_space<hbm>> -> memref<1x10000xi32, #tpu.memory_space<hbm>>
    %dma_start3A_25 = tpu.memref_squeeze %dma_start3A_24 : memref<1x10000xi32, #tpu.memory_space<hbm>> -> memref<10000xi32, #tpu.memory_space<hbm>>
    tpu.enqueue_dma source(%dma_start3A_25 : memref<10000xi32, #tpu.memory_space<hbm>>) target(%arg9 : memref<10000xi32, #tpu.memory_space<vmem>>) target_semaphore(%dma_start3A_23 : memref<!tpu.dma_semaphore, #tpu.memory_space<semaphore_mem>>)
    %dma_start3A_26 = arith.constant 1 : i32
    %dma_start3A_27 = arith.constant 3 : i32
    %dma_start3A_28 = tpu.memref_slice %arg2[%dma_start3A_26, %mul3A_4] : memref<2x320000xi32, #tpu.memory_space<hbm>> -> memref<1x10000xi32, #tpu.memory_space<hbm>>
    %dma_start3A_29 = tpu.memref_squeeze %dma_start3A_28 : memref<1x10000xi32, #tpu.memory_space<hbm>> -> memref<10000xi32, #tpu.memory_space<hbm>>
    %dma_start3A_30 = tpu.memref_slice %arg12[%dma_start3A_27] : memref<4x!tpu.dma_semaphore, #tpu.memory_space<semaphore_mem>> -> memref<1x!tpu.dma_semaphore, #tpu.memory_space<semaphore_mem>>
    %dma_start3A_31 = tpu.memref_squeeze %dma_start3A_30 : memref<1x!tpu.dma_semaphore, #tpu.memory_space<semaphore_mem>> -> memref<!tpu.dma_semaphore, #tpu.memory_space<semaphore_mem>>
    %dma_start3A_32 = tpu.memref_slice %arg2[%dma_start3A_26, %mul3A_4] : memref<2x320000xi32, #tpu.memory_space<hbm>> -> memref<1x10000xi32, #tpu.memory_space<hbm>>
    %dma_start3A_33 = tpu.memref_squeeze %dma_start3A_32 : memref<1x10000xi32, #tpu.memory_space<hbm>> -> memref<10000xi32, #tpu.memory_space<hbm>>
    tpu.enqueue_dma source(%dma_start3A_33 : memref<10000xi32, #tpu.memory_space<hbm>>) target(%arg10 : memref<10000xi32, #tpu.memory_space<vmem>>) target_semaphore(%dma_start3A_31 : memref<!tpu.dma_semaphore, #tpu.memory_space<semaphore_mem>>)
    %dma_wait3A = arith.constant 0 : i32
    %dma_wait3A_34 = tpu.memref_slice %arg12[%dma_wait3A] : memref<4x!tpu.dma_semaphore, #tpu.memory_space<semaphore_mem>> -> memref<1x!tpu.dma_semaphore, #tpu.memory_space<semaphore_mem>>
    %dma_wait3A_35 = tpu.memref_squeeze %dma_wait3A_34 : memref<1x!tpu.dma_semaphore, #tpu.memory_space<semaphore_mem>> -> memref<!tpu.dma_semaphore, #tpu.memory_space<semaphore_mem>>
    %dma_wait3A_36 = arith.constant 0 : i32
    %dma_wait3A_37 = tpu.memref_slice %arg7[%mul3A_2, %dma_wait3A_36] : memref<10112x64xf32, #tpu.memory_space<vmem_shared>> -> memref<632x64xf32, #tpu.memory_space<vmem_shared>>
    %dma_wait3A_38 = arith.constant 0 : i32
    %dma_wait3A_39 = tpu.memref_slice %arg4[%mul3A_2, %dma_wait3A_38] : memref<10112x64xf32, #tpu.memory_space<hbm>> -> memref<632x64xf32, #tpu.memory_space<hbm>>
    tpu.wait_dma2 semaphore(%dma_wait3A_35 : memref<!tpu.dma_semaphore, #tpu.memory_space<semaphore_mem>>) src(%dma_wait3A_39 : memref<632x64xf32, #tpu.memory_space<hbm>>) dst(%dma_wait3A_37 : memref<632x64xf32, #tpu.memory_space<vmem_shared>>)
    %dma_wait3A_40 = arith.constant 1 : i32
    %dma_wait3A_41 = tpu.memref_slice %arg12[%dma_wait3A_40] : memref<4x!tpu.dma_semaphore, #tpu.memory_space<semaphore_mem>> -> memref<1x!tpu.dma_semaphore, #tpu.memory_space<semaphore_mem>>
    %dma_wait3A_42 = tpu.memref_squeeze %dma_wait3A_41 : memref<1x!tpu.dma_semaphore, #tpu.memory_space<semaphore_mem>> -> memref<!tpu.dma_semaphore, #tpu.memory_space<semaphore_mem>>
    %dma_wait3A_43 = arith.constant 0 : i32
    %dma_wait3A_44 = tpu.memref_slice %arg8[%mul3A_2, %dma_wait3A_43] : memref<10112x64xf32, #tpu.memory_space<vmem_shared>> -> memref<632x64xf32, #tpu.memory_space<vmem_shared>>
    %dma_wait3A_45 = arith.constant 0 : i32
    %dma_wait3A_46 = tpu.memref_slice %arg3[%mul3A_2, %dma_wait3A_45] : memref<10112x64xf32, #tpu.memory_space<hbm>> -> memref<632x64xf32, #tpu.memory_space<hbm>>
    tpu.wait_dma2 semaphore(%dma_wait3A_42 : memref<!tpu.dma_semaphore, #tpu.memory_space<semaphore_mem>>) src(%dma_wait3A_46 : memref<632x64xf32, #tpu.memory_space<hbm>>) dst(%dma_wait3A_44 : memref<632x64xf32, #tpu.memory_space<vmem_shared>>)
    %dma_wait3A_47 = arith.constant 0 : i32
    %dma_wait3A_48 = arith.constant 2 : i32
    %dma_wait3A_49 = tpu.memref_slice %arg2[%dma_wait3A_47, %mul3A_4] : memref<2x320000xi32, #tpu.memory_space<hbm>> -> memref<1x10000xi32, #tpu.memory_space<hbm>>
    %dma_wait3A_50 = tpu.memref_squeeze %dma_wait3A_49 : memref<1x10000xi32, #tpu.memory_space<hbm>> -> memref<10000xi32, #tpu.memory_space<hbm>>
    %dma_wait3A_51 = tpu.memref_slice %arg12[%dma_wait3A_48] : memref<4x!tpu.dma_semaphore, #tpu.memory_space<semaphore_mem>> -> memref<1x!tpu.dma_semaphore, #tpu.memory_space<semaphore_mem>>
    %dma_wait3A_52 = tpu.memref_squeeze %dma_wait3A_51 : memref<1x!tpu.dma_semaphore, #tpu.memory_space<semaphore_mem>> -> memref<!tpu.dma_semaphore, #tpu.memory_space<semaphore_mem>>
    %dma_wait3A_53 = tpu.memref_slice %arg2[%dma_wait3A_47, %mul3A_4] : memref<2x320000xi32, #tpu.memory_space<hbm>> -> memref<1x10000xi32, #tpu.memory_space<hbm>>
    %dma_wait3A_54 = tpu.memref_squeeze %dma_wait3A_53 : memref<1x10000xi32, #tpu.memory_space<hbm>> -> memref<10000xi32, #tpu.memory_space<hbm>>
    tpu.wait_dma2 semaphore(%dma_wait3A_52 : memref<!tpu.dma_semaphore, #tpu.memory_space<semaphore_mem>>) src(%dma_wait3A_54 : memref<10000xi32, #tpu.memory_space<hbm>>) dst(%arg9 : memref<10000xi32, #tpu.memory_space<vmem>>)
    %dma_wait3A_55 = arith.constant 1 : i32
    %dma_wait3A_56 = arith.constant 3 : i32
    %dma_wait3A_57 = tpu.memref_slice %arg2[%dma_wait3A_55, %mul3A_4] : memref<2x320000xi32, #tpu.memory_space<hbm>> -> memref<1x10000xi32, #tpu.memory_space<hbm>>
    %dma_wait3A_58 = tpu.memref_squeeze %dma_wait3A_57 : memref<1x10000xi32, #tpu.memory_space<hbm>> -> memref<10000xi32, #tpu.memory_space<hbm>>
    %dma_wait3A_59 = tpu.memref_slice %arg12[%dma_wait3A_56] : memref<4x!tpu.dma_semaphore, #tpu.memory_space<semaphore_mem>> -> memref<1x!tpu.dma_semaphore, #tpu.memory_space<semaphore_mem>>
    %dma_wait3A_60 = tpu.memref_squeeze %dma_wait3A_59 : memref<1x!tpu.dma_semaphore, #tpu.memory_space<semaphore_mem>> -> memref<!tpu.dma_semaphore, #tpu.memory_space<semaphore_mem>>
    %dma_wait3A_61 = tpu.memref_slice %arg2[%dma_wait3A_55, %mul3A_4] : memref<2x320000xi32, #tpu.memory_space<hbm>> -> memref<1x10000xi32, #tpu.memory_space<hbm>>
    %dma_wait3A_62 = tpu.memref_squeeze %dma_wait3A_61 : memref<1x10000xi32, #tpu.memory_space<hbm>> -> memref<10000xi32, #tpu.memory_space<hbm>>
    tpu.wait_dma2 semaphore(%dma_wait3A_60 : memref<!tpu.dma_semaphore, #tpu.memory_space<semaphore_mem>>) src(%dma_wait3A_62 : memref<10000xi32, #tpu.memory_space<hbm>>) dst(%arg10 : memref<10000xi32, #tpu.memory_space<vmem>>)
    %barrier3A = arith.constant 0 : index
    tpu.barrier barrier_id(%barrier3A)
    %dma_start3A_63 = arith.constant 0 : i32
    %dma_start3A_64 = arith.constant 0 : i32
    %dma_start3A_65 = arith.constant 0 : i32
    %dma_start3A_66 = arith.constant 0 : i32
    %dma_start3A_67 = tpu.memref_slice %arg11[%dma_start3A_63, %dma_start3A_65, %dma_start3A_66] : memref<4x112x64xf32, #tpu.memory_space<vmem>> -> memref<1x112x64xf32, #tpu.memory_space<vmem>>
    %dma_start3A_68 = tpu.memref_squeeze %dma_start3A_67 : memref<1x112x64xf32, #tpu.memory_space<vmem>> -> memref<112x64xf32, #tpu.memory_space<vmem>>
    %dma_start3A_69 = arith.constant 0 : i32
    %dma_start3A_70 = tpu.memref_slice %arg9[%dma_start3A_69] : memref<10000xi32, #tpu.memory_space<vmem>> -> memref<112xi32, #tpu.memory_space<vmem>>
    %dma_start3A_71 = arith.constant 0 : i32
    %dma_start3A_72 = arith.constant 0 : i32
    %dma_start3A_73 = tpu.memref_slice %arg8[%dma_start3A_71, %dma_start3A_72] : memref<10112x64xf32, #tpu.memory_space<vmem_shared>> -> memref<10112x64xf32, #tpu.memory_space<vmem_shared>>
    %dma_start3A_74 = tpu.memref_slice %arg12[%dma_start3A_64] : memref<4x!tpu.dma_semaphore, #tpu.memory_space<semaphore_mem>> -> memref<1x!tpu.dma_semaphore, #tpu.memory_space<semaphore_mem>>
    %dma_start3A_75 = tpu.memref_squeeze %dma_start3A_74 : memref<1x!tpu.dma_semaphore, #tpu.memory_space<semaphore_mem>> -> memref<!tpu.dma_semaphore, #tpu.memory_space<semaphore_mem>>
    tpu.enqueue_indirect_dma source(%dma_start3A_73 : memref<10112x64xf32, #tpu.memory_space<vmem_shared>>) target(%dma_start3A_68 : memref<112x64xf32, #tpu.memory_space<vmem>>) offsets(%dma_start3A_70 : memref<112xi32, #tpu.memory_space<vmem>>) semaphore(%dma_start3A_75 : memref<!tpu.dma_semaphore, #tpu.memory_space<semaphore_mem>>)
    %dma_start3A_76 = arith.constant 1 : i32
    %dma_start3A_77 = arith.constant 1 : i32
    %dma_start3A_78 = arith.constant 0 : i32
    %dma_start3A_79 = arith.constant 0 : i32
    %dma_start3A_80 = tpu.memref_slice %arg11[%dma_start3A_76, %dma_start3A_78, %dma_start3A_79] : memref<4x112x64xf32, #tpu.memory_space<vmem>> -> memref<1x112x64xf32, #tpu.memory_space<vmem>>
    %dma_start3A_81 = tpu.memref_squeeze %dma_start3A_80 : memref<1x112x64xf32, #tpu.memory_space<vmem>> -> memref<112x64xf32, #tpu.memory_space<vmem>>
    %dma_start3A_82 = arith.constant 112 : i32
    %dma_start3A_83 = tpu.memref_slice %arg9[%dma_start3A_82] : memref<10000xi32, #tpu.memory_space<vmem>> -> memref<112xi32, #tpu.memory_space<vmem>>
    %dma_start3A_84 = arith.constant 0 : i32
    %dma_start3A_85 = arith.constant 0 : i32
    %dma_start3A_86 = tpu.memref_slice %arg8[%dma_start3A_84, %dma_start3A_85] : memref<10112x64xf32, #tpu.memory_space<vmem_shared>> -> memref<10112x64xf32, #tpu.memory_space<vmem_shared>>
    %dma_start3A_87 = tpu.memref_slice %arg12[%dma_start3A_77] : memref<4x!tpu.dma_semaphore, #tpu.memory_space<semaphore_mem>> -> memref<1x!tpu.dma_semaphore, #tpu.memory_space<semaphore_mem>>
    %dma_start3A_88 = tpu.memref_squeeze %dma_start3A_87 : memref<1x!tpu.dma_semaphore, #tpu.memory_space<semaphore_mem>> -> memref<!tpu.dma_semaphore, #tpu.memory_space<semaphore_mem>>
    tpu.enqueue_indirect_dma source(%dma_start3A_86 : memref<10112x64xf32, #tpu.memory_space<vmem_shared>>) target(%dma_start3A_81 : memref<112x64xf32, #tpu.memory_space<vmem>>) offsets(%dma_start3A_83 : memref<112xi32, #tpu.memory_space<vmem>>) semaphore(%dma_start3A_88 : memref<!tpu.dma_semaphore, #tpu.memory_space<semaphore_mem>>)
    %scan3A = arith.constant 0 : i32
    %scan3A_89 = arith.constant 0 : i32
    %scan3A_90 = arith.constant 89 : i32
    %scan3A_91 = arith.addi %scan3A_89, %scan3A_90 : i32
    %scan3A_92 = arith.constant 1 : i32
    %scan3A_93 = scf.for %scan3A_156 = %scan3A_89 to %scan3A_91 step %scan3A_92 iter_args(%scan3A_157 = %scan3A) -> (i32)  : i32 {
      %and3A = arith.constant 3 : i32
      %and3A_158 = arith.andi %scan3A_156, %and3A : i32
      %mul3A_159 = arith.constant 112 : i32
      %mul3A_160 = arith.muli %scan3A_156, %mul3A_159 : i32
      %dma_wait3A_161 = arith.constant 0 : i32
      %dma_wait3A_162 = arith.constant 0 : i32
      %dma_wait3A_163 = tpu.memref_slice %arg11[%and3A_158, %dma_wait3A_161, %dma_wait3A_162] : memref<4x112x64xf32, #tpu.memory_space<vmem>> -> memref<1x112x64xf32, #tpu.memory_space<vmem>>
      %dma_wait3A_164 = tpu.memref_squeeze %dma_wait3A_163 : memref<1x112x64xf32, #tpu.memory_space<vmem>> -> memref<112x64xf32, #tpu.memory_space<vmem>>
      %dma_wait3A_165 = tpu.memref_slice %arg9[%mul3A_160] : memref<10000xi32, #tpu.memory_space<vmem>> -> memref<112xi32, #tpu.memory_space<vmem>>
      %dma_wait3A_166 = arith.constant 0 : i32
      %dma_wait3A_167 = arith.constant 0 : i32
      %dma_wait3A_168 = tpu.memref_slice %arg8[%dma_wait3A_166, %dma_wait3A_167] : memref<10112x64xf32, #tpu.memory_space<vmem_shared>> -> memref<10112x64xf32, #tpu.memory_space<vmem_shared>>
      %dma_wait3A_169 = tpu.memref_slice %arg12[%and3A_158] : memref<4x!tpu.dma_semaphore, #tpu.memory_space<semaphore_mem>> -> memref<1x!tpu.dma_semaphore, #tpu.memory_space<semaphore_mem>>
      %dma_wait3A_170 = tpu.memref_squeeze %dma_wait3A_169 : memref<1x!tpu.dma_semaphore, #tpu.memory_space<semaphore_mem>> -> memref<!tpu.dma_semaphore, #tpu.memory_space<semaphore_mem>>
      tpu.wait_indirect_dma semaphore(%dma_wait3A_170 : memref<!tpu.dma_semaphore, #tpu.memory_space<semaphore_mem>>) src(%dma_wait3A_168 : memref<10112x64xf32, #tpu.memory_space<vmem_shared>>) dst(%dma_wait3A_164 : memref<112x64xf32, #tpu.memory_space<vmem>>)
      %mul3A_171 = arith.constant 112 : i32
      %mul3A_172 = arith.muli %scan3A_156, %mul3A_171 : i32
      %dma_start3A_173 = arith.constant 0 : i32
      %dma_start3A_174 = arith.constant 0 : i32
      %dma_start3A_175 = tpu.memref_slice %arg11[%and3A_158, %dma_start3A_173, %dma_start3A_174] : memref<4x112x64xf32, #tpu.memory_space<vmem>> -> memref<1x112x64xf32, #tpu.memory_space<vmem>>
      %dma_start3A_176 = tpu.memref_squeeze %dma_start3A_175 : memref<1x112x64xf32, #tpu.memory_space<vmem>> -> memref<112x64xf32, #tpu.memory_space<vmem>>
      %dma_start3A_177 = tpu.memref_slice %arg10[%mul3A_172] : memref<10000xi32, #tpu.memory_space<vmem>> -> memref<112xi32, #tpu.memory_space<vmem>>
      %dma_start3A_178 = arith.constant 0 : i32
      %dma_start3A_179 = arith.constant 0 : i32
      %dma_start3A_180 = tpu.memref_slice %arg7[%dma_start3A_178, %dma_start3A_179] : memref<10112x64xf32, #tpu.memory_space<vmem_shared>> -> memref<10112x64xf32, #tpu.memory_space<vmem_shared>>
      %dma_start3A_181 = tpu.memref_slice %arg13[%and3A_158] : memref<4x!tpu.dma_semaphore, #tpu.memory_space<semaphore_mem>> -> memref<1x!tpu.dma_semaphore, #tpu.memory_space<semaphore_mem>>
      %dma_start3A_182 = tpu.memref_squeeze %dma_start3A_181 : memref<1x!tpu.dma_semaphore, #tpu.memory_space<semaphore_mem>> -> memref<!tpu.dma_semaphore, #tpu.memory_space<semaphore_mem>>
      tpu.enqueue_indirect_dma source(%dma_start3A_176 : memref<112x64xf32, #tpu.memory_space<vmem>>) target(%dma_start3A_180 : memref<10112x64xf32, #tpu.memory_space<vmem_shared>>) offsets(%dma_start3A_177 : memref<112xi32, #tpu.memory_space<vmem>>) semaphore(%dma_start3A_182 : memref<!tpu.dma_semaphore, #tpu.memory_space<semaphore_mem>>) {add = true}
      %add3A_183 = arith.constant 2 : i32
      %add3A_184 = arith.addi %scan3A_156, %add3A_183 : i32
      %lt3A = arith.constant 89 : i32
      %lt3A_185 = arith.cmpi slt, %add3A_184, %lt3A : i32
      %convert_element_type3A_186 = arith.extui %lt3A_185 : i1 to i32
      %cond3A_187 = arith.constant 0 : i32
      %cond3A_188 = arith.cmpi ne, %convert_element_type3A_186, %cond3A_187 : i32
      scf.if %cond3A_188 {
        %add3A_190 = arith.constant 2 : i32
        %add3A_191 = arith.addi %scan3A_156, %add3A_190 : i32
        %and3A_192 = arith.constant 3 : i32
        %and3A_193 = arith.andi %add3A_191, %and3A_192 : i32
        %ge3A = arith.constant 2 : i32
        %ge3A_194 = arith.cmpi sge, %scan3A_156, %ge3A : i32
        %convert_element_type3A_195 = arith.extui %ge3A_194 : i1 to i32
        %cond3A_196 = arith.constant 0 : i32
        %cond3A_197 = arith.cmpi ne, %convert_element_type3A_195, %cond3A_196 : i32
        scf.if %cond3A_197 {
          %sub3A = arith.constant 2 : i32
          %sub3A_212 = arith.subi %scan3A_156, %sub3A : i32
          %mul3A_213 = arith.constant 112 : i32
          %mul3A_214 = arith.muli %sub3A_212, %mul3A_213 : i32
          %dma_wait3A_215 = arith.constant 0 : i32
          %dma_wait3A_216 = arith.constant 0 : i32
          %dma_wait3A_217 = tpu.memref_slice %arg11[%and3A_193, %dma_wait3A_215, %dma_wait3A_216] : memref<4x112x64xf32, #tpu.memory_space<vmem>> -> memref<1x112x64xf32, #tpu.memory_space<vmem>>
          %dma_wait3A_218 = tpu.memref_squeeze %dma_wait3A_217 : memref<1x112x64xf32, #tpu.memory_space<vmem>> -> memref<112x64xf32, #tpu.memory_space<vmem>>
          %dma_wait3A_219 = tpu.memref_slice %arg10[%mul3A_214] : memref<10000xi32, #tpu.memory_space<vmem>> -> memref<112xi32, #tpu.memory_space<vmem>>
          %dma_wait3A_220 = arith.constant 0 : i32
          %dma_wait3A_221 = arith.constant 0 : i32
          %dma_wait3A_222 = tpu.memref_slice %arg7[%dma_wait3A_220, %dma_wait3A_221] : memref<10112x64xf32, #tpu.memory_space<vmem_shared>> -> memref<10112x64xf32, #tpu.memory_space<vmem_shared>>
          %dma_wait3A_223 = tpu.memref_slice %arg13[%and3A_193] : memref<4x!tpu.dma_semaphore, #tpu.memory_space<semaphore_mem>> -> memref<1x!tpu.dma_semaphore, #tpu.memory_space<semaphore_mem>>
          %dma_wait3A_224 = tpu.memref_squeeze %dma_wait3A_223 : memref<1x!tpu.dma_semaphore, #tpu.memory_space<semaphore_mem>> -> memref<!tpu.dma_semaphore, #tpu.memory_space<semaphore_mem>>
          tpu.wait_indirect_dma semaphore(%dma_wait3A_224 : memref<!tpu.dma_semaphore, #tpu.memory_space<semaphore_mem>>) src(%dma_wait3A_218 : memref<112x64xf32, #tpu.memory_space<vmem>>) dst(%dma_wait3A_222 : memref<10112x64xf32, #tpu.memory_space<vmem_shared>>)
        } else {
        }
        %add3A_198 = arith.constant 2 : i32
        %add3A_199 = arith.addi %scan3A_156, %add3A_198 : i32
        %mul3A_200 = arith.constant 112 : i32
        %mul3A_201 = arith.muli %add3A_199, %mul3A_200 : i32
        %dma_start3A_202 = arith.constant 0 : i32
        %dma_start3A_203 = arith.constant 0 : i32
        %dma_start3A_204 = tpu.memref_slice %arg11[%and3A_193, %dma_start3A_202, %dma_start3A_203] : memref<4x112x64xf32, #tpu.memory_space<vmem>> -> memref<1x112x64xf32, #tpu.memory_space<vmem>>
        %dma_start3A_205 = tpu.memref_squeeze %dma_start3A_204 : memref<1x112x64xf32, #tpu.memory_space<vmem>> -> memref<112x64xf32, #tpu.memory_space<vmem>>
        %dma_start3A_206 = tpu.memref_slice %arg9[%mul3A_201] : memref<10000xi32, #tpu.memory_space<vmem>> -> memref<112xi32, #tpu.memory_space<vmem>>
        %dma_start3A_207 = arith.constant 0 : i32
        %dma_start3A_208 = arith.constant 0 : i32
        %dma_start3A_209 = tpu.memref_slice %arg8[%dma_start3A_207, %dma_start3A_208] : memref<10112x64xf32, #tpu.memory_space<vmem_shared>> -> memref<10112x64xf32, #tpu.memory_space<vmem_shared>>
        %dma_start3A_210 = tpu.memref_slice %arg12[%and3A_193] : memref<4x!tpu.dma_semaphore, #tpu.memory_space<semaphore_mem>> -> memref<1x!tpu.dma_semaphore, #tpu.memory_space<semaphore_mem>>
        %dma_start3A_211 = tpu.memref_squeeze %dma_start3A_210 : memref<1x!tpu.dma_semaphore, #tpu.memory_space<semaphore_mem>> -> memref<!tpu.dma_semaphore, #tpu.memory_space<semaphore_mem>>
        tpu.enqueue_indirect_dma source(%dma_start3A_209 : memref<10112x64xf32, #tpu.memory_space<vmem_shared>>) target(%dma_start3A_205 : memref<112x64xf32, #tpu.memory_space<vmem>>) offsets(%dma_start3A_206 : memref<112xi32, #tpu.memory_space<vmem>>) semaphore(%dma_start3A_211 : memref<!tpu.dma_semaphore, #tpu.memory_space<semaphore_mem>>)
      } else {
      }
      %scan3A_189 = arith.constant 0 : i32
      scf.yield %scan3A_189 : i32
    }
    %scan3A_94 = arith.constant 89 : i32
    %dma_wait3A_95 = arith.constant 1 : i32
    %dma_wait3A_96 = arith.constant 1 : i32
    %dma_wait3A_97 = arith.constant 0 : i32
    %dma_wait3A_98 = arith.constant 0 : i32
    %dma_wait3A_99 = tpu.memref_slice %arg11[%dma_wait3A_95, %dma_wait3A_97, %dma_wait3A_98] : memref<4x112x64xf32, #tpu.memory_space<vmem>> -> memref<1x112x64xf32, #tpu.memory_space<vmem>>
    %dma_wait3A_100 = tpu.memref_squeeze %dma_wait3A_99 : memref<1x112x64xf32, #tpu.memory_space<vmem>> -> memref<112x64xf32, #tpu.memory_space<vmem>>
    %dma_wait3A_101 = arith.constant 9520 : i32
    %dma_wait3A_102 = tpu.memref_slice %arg10[%dma_wait3A_101] : memref<10000xi32, #tpu.memory_space<vmem>> -> memref<112xi32, #tpu.memory_space<vmem>>
    %dma_wait3A_103 = arith.constant 0 : i32
    %dma_wait3A_104 = arith.constant 0 : i32
    %dma_wait3A_105 = tpu.memref_slice %arg7[%dma_wait3A_103, %dma_wait3A_104] : memref<10112x64xf32, #tpu.memory_space<vmem_shared>> -> memref<10112x64xf32, #tpu.memory_space<vmem_shared>>
    %dma_wait3A_106 = tpu.memref_slice %arg13[%dma_wait3A_96] : memref<4x!tpu.dma_semaphore, #tpu.memory_space<semaphore_mem>> -> memref<1x!tpu.dma_semaphore, #tpu.memory_space<semaphore_mem>>
    %dma_wait3A_107 = tpu.memref_squeeze %dma_wait3A_106 : memref<1x!tpu.dma_semaphore, #tpu.memory_space<semaphore_mem>> -> memref<!tpu.dma_semaphore, #tpu.memory_space<semaphore_mem>>
    tpu.wait_indirect_dma semaphore(%dma_wait3A_107 : memref<!tpu.dma_semaphore, #tpu.memory_space<semaphore_mem>>) src(%dma_wait3A_100 : memref<112x64xf32, #tpu.memory_space<vmem>>) dst(%dma_wait3A_105 : memref<10112x64xf32, #tpu.memory_space<vmem_shared>>)
    %dma_wait3A_108 = arith.constant 2 : i32
    %dma_wait3A_109 = arith.constant 2 : i32
    %dma_wait3A_110 = arith.constant 0 : i32
    %dma_wait3A_111 = arith.constant 0 : i32
    %dma_wait3A_112 = tpu.memref_slice %arg11[%dma_wait3A_108, %dma_wait3A_110, %dma_wait3A_111] : memref<4x112x64xf32, #tpu.memory_space<vmem>> -> memref<1x112x64xf32, #tpu.memory_space<vmem>>
    %dma_wait3A_113 = tpu.memref_squeeze %dma_wait3A_112 : memref<1x112x64xf32, #tpu.memory_space<vmem>> -> memref<112x64xf32, #tpu.memory_space<vmem>>
    %dma_wait3A_114 = arith.constant 9632 : i32
    %dma_wait3A_115 = tpu.memref_slice %arg10[%dma_wait3A_114] : memref<10000xi32, #tpu.memory_space<vmem>> -> memref<112xi32, #tpu.memory_space<vmem>>
    %dma_wait3A_116 = arith.constant 0 : i32
    %dma_wait3A_117 = arith.constant 0 : i32
    %dma_wait3A_118 = tpu.memref_slice %arg7[%dma_wait3A_116, %dma_wait3A_117] : memref<10112x64xf32, #tpu.memory_space<vmem_shared>> -> memref<10112x64xf32, #tpu.memory_space<vmem_shared>>
    %dma_wait3A_119 = tpu.memref_slice %arg13[%dma_wait3A_109] : memref<4x!tpu.dma_semaphore, #tpu.memory_space<semaphore_mem>> -> memref<1x!tpu.dma_semaphore, #tpu.memory_space<semaphore_mem>>
    %dma_wait3A_120 = tpu.memref_squeeze %dma_wait3A_119 : memref<1x!tpu.dma_semaphore, #tpu.memory_space<semaphore_mem>> -> memref<!tpu.dma_semaphore, #tpu.memory_space<semaphore_mem>>
    tpu.wait_indirect_dma semaphore(%dma_wait3A_120 : memref<!tpu.dma_semaphore, #tpu.memory_space<semaphore_mem>>) src(%dma_wait3A_113 : memref<112x64xf32, #tpu.memory_space<vmem>>) dst(%dma_wait3A_118 : memref<10112x64xf32, #tpu.memory_space<vmem_shared>>)
    %dma_wait3A_121 = arith.constant 3 : i32
    %dma_wait3A_122 = arith.constant 3 : i32
    %dma_wait3A_123 = arith.constant 0 : i32
    %dma_wait3A_124 = arith.constant 0 : i32
    %dma_wait3A_125 = tpu.memref_slice %arg11[%dma_wait3A_121, %dma_wait3A_123, %dma_wait3A_124] : memref<4x112x64xf32, #tpu.memory_space<vmem>> -> memref<1x112x64xf32, #tpu.memory_space<vmem>>
    %dma_wait3A_126 = tpu.memref_squeeze %dma_wait3A_125 : memref<1x112x64xf32, #tpu.memory_space<vmem>> -> memref<112x64xf32, #tpu.memory_space<vmem>>
    %dma_wait3A_127 = arith.constant 9744 : i32
    %dma_wait3A_128 = tpu.memref_slice %arg10[%dma_wait3A_127] : memref<10000xi32, #tpu.memory_space<vmem>> -> memref<112xi32, #tpu.memory_space<vmem>>
    %dma_wait3A_129 = arith.constant 0 : i32
    %dma_wait3A_130 = arith.constant 0 : i32
    %dma_wait3A_131 = tpu.memref_slice %arg7[%dma_wait3A_129, %dma_wait3A_130] : memref<10112x64xf32, #tpu.memory_space<vmem_shared>> -> memref<10112x64xf32, #tpu.memory_space<vmem_shared>>
    %dma_wait3A_132 = tpu.memref_slice %arg13[%dma_wait3A_122] : memref<4x!tpu.dma_semaphore, #tpu.memory_space<semaphore_mem>> -> memref<1x!tpu.dma_semaphore, #tpu.memory_space<semaphore_mem>>
    %dma_wait3A_133 = tpu.memref_squeeze %dma_wait3A_132 : memref<1x!tpu.dma_semaphore, #tpu.memory_space<semaphore_mem>> -> memref<!tpu.dma_semaphore, #tpu.memory_space<semaphore_mem>>
    tpu.wait_indirect_dma semaphore(%dma_wait3A_133 : memref<!tpu.dma_semaphore, #tpu.memory_space<semaphore_mem>>) src(%dma_wait3A_126 : memref<112x64xf32, #tpu.memory_space<vmem>>) dst(%dma_wait3A_131 : memref<10112x64xf32, #tpu.memory_space<vmem_shared>>)
    %dma_wait3A_134 = arith.constant 0 : i32
    %dma_wait3A_135 = arith.constant 0 : i32
    %dma_wait3A_136 = arith.constant 0 : i32
    %dma_wait3A_137 = arith.constant 0 : i32
    %dma_wait3A_138 = tpu.memref_slice %arg11[%dma_wait3A_134, %dma_wait3A_136, %dma_wait3A_137] : memref<4x112x64xf32, #tpu.memory_space<vmem>> -> memref<1x112x64xf32, #tpu.memory_space<vmem>>
    %dma_wait3A_139 = tpu.memref_squeeze %dma_wait3A_138 : memref<1x112x64xf32, #tpu.memory_space<vmem>> -> memref<112x64xf32, #tpu.memory_space<vmem>>
    %dma_wait3A_140 = arith.constant 9856 : i32
    %dma_wait3A_141 = tpu.memref_slice %arg10[%dma_wait3A_140] : memref<10000xi32, #tpu.memory_space<vmem>> -> memref<112xi32, #tpu.memory_space<vmem>>
    %dma_wait3A_142 = arith.constant 0 : i32
    %dma_wait3A_143 = arith.constant 0 : i32
    %dma_wait3A_144 = tpu.memref_slice %arg7[%dma_wait3A_142, %dma_wait3A_143] : memref<10112x64xf32, #tpu.memory_space<vmem_shared>> -> memref<10112x64xf32, #tpu.memory_space<vmem_shared>>
    %dma_wait3A_145 = tpu.memref_slice %arg13[%dma_wait3A_135] : memref<4x!tpu.dma_semaphore, #tpu.memory_space<semaphore_mem>> -> memref<1x!tpu.dma_semaphore, #tpu.memory_space<semaphore_mem>>
    %dma_wait3A_146 = tpu.memref_squeeze %dma_wait3A_145 : memref<1x!tpu.dma_semaphore, #tpu.memory_space<semaphore_mem>> -> memref<!tpu.dma_semaphore, #tpu.memory_space<semaphore_mem>>
    tpu.wait_indirect_dma semaphore(%dma_wait3A_146 : memref<!tpu.dma_semaphore, #tpu.memory_space<semaphore_mem>>) src(%dma_wait3A_139 : memref<112x64xf32, #tpu.memory_space<vmem>>) dst(%dma_wait3A_144 : memref<10112x64xf32, #tpu.memory_space<vmem_shared>>)
    %run_scoped3A = arith.constant 0 : i32
    "tpu.region"() ({
      %run_scoped3A_156 = tpu.sem_alloc : memref<!tpu.dma_semaphore, #tpu.memory_space<semaphore_mem>>
      %dma_start3A_157 = arith.constant 0 : i32
      %dma_start3A_158 = arith.constant 0 : i32
      %dma_start3A_159 = tpu.memref_slice %arg11[%run_scoped3A, %dma_start3A_157, %dma_start3A_158] : memref<4x112x64xf32, #tpu.memory_space<vmem>> -> memref<1x32x64xf32, #tpu.memory_space<vmem>>
      %dma_start3A_160 = tpu.memref_squeeze %dma_start3A_159 : memref<1x32x64xf32, #tpu.memory_space<vmem>> -> memref<32x64xf32, #tpu.memory_space<vmem>>
      %dma_start3A_161 = arith.constant 9968 : i32
      %dma_start3A_162 = tpu.memref_slice %arg9[%dma_start3A_161] : memref<10000xi32, #tpu.memory_space<vmem>> -> memref<32xi32, #tpu.memory_space<vmem>>
      %dma_start3A_163 = arith.constant 0 : i32
      %dma_start3A_164 = arith.constant 0 : i32
      %dma_start3A_165 = tpu.memref_slice %arg8[%dma_start3A_163, %dma_start3A_164] : memref<10112x64xf32, #tpu.memory_space<vmem_shared>> -> memref<10112x64xf32, #tpu.memory_space<vmem_shared>>
      tpu.enqueue_indirect_dma source(%dma_start3A_165 : memref<10112x64xf32, #tpu.memory_space<vmem_shared>>) target(%dma_start3A_160 : memref<32x64xf32, #tpu.memory_space<vmem>>) offsets(%dma_start3A_162 : memref<32xi32, #tpu.memory_space<vmem>>) semaphore(%run_scoped3A_156 : memref<!tpu.dma_semaphore, #tpu.memory_space<semaphore_mem>>)
      %dma_wait3A_166 = arith.constant 0 : i32
      %dma_wait3A_167 = arith.constant 0 : i32
      %dma_wait3A_168 = tpu.memref_slice %arg11[%run_scoped3A, %dma_wait3A_166, %dma_wait3A_167] : memref<4x112x64xf32, #tpu.memory_space<vmem>> -> memref<1x32x64xf32, #tpu.memory_space<vmem>>
      %dma_wait3A_169 = tpu.memref_squeeze %dma_wait3A_168 : memref<1x32x64xf32, #tpu.memory_space<vmem>> -> memref<32x64xf32, #tpu.memory_space<vmem>>
      %dma_wait3A_170 = arith.constant 9968 : i32
      %dma_wait3A_171 = tpu.memref_slice %arg9[%dma_wait3A_170] : memref<10000xi32, #tpu.memory_space<vmem>> -> memref<32xi32, #tpu.memory_space<vmem>>
      %dma_wait3A_172 = arith.constant 0 : i32
      %dma_wait3A_173 = arith.constant 0 : i32
      %dma_wait3A_174 = tpu.memref_slice %arg8[%dma_wait3A_172, %dma_wait3A_173] : memref<10112x64xf32, #tpu.memory_space<vmem_shared>> -> memref<10112x64xf32, #tpu.memory_space<vmem_shared>>
      tpu.wait_indirect_dma semaphore(%run_scoped3A_156 : memref<!tpu.dma_semaphore, #tpu.memory_space<semaphore_mem>>) src(%dma_wait3A_174 : memref<10112x64xf32, #tpu.memory_space<vmem_shared>>) dst(%dma_wait3A_169 : memref<32x64xf32, #tpu.memory_space<vmem>>)
      tpu.yield
    }) : () -> ()
    %run_scoped3A_147 = arith.constant 0 : i32
    "tpu.region"() ({
      %run_scoped3A_156 = tpu.sem_alloc : memref<!tpu.dma_semaphore, #tpu.memory_space<semaphore_mem>>
      %dma_start3A_157 = arith.constant 0 : i32
      %dma_start3A_158 = arith.constant 0 : i32
      %dma_start3A_159 = tpu.memref_slice %arg11[%run_scoped3A_147, %dma_start3A_157, %dma_start3A_158] : memref<4x112x64xf32, #tpu.memory_space<vmem>> -> memref<1x32x64xf32, #tpu.memory_space<vmem>>
      %dma_start3A_160 = tpu.memref_squeeze %dma_start3A_159 : memref<1x32x64xf32, #tpu.memory_space<vmem>> -> memref<32x64xf32, #tpu.memory_space<vmem>>
      %dma_start3A_161 = arith.constant 9968 : i32
      %dma_start3A_162 = tpu.memref_slice %arg10[%dma_start3A_161] : memref<10000xi32, #tpu.memory_space<vmem>> -> memref<32xi32, #tpu.memory_space<vmem>>
      %dma_start3A_163 = arith.constant 0 : i32
      %dma_start3A_164 = arith.constant 0 : i32
      %dma_start3A_165 = tpu.memref_slice %arg7[%dma_start3A_163, %dma_start3A_164] : memref<10112x64xf32, #tpu.memory_space<vmem_shared>> -> memref<10112x64xf32, #tpu.memory_space<vmem_shared>>
      tpu.enqueue_indirect_dma source(%dma_start3A_160 : memref<32x64xf32, #tpu.memory_space<vmem>>) target(%dma_start3A_165 : memref<10112x64xf32, #tpu.memory_space<vmem_shared>>) offsets(%dma_start3A_162 : memref<32xi32, #tpu.memory_space<vmem>>) semaphore(%run_scoped3A_156 : memref<!tpu.dma_semaphore, #tpu.memory_space<semaphore_mem>>) {add = true}
      %dma_wait3A_166 = arith.constant 0 : i32
      %dma_wait3A_167 = arith.constant 0 : i32
      %dma_wait3A_168 = tpu.memref_slice %arg11[%run_scoped3A_147, %dma_wait3A_166, %dma_wait3A_167] : memref<4x112x64xf32, #tpu.memory_space<vmem>> -> memref<1x32x64xf32, #tpu.memory_space<vmem>>
      %dma_wait3A_169 = tpu.memref_squeeze %dma_wait3A_168 : memref<1x32x64xf32, #tpu.memory_space<vmem>> -> memref<32x64xf32, #tpu.memory_space<vmem>>
      %dma_wait3A_170 = arith.constant 9968 : i32
      %dma_wait3A_171 = tpu.memref_slice %arg10[%dma_wait3A_170] : memref<10000xi32, #tpu.memory_space<vmem>> -> memref<32xi32, #tpu.memory_space<vmem>>
      %dma_wait3A_172 = arith.constant 0 : i32
      %dma_wait3A_173 = arith.constant 0 : i32
      %dma_wait3A_174 = tpu.memref_slice %arg7[%dma_wait3A_172, %dma_wait3A_173] : memref<10112x64xf32, #tpu.memory_space<vmem_shared>> -> memref<10112x64xf32, #tpu.memory_space<vmem_shared>>
      tpu.wait_indirect_dma semaphore(%run_scoped3A_156 : memref<!tpu.dma_semaphore, #tpu.memory_space<semaphore_mem>>) src(%dma_wait3A_169 : memref<32x64xf32, #tpu.memory_space<vmem>>) dst(%dma_wait3A_174 : memref<10112x64xf32, #tpu.memory_space<vmem_shared>>)
      tpu.yield
    }) : () -> ()
    %barrier3A_148 = arith.constant 0 : index
    tpu.barrier barrier_id(%barrier3A_148)
    %eq3A = arith.constant 0 : i32
    %eq3A_149 = arith.cmpi eq, %arg0, %eq3A : i32
    %convert_element_type3A = arith.extui %eq3A_149 : i1 to i32
    %cond3A = arith.constant 0 : i32
    %cond3A_150 = arith.cmpi ne, %convert_element_type3A, %cond3A : i32
    scf.if %cond3A_150 {
      "tpu.region"() ({
        %run_scoped3A_156 = tpu.sem_alloc : memref<!tpu.dma_semaphore, #tpu.memory_space<semaphore_mem>>
        %dma_start3A_157 = arith.constant 0 : i32
        %dma_start3A_158 = tpu.memref_slice %arg5[%mul3A_2, %dma_start3A_157] : memref<10112x64xf32, #tpu.memory_space<hbm>> -> memref<632x64xf32, #tpu.memory_space<hbm>>
        %dma_start3A_159 = arith.constant 0 : i32
        %dma_start3A_160 = tpu.memref_slice %arg7[%mul3A_2, %dma_start3A_159] : memref<10112x64xf32, #tpu.memory_space<vmem_shared>> -> memref<632x64xf32, #tpu.memory_space<vmem_shared>>
        tpu.enqueue_dma source(%dma_start3A_160 : memref<632x64xf32, #tpu.memory_space<vmem_shared>>) target(%dma_start3A_158 : memref<632x64xf32, #tpu.memory_space<hbm>>) target_semaphore(%run_scoped3A_156 : memref<!tpu.dma_semaphore, #tpu.memory_space<semaphore_mem>>)
        %dma_wait3A_161 = arith.constant 0 : i32
        %dma_wait3A_162 = tpu.memref_slice %arg5[%mul3A_2, %dma_wait3A_161] : memref<10112x64xf32, #tpu.memory_space<hbm>> -> memref<632x64xf32, #tpu.memory_space<hbm>>
        %dma_wait3A_163 = arith.constant 0 : i32
        %dma_wait3A_164 = tpu.memref_slice %arg7[%mul3A_2, %dma_wait3A_163] : memref<10112x64xf32, #tpu.memory_space<vmem_shared>> -> memref<632x64xf32, #tpu.memory_space<vmem_shared>>
        tpu.wait_dma2 semaphore(%run_scoped3A_156 : memref<!tpu.dma_semaphore, #tpu.memory_space<semaphore_mem>>) src(%dma_wait3A_164 : memref<632x64xf32, #tpu.memory_space<vmem_shared>>) dst(%dma_wait3A_162 : memref<632x64xf32, #tpu.memory_space<hbm>>)
        tpu.yield
      }) : () -> ()
    } else {
    }
    %eq3A_151 = arith.constant 1 : i32
    %eq3A_152 = arith.cmpi eq, %arg0, %eq3A_151 : i32
    %convert_element_type3A_153 = arith.extui %eq3A_152 : i1 to i32
    %cond3A_154 = arith.constant 0 : i32
    %cond3A_155 = arith.cmpi ne, %convert_element_type3A_153, %cond3A_154 : i32
    scf.if %cond3A_155 {
      "tpu.region"() ({
        %run_scoped3A_156 = tpu.sem_alloc : memref<!tpu.dma_semaphore, #tpu.memory_space<semaphore_mem>>
        %dma_start3A_157 = arith.constant 0 : i32
        %dma_start3A_158 = tpu.memref_slice %arg6[%mul3A_2, %dma_start3A_157] : memref<10112x64xf32, #tpu.memory_space<hbm>> -> memref<632x64xf32, #tpu.memory_space<hbm>>
        %dma_start3A_159 = arith.constant 0 : i32
        %dma_start3A_160 = tpu.memref_slice %arg7[%mul3A_2, %dma_start3A_159] : memref<10112x64xf32, #tpu.memory_space<vmem_shared>> -> memref<632x64xf32, #tpu.memory_space<vmem_shared>>
        tpu.enqueue_dma source(%dma_start3A_160 : memref<632x64xf32, #tpu.memory_space<vmem_shared>>) target(%dma_start3A_158 : memref<632x64xf32, #tpu.memory_space<hbm>>) target_semaphore(%run_scoped3A_156 : memref<!tpu.dma_semaphore, #tpu.memory_space<semaphore_mem>>)
        %dma_wait3A_161 = arith.constant 0 : i32
        %dma_wait3A_162 = tpu.memref_slice %arg6[%mul3A_2, %dma_wait3A_161] : memref<10112x64xf32, #tpu.memory_space<hbm>> -> memref<632x64xf32, #tpu.memory_space<hbm>>
        %dma_wait3A_163 = arith.constant 0 : i32
        %dma_wait3A_164 = tpu.memref_slice %arg7[%mul3A_2, %dma_wait3A_163] : memref<10112x64xf32, #tpu.memory_space<vmem_shared>> -> memref<632x64xf32, #tpu.memory_space<vmem_shared>>
        tpu.wait_dma2 semaphore(%run_scoped3A_156 : memref<!tpu.dma_semaphore, #tpu.memory_space<semaphore_mem>>) src(%dma_wait3A_164 : memref<632x64xf32, #tpu.memory_space<vmem_shared>>) dst(%dma_wait3A_162 : memref<632x64xf32, #tpu.memory_space<hbm>>)
        tpu.yield
      }) : () -> ()
    } else {
    }
    return
  }
}

#map = affine_map<(d0, d1) -> (0, 0)>
module attributes {stable_mosaic.version = 14 : i64} {
  func.func @_scatter_sc(%arg0: i32, %arg1: i32, %arg2: memref<2x320000xi32, #tpu.memory_space<hbm>>, %arg3: memref<10112x64xf32, #tpu.memory_space<hbm>>, %arg4: memref<10112x64xf32, #tpu.memory_space<hbm>>, %arg5: memref<10112x64xf32, #tpu.memory_space<hbm>>, %arg6: memref<10112x64xf32, #tpu.memory_space<hbm>>, %arg7: memref<10112x64xf32, #tpu.memory_space<vmem_shared>>, %arg8: memref<10112x64xf32, #tpu.memory_space<vmem_shared>>, %arg9: memref<10000xi32, #tpu.memory_space<vmem>>, %arg10: memref<10000xi32, #tpu.memory_space<vmem>>, %arg11: memref<4x112x64xf32, #tpu.memory_space<vmem>>, %arg12: memref<4x!tpu.dma_semaphore, #tpu.memory_space<semaphore_mem>>, %arg13: memref<4x!tpu.dma_semaphore, #tpu.memory_space<semaphore_mem>>) attributes {dimension_semantics = [#tpu.dimension_semantics<core_parallel>, #tpu.dimension_semantics<subcore_parallel>], iteration_bounds = array<i64: 2, 16>, scalar_prefetch = 0 : i64, scratch_operands = 7 : i64, tpu.core_type = #tpu.core_type<sc_vector_subcore>, window_params = [{transform_indices = #map}, {transform_indices = #map}, {transform_indices = #map}, {transform_indices = #map}, {transform_indices = #map}]} {
    %mul3A = arith.constant 16 : i32
    %mul3A_0 = arith.muli %arg0, %mul3A : i32
    %add3A = arith.addi %mul3A_0, %arg1 : i32
    %mul3A_1 = arith.constant 632 : i32
    %mul3A_2 = arith.muli %arg1, %mul3A_1 : i32
    %mul3A_3 = arith.constant 10000 : i32
    %mul3A_4 = arith.muli %add3A, %mul3A_3 : i32
    %dma_start3A = arith.constant 0 : i32
    %dma_start3A_5 = tpu.memref_slice %arg12[%dma_start3A] : memref<4x!tpu.dma_semaphore, #tpu.memory_space<semaphore_mem>> -> memref<1x!tpu.dma_semaphore, #tpu.memory_space<semaphore_mem>>
    %dma_start3A_6 = tpu.memref_squeeze %dma_start3A_5 : memref<1x!tpu.dma_semaphore, #tpu.memory_space<semaphore_mem>> -> memref<!tpu.dma_semaphore, #tpu.memory_space<semaphore_mem>>
    %dma_start3A_7 = arith.constant 0 : i32
    %dma_start3A_8 = tpu.memref_slice %arg7[%mul3A_2, %dma_start3A_7] : memref<10112x64xf32, #tpu.memory_space<vmem_shared>> -> memref<632x64xf32, #tpu.memory_space<vmem_shared>>
    %dma_start3A_9 = arith.constant 0 : i32
    %dma_start3A_10 = tpu.memref_slice %arg4[%mul3A_2, %dma_start3A_9] : memref<10112x64xf32, #tpu.memory_space<hbm>> -> memref<632x64xf32, #tpu.memory_space<hbm>>
    tpu.enqueue_dma source(%dma_start3A_10 : memref<632x64xf32, #tpu.memory_space<hbm>>) target(%dma_start3A_8 : memref<632x64xf32, #tpu.memory_space<vmem_shared>>) target_semaphore(%dma_start3A_6 : memref<!tpu.dma_semaphore, #tpu.memory_space<semaphore_mem>>)
    %dma_start3A_11 = arith.constant 1 : i32
    %dma_start3A_12 = tpu.memref_slice %arg12[%dma_start3A_11] : memref<4x!tpu.dma_semaphore, #tpu.memory_space<semaphore_mem>> -> memref<1x!tpu.dma_semaphore, #tpu.memory_space<semaphore_mem>>
    %dma_start3A_13 = tpu.memref_squeeze %dma_start3A_12 : memref<1x!tpu.dma_semaphore, #tpu.memory_space<semaphore_mem>> -> memref<!tpu.dma_semaphore, #tpu.memory_space<semaphore_mem>>
    %dma_start3A_14 = arith.constant 0 : i32
    %dma_start3A_15 = tpu.memref_slice %arg8[%mul3A_2, %dma_start3A_14] : memref<10112x64xf32, #tpu.memory_space<vmem_shared>> -> memref<632x64xf32, #tpu.memory_space<vmem_shared>>
    %dma_start3A_16 = arith.constant 0 : i32
    %dma_start3A_17 = tpu.memref_slice %arg3[%mul3A_2, %dma_start3A_16] : memref<10112x64xf32, #tpu.memory_space<hbm>> -> memref<632x64xf32, #tpu.memory_space<hbm>>
    tpu.enqueue_dma source(%dma_start3A_17 : memref<632x64xf32, #tpu.memory_space<hbm>>) target(%dma_start3A_15 : memref<632x64xf32, #tpu.memory_space<vmem_shared>>) target_semaphore(%dma_start3A_13 : memref<!tpu.dma_semaphore, #tpu.memory_space<semaphore_mem>>)
    %dma_start3A_18 = arith.constant 0 : i32
    %dma_start3A_19 = arith.constant 2 : i32
    %dma_start3A_20 = tpu.memref_slice %arg2[%dma_start3A_18, %mul3A_4] : memref<2x320000xi32, #tpu.memory_space<hbm>> -> memref<1x10000xi32, #tpu.memory_space<hbm>>
    %dma_start3A_21 = tpu.memref_squeeze %dma_start3A_20 : memref<1x10000xi32, #tpu.memory_space<hbm>> -> memref<10000xi32, #tpu.memory_space<hbm>>
    %dma_start3A_22 = tpu.memref_slice %arg12[%dma_start3A_19] : memref<4x!tpu.dma_semaphore, #tpu.memory_space<semaphore_mem>> -> memref<1x!tpu.dma_semaphore, #tpu.memory_space<semaphore_mem>>
    %dma_start3A_23 = tpu.memref_squeeze %dma_start3A_22 : memref<1x!tpu.dma_semaphore, #tpu.memory_space<semaphore_mem>> -> memref<!tpu.dma_semaphore, #tpu.memory_space<semaphore_mem>>
    %dma_start3A_24 = tpu.memref_slice %arg2[%dma_start3A_18, %mul3A_4] : memref<2x320000xi32, #tpu.memory_space<hbm>> -> memref<1x10000xi32, #tpu.memory_space<hbm>>
    %dma_start3A_25 = tpu.memref_squeeze %dma_start3A_24 : memref<1x10000xi32, #tpu.memory_space<hbm>> -> memref<10000xi32, #tpu.memory_space<hbm>>
    tpu.enqueue_dma source(%dma_start3A_25 : memref<10000xi32, #tpu.memory_space<hbm>>) target(%arg9 : memref<10000xi32, #tpu.memory_space<vmem>>) target_semaphore(%dma_start3A_23 : memref<!tpu.dma_semaphore, #tpu.memory_space<semaphore_mem>>)
    %dma_start3A_26 = arith.constant 1 : i32
    %dma_start3A_27 = arith.constant 3 : i32
    %dma_start3A_28 = tpu.memref_slice %arg2[%dma_start3A_26, %mul3A_4] : memref<2x320000xi32, #tpu.memory_space<hbm>> -> memref<1x10000xi32, #tpu.memory_space<hbm>>
    %dma_start3A_29 = tpu.memref_squeeze %dma_start3A_28 : memref<1x10000xi32, #tpu.memory_space<hbm>> -> memref<10000xi32, #tpu.memory_space<hbm>>
    %dma_start3A_30 = tpu.memref_slice %arg12[%dma_start3A_27] : memref<4x!tpu.dma_semaphore, #tpu.memory_space<semaphore_mem>> -> memref<1x!tpu.dma_semaphore, #tpu.memory_space<semaphore_mem>>
    %dma_start3A_31 = tpu.memref_squeeze %dma_start3A_30 : memref<1x!tpu.dma_semaphore, #tpu.memory_space<semaphore_mem>> -> memref<!tpu.dma_semaphore, #tpu.memory_space<semaphore_mem>>
    %dma_start3A_32 = tpu.memref_slice %arg2[%dma_start3A_26, %mul3A_4] : memref<2x320000xi32, #tpu.memory_space<hbm>> -> memref<1x10000xi32, #tpu.memory_space<hbm>>
    %dma_start3A_33 = tpu.memref_squeeze %dma_start3A_32 : memref<1x10000xi32, #tpu.memory_space<hbm>> -> memref<10000xi32, #tpu.memory_space<hbm>>
    tpu.enqueue_dma source(%dma_start3A_33 : memref<10000xi32, #tpu.memory_space<hbm>>) target(%arg10 : memref<10000xi32, #tpu.memory_space<vmem>>) target_semaphore(%dma_start3A_31 : memref<!tpu.dma_semaphore, #tpu.memory_space<semaphore_mem>>)
    %dma_wait3A = arith.constant 0 : i32
    %dma_wait3A_34 = tpu.memref_slice %arg12[%dma_wait3A] : memref<4x!tpu.dma_semaphore, #tpu.memory_space<semaphore_mem>> -> memref<1x!tpu.dma_semaphore, #tpu.memory_space<semaphore_mem>>
    %dma_wait3A_35 = tpu.memref_squeeze %dma_wait3A_34 : memref<1x!tpu.dma_semaphore, #tpu.memory_space<semaphore_mem>> -> memref<!tpu.dma_semaphore, #tpu.memory_space<semaphore_mem>>
    %dma_wait3A_36 = arith.constant 0 : i32
    %dma_wait3A_37 = tpu.memref_slice %arg7[%mul3A_2, %dma_wait3A_36] : memref<10112x64xf32, #tpu.memory_space<vmem_shared>> -> memref<632x64xf32, #tpu.memory_space<vmem_shared>>
    %dma_wait3A_38 = arith.constant 0 : i32
    %dma_wait3A_39 = tpu.memref_slice %arg4[%mul3A_2, %dma_wait3A_38] : memref<10112x64xf32, #tpu.memory_space<hbm>> -> memref<632x64xf32, #tpu.memory_space<hbm>>
    tpu.wait_dma2 semaphore(%dma_wait3A_35 : memref<!tpu.dma_semaphore, #tpu.memory_space<semaphore_mem>>) src(%dma_wait3A_39 : memref<632x64xf32, #tpu.memory_space<hbm>>) dst(%dma_wait3A_37 : memref<632x64xf32, #tpu.memory_space<vmem_shared>>)
    %dma_wait3A_40 = arith.constant 1 : i32
    %dma_wait3A_41 = tpu.memref_slice %arg12[%dma_wait3A_40] : memref<4x!tpu.dma_semaphore, #tpu.memory_space<semaphore_mem>> -> memref<1x!tpu.dma_semaphore, #tpu.memory_space<semaphore_mem>>
    %dma_wait3A_42 = tpu.memref_squeeze %dma_wait3A_41 : memref<1x!tpu.dma_semaphore, #tpu.memory_space<semaphore_mem>> -> memref<!tpu.dma_semaphore, #tpu.memory_space<semaphore_mem>>
    %dma_wait3A_43 = arith.constant 0 : i32
    %dma_wait3A_44 = tpu.memref_slice %arg8[%mul3A_2, %dma_wait3A_43] : memref<10112x64xf32, #tpu.memory_space<vmem_shared>> -> memref<632x64xf32, #tpu.memory_space<vmem_shared>>
    %dma_wait3A_45 = arith.constant 0 : i32
    %dma_wait3A_46 = tpu.memref_slice %arg3[%mul3A_2, %dma_wait3A_45] : memref<10112x64xf32, #tpu.memory_space<hbm>> -> memref<632x64xf32, #tpu.memory_space<hbm>>
    tpu.wait_dma2 semaphore(%dma_wait3A_42 : memref<!tpu.dma_semaphore, #tpu.memory_space<semaphore_mem>>) src(%dma_wait3A_46 : memref<632x64xf32, #tpu.memory_space<hbm>>) dst(%dma_wait3A_44 : memref<632x64xf32, #tpu.memory_space<vmem_shared>>)
    %dma_wait3A_47 = arith.constant 0 : i32
    %dma_wait3A_48 = arith.constant 2 : i32
    %dma_wait3A_49 = tpu.memref_slice %arg2[%dma_wait3A_47, %mul3A_4] : memref<2x320000xi32, #tpu.memory_space<hbm>> -> memref<1x10000xi32, #tpu.memory_space<hbm>>
    %dma_wait3A_50 = tpu.memref_squeeze %dma_wait3A_49 : memref<1x10000xi32, #tpu.memory_space<hbm>> -> memref<10000xi32, #tpu.memory_space<hbm>>
    %dma_wait3A_51 = tpu.memref_slice %arg12[%dma_wait3A_48] : memref<4x!tpu.dma_semaphore, #tpu.memory_space<semaphore_mem>> -> memref<1x!tpu.dma_semaphore, #tpu.memory_space<semaphore_mem>>
    %dma_wait3A_52 = tpu.memref_squeeze %dma_wait3A_51 : memref<1x!tpu.dma_semaphore, #tpu.memory_space<semaphore_mem>> -> memref<!tpu.dma_semaphore, #tpu.memory_space<semaphore_mem>>
    %dma_wait3A_53 = tpu.memref_slice %arg2[%dma_wait3A_47, %mul3A_4] : memref<2x320000xi32, #tpu.memory_space<hbm>> -> memref<1x10000xi32, #tpu.memory_space<hbm>>
    %dma_wait3A_54 = tpu.memref_squeeze %dma_wait3A_53 : memref<1x10000xi32, #tpu.memory_space<hbm>> -> memref<10000xi32, #tpu.memory_space<hbm>>
    tpu.wait_dma2 semaphore(%dma_wait3A_52 : memref<!tpu.dma_semaphore, #tpu.memory_space<semaphore_mem>>) src(%dma_wait3A_54 : memref<10000xi32, #tpu.memory_space<hbm>>) dst(%arg9 : memref<10000xi32, #tpu.memory_space<vmem>>)
    %dma_wait3A_55 = arith.constant 1 : i32
    %dma_wait3A_56 = arith.constant 3 : i32
    %dma_wait3A_57 = tpu.memref_slice %arg2[%dma_wait3A_55, %mul3A_4] : memref<2x320000xi32, #tpu.memory_space<hbm>> -> memref<1x10000xi32, #tpu.memory_space<hbm>>
    %dma_wait3A_58 = tpu.memref_squeeze %dma_wait3A_57 : memref<1x10000xi32, #tpu.memory_space<hbm>> -> memref<10000xi32, #tpu.memory_space<hbm>>
    %dma_wait3A_59 = tpu.memref_slice %arg12[%dma_wait3A_56] : memref<4x!tpu.dma_semaphore, #tpu.memory_space<semaphore_mem>> -> memref<1x!tpu.dma_semaphore, #tpu.memory_space<semaphore_mem>>
    %dma_wait3A_60 = tpu.memref_squeeze %dma_wait3A_59 : memref<1x!tpu.dma_semaphore, #tpu.memory_space<semaphore_mem>> -> memref<!tpu.dma_semaphore, #tpu.memory_space<semaphore_mem>>
    %dma_wait3A_61 = tpu.memref_slice %arg2[%dma_wait3A_55, %mul3A_4] : memref<2x320000xi32, #tpu.memory_space<hbm>> -> memref<1x10000xi32, #tpu.memory_space<hbm>>
    %dma_wait3A_62 = tpu.memref_squeeze %dma_wait3A_61 : memref<1x10000xi32, #tpu.memory_space<hbm>> -> memref<10000xi32, #tpu.memory_space<hbm>>
    tpu.wait_dma2 semaphore(%dma_wait3A_60 : memref<!tpu.dma_semaphore, #tpu.memory_space<semaphore_mem>>) src(%dma_wait3A_62 : memref<10000xi32, #tpu.memory_space<hbm>>) dst(%arg10 : memref<10000xi32, #tpu.memory_space<vmem>>)
    %barrier3A = arith.constant 0 : index
    tpu.barrier barrier_id(%barrier3A)
    %dma_start3A_63 = arith.constant 0 : i32
    %dma_start3A_64 = arith.constant 0 : i32
    %dma_start3A_65 = arith.constant 0 : i32
    %dma_start3A_66 = arith.constant 0 : i32
    %dma_start3A_67 = tpu.memref_slice %arg11[%dma_start3A_63, %dma_start3A_65, %dma_start3A_66] : memref<4x112x64xf32, #tpu.memory_space<vmem>> -> memref<1x112x64xf32, #tpu.memory_space<vmem>>
    %dma_start3A_68 = tpu.memref_squeeze %dma_start3A_67 : memref<1x112x64xf32, #tpu.memory_space<vmem>> -> memref<112x64xf32, #tpu.memory_space<vmem>>
    %dma_start3A_69 = arith.constant 0 : i32
    %dma_start3A_70 = tpu.memref_slice %arg9[%dma_start3A_69] : memref<10000xi32, #tpu.memory_space<vmem>> -> memref<112xi32, #tpu.memory_space<vmem>>
    %dma_start3A_71 = arith.constant 0 : i32
    %dma_start3A_72 = arith.constant 0 : i32
    %dma_start3A_73 = tpu.memref_slice %arg8[%dma_start3A_71, %dma_start3A_72] : memref<10112x64xf32, #tpu.memory_space<vmem_shared>> -> memref<10112x64xf32, #tpu.memory_space<vmem_shared>>
    %dma_start3A_74 = tpu.memref_slice %arg12[%dma_start3A_64] : memref<4x!tpu.dma_semaphore, #tpu.memory_space<semaphore_mem>> -> memref<1x!tpu.dma_semaphore, #tpu.memory_space<semaphore_mem>>
    %dma_start3A_75 = tpu.memref_squeeze %dma_start3A_74 : memref<1x!tpu.dma_semaphore, #tpu.memory_space<semaphore_mem>> -> memref<!tpu.dma_semaphore, #tpu.memory_space<semaphore_mem>>
    tpu.enqueue_indirect_dma source(%dma_start3A_73 : memref<10112x64xf32, #tpu.memory_space<vmem_shared>>) target(%dma_start3A_68 : memref<112x64xf32, #tpu.memory_space<vmem>>) offsets(%dma_start3A_70 : memref<112xi32, #tpu.memory_space<vmem>>) semaphore(%dma_start3A_75 : memref<!tpu.dma_semaphore, #tpu.memory_space<semaphore_mem>>)
    %dma_start3A_76 = arith.constant 1 : i32
    %dma_start3A_77 = arith.constant 1 : i32
    %dma_start3A_78 = arith.constant 0 : i32
    %dma_start3A_79 = arith.constant 0 : i32
    %dma_start3A_80 = tpu.memref_slice %arg11[%dma_start3A_76, %dma_start3A_78, %dma_start3A_79] : memref<4x112x64xf32, #tpu.memory_space<vmem>> -> memref<1x112x64xf32, #tpu.memory_space<vmem>>
    %dma_start3A_81 = tpu.memref_squeeze %dma_start3A_80 : memref<1x112x64xf32, #tpu.memory_space<vmem>> -> memref<112x64xf32, #tpu.memory_space<vmem>>
    %dma_start3A_82 = arith.constant 112 : i32
    %dma_start3A_83 = tpu.memref_slice %arg9[%dma_start3A_82] : memref<10000xi32, #tpu.memory_space<vmem>> -> memref<112xi32, #tpu.memory_space<vmem>>
    %dma_start3A_84 = arith.constant 0 : i32
    %dma_start3A_85 = arith.constant 0 : i32
    %dma_start3A_86 = tpu.memref_slice %arg8[%dma_start3A_84, %dma_start3A_85] : memref<10112x64xf32, #tpu.memory_space<vmem_shared>> -> memref<10112x64xf32, #tpu.memory_space<vmem_shared>>
    %dma_start3A_87 = tpu.memref_slice %arg12[%dma_start3A_77] : memref<4x!tpu.dma_semaphore, #tpu.memory_space<semaphore_mem>> -> memref<1x!tpu.dma_semaphore, #tpu.memory_space<semaphore_mem>>
    %dma_start3A_88 = tpu.memref_squeeze %dma_start3A_87 : memref<1x!tpu.dma_semaphore, #tpu.memory_space<semaphore_mem>> -> memref<!tpu.dma_semaphore, #tpu.memory_space<semaphore_mem>>
    tpu.enqueue_indirect_dma source(%dma_start3A_86 : memref<10112x64xf32, #tpu.memory_space<vmem_shared>>) target(%dma_start3A_81 : memref<112x64xf32, #tpu.memory_space<vmem>>) offsets(%dma_start3A_83 : memref<112xi32, #tpu.memory_space<vmem>>) semaphore(%dma_start3A_88 : memref<!tpu.dma_semaphore, #tpu.memory_space<semaphore_mem>>)
    %scan3A = arith.constant 0 : i32
    %scan3A_89 = arith.constant 0 : i32
    %scan3A_90 = arith.constant 89 : i32
    %scan3A_91 = arith.addi %scan3A_89, %scan3A_90 : i32
    %scan3A_92 = arith.constant 1 : i32
    %scan3A_93 = scf.for %scan3A_156 = %scan3A_89 to %scan3A_91 step %scan3A_92 iter_args(%scan3A_157 = %scan3A) -> (i32)  : i32 {
      %and3A = arith.constant 3 : i32
      %and3A_158 = arith.andi %scan3A_156, %and3A : i32
      %mul3A_159 = arith.constant 112 : i32
      %mul3A_160 = arith.muli %scan3A_156, %mul3A_159 : i32
      %dma_wait3A_161 = arith.constant 0 : i32
      %dma_wait3A_162 = arith.constant 0 : i32
      %dma_wait3A_163 = tpu.memref_slice %arg11[%and3A_158, %dma_wait3A_161, %dma_wait3A_162] : memref<4x112x64xf32, #tpu.memory_space<vmem>> -> memref<1x112x64xf32, #tpu.memory_space<vmem>>
      %dma_wait3A_164 = tpu.memref_squeeze %dma_wait3A_163 : memref<1x112x64xf32, #tpu.memory_space<vmem>> -> memref<112x64xf32, #tpu.memory_space<vmem>>
      %dma_wait3A_165 = tpu.memref_slice %arg9[%mul3A_160] : memref<10000xi32, #tpu.memory_space<vmem>> -> memref<112xi32, #tpu.memory_space<vmem>>
      %dma_wait3A_166 = arith.constant 0 : i32
      %dma_wait3A_167 = arith.constant 0 : i32
      %dma_wait3A_168 = tpu.memref_slice %arg8[%dma_wait3A_166, %dma_wait3A_167] : memref<10112x64xf32, #tpu.memory_space<vmem_shared>> -> memref<10112x64xf32, #tpu.memory_space<vmem_shared>>
      %dma_wait3A_169 = tpu.memref_slice %arg12[%and3A_158] : memref<4x!tpu.dma_semaphore, #tpu.memory_space<semaphore_mem>> -> memref<1x!tpu.dma_semaphore, #tpu.memory_space<semaphore_mem>>
      %dma_wait3A_170 = tpu.memref_squeeze %dma_wait3A_169 : memref<1x!tpu.dma_semaphore, #tpu.memory_space<semaphore_mem>> -> memref<!tpu.dma_semaphore, #tpu.memory_space<semaphore_mem>>
      tpu.wait_indirect_dma semaphore(%dma_wait3A_170 : memref<!tpu.dma_semaphore, #tpu.memory_space<semaphore_mem>>) src(%dma_wait3A_168 : memref<10112x64xf32, #tpu.memory_space<vmem_shared>>) dst(%dma_wait3A_164 : memref<112x64xf32, #tpu.memory_space<vmem>>)
      %mul3A_171 = arith.constant 112 : i32
      %mul3A_172 = arith.muli %scan3A_156, %mul3A_171 : i32
      %dma_start3A_173 = arith.constant 0 : i32
      %dma_start3A_174 = arith.constant 0 : i32
      %dma_start3A_175 = tpu.memref_slice %arg11[%and3A_158, %dma_start3A_173, %dma_start3A_174] : memref<4x112x64xf32, #tpu.memory_space<vmem>> -> memref<1x112x64xf32, #tpu.memory_space<vmem>>
      %dma_start3A_176 = tpu.memref_squeeze %dma_start3A_175 : memref<1x112x64xf32, #tpu.memory_space<vmem>> -> memref<112x64xf32, #tpu.memory_space<vmem>>
      %dma_start3A_177 = tpu.memref_slice %arg10[%mul3A_172] : memref<10000xi32, #tpu.memory_space<vmem>> -> memref<112xi32, #tpu.memory_space<vmem>>
      %dma_start3A_178 = arith.constant 0 : i32
      %dma_start3A_179 = arith.constant 0 : i32
      %dma_start3A_180 = tpu.memref_slice %arg7[%dma_start3A_178, %dma_start3A_179] : memref<10112x64xf32, #tpu.memory_space<vmem_shared>> -> memref<10112x64xf32, #tpu.memory_space<vmem_shared>>
      %dma_start3A_181 = tpu.memref_slice %arg13[%and3A_158] : memref<4x!tpu.dma_semaphore, #tpu.memory_space<semaphore_mem>> -> memref<1x!tpu.dma_semaphore, #tpu.memory_space<semaphore_mem>>
      %dma_start3A_182 = tpu.memref_squeeze %dma_start3A_181 : memref<1x!tpu.dma_semaphore, #tpu.memory_space<semaphore_mem>> -> memref<!tpu.dma_semaphore, #tpu.memory_space<semaphore_mem>>
      tpu.enqueue_indirect_dma source(%dma_start3A_176 : memref<112x64xf32, #tpu.memory_space<vmem>>) target(%dma_start3A_180 : memref<10112x64xf32, #tpu.memory_space<vmem_shared>>) offsets(%dma_start3A_177 : memref<112xi32, #tpu.memory_space<vmem>>) semaphore(%dma_start3A_182 : memref<!tpu.dma_semaphore, #tpu.memory_space<semaphore_mem>>) {add = true}
      %add3A_183 = arith.constant 2 : i32
      %add3A_184 = arith.addi %scan3A_156, %add3A_183 : i32
      %lt3A = arith.constant 89 : i32
      %lt3A_185 = arith.cmpi slt, %add3A_184, %lt3A : i32
      %convert_element_type3A_186 = arith.extui %lt3A_185 : i1 to i32
      %cond3A_187 = arith.constant 0 : i32
      %cond3A_188 = arith.cmpi ne, %convert_element_type3A_186, %cond3A_187 : i32
      scf.if %cond3A_188 {
        %add3A_190 = arith.constant 2 : i32
        %add3A_191 = arith.addi %scan3A_156, %add3A_190 : i32
        %and3A_192 = arith.constant 3 : i32
        %and3A_193 = arith.andi %add3A_191, %and3A_192 : i32
        %ge3A = arith.constant 2 : i32
        %ge3A_194 = arith.cmpi sge, %scan3A_156, %ge3A : i32
        %convert_element_type3A_195 = arith.extui %ge3A_194 : i1 to i32
        %cond3A_196 = arith.constant 0 : i32
        %cond3A_197 = arith.cmpi ne, %convert_element_type3A_195, %cond3A_196 : i32
        scf.if %cond3A_197 {
          %sub3A = arith.constant 2 : i32
          %sub3A_212 = arith.subi %scan3A_156, %sub3A : i32
          %mul3A_213 = arith.constant 112 : i32
          %mul3A_214 = arith.muli %sub3A_212, %mul3A_213 : i32
          %dma_wait3A_215 = arith.constant 0 : i32
          %dma_wait3A_216 = arith.constant 0 : i32
          %dma_wait3A_217 = tpu.memref_slice %arg11[%and3A_193, %dma_wait3A_215, %dma_wait3A_216] : memref<4x112x64xf32, #tpu.memory_space<vmem>> -> memref<1x112x64xf32, #tpu.memory_space<vmem>>
          %dma_wait3A_218 = tpu.memref_squeeze %dma_wait3A_217 : memref<1x112x64xf32, #tpu.memory_space<vmem>> -> memref<112x64xf32, #tpu.memory_space<vmem>>
          %dma_wait3A_219 = tpu.memref_slice %arg10[%mul3A_214] : memref<10000xi32, #tpu.memory_space<vmem>> -> memref<112xi32, #tpu.memory_space<vmem>>
          %dma_wait3A_220 = arith.constant 0 : i32
          %dma_wait3A_221 = arith.constant 0 : i32
          %dma_wait3A_222 = tpu.memref_slice %arg7[%dma_wait3A_220, %dma_wait3A_221] : memref<10112x64xf32, #tpu.memory_space<vmem_shared>> -> memref<10112x64xf32, #tpu.memory_space<vmem_shared>>
          %dma_wait3A_223 = tpu.memref_slice %arg13[%and3A_193] : memref<4x!tpu.dma_semaphore, #tpu.memory_space<semaphore_mem>> -> memref<1x!tpu.dma_semaphore, #tpu.memory_space<semaphore_mem>>
          %dma_wait3A_224 = tpu.memref_squeeze %dma_wait3A_223 : memref<1x!tpu.dma_semaphore, #tpu.memory_space<semaphore_mem>> -> memref<!tpu.dma_semaphore, #tpu.memory_space<semaphore_mem>>
          tpu.wait_indirect_dma semaphore(%dma_wait3A_224 : memref<!tpu.dma_semaphore, #tpu.memory_space<semaphore_mem>>) src(%dma_wait3A_218 : memref<112x64xf32, #tpu.memory_space<vmem>>) dst(%dma_wait3A_222 : memref<10112x64xf32, #tpu.memory_space<vmem_shared>>)
        } else {
        }
        %add3A_198 = arith.constant 2 : i32
        %add3A_199 = arith.addi %scan3A_156, %add3A_198 : i32
        %mul3A_200 = arith.constant 112 : i32
        %mul3A_201 = arith.muli %add3A_199, %mul3A_200 : i32
        %dma_start3A_202 = arith.constant 0 : i32
        %dma_start3A_203 = arith.constant 0 : i32
        %dma_start3A_204 = tpu.memref_slice %arg11[%and3A_193, %dma_start3A_202, %dma_start3A_203] : memref<4x112x64xf32, #tpu.memory_space<vmem>> -> memref<1x112x64xf32, #tpu.memory_space<vmem>>
        %dma_start3A_205 = tpu.memref_squeeze %dma_start3A_204 : memref<1x112x64xf32, #tpu.memory_space<vmem>> -> memref<112x64xf32, #tpu.memory_space<vmem>>
        %dma_start3A_206 = tpu.memref_slice %arg9[%mul3A_201] : memref<10000xi32, #tpu.memory_space<vmem>> -> memref<112xi32, #tpu.memory_space<vmem>>
        %dma_start3A_207 = arith.constant 0 : i32
        %dma_start3A_208 = arith.constant 0 : i32
        %dma_start3A_209 = tpu.memref_slice %arg8[%dma_start3A_207, %dma_start3A_208] : memref<10112x64xf32, #tpu.memory_space<vmem_shared>> -> memref<10112x64xf32, #tpu.memory_space<vmem_shared>>
        %dma_start3A_210 = tpu.memref_slice %arg12[%and3A_193] : memref<4x!tpu.dma_semaphore, #tpu.memory_space<semaphore_mem>> -> memref<1x!tpu.dma_semaphore, #tpu.memory_space<semaphore_mem>>
        %dma_start3A_211 = tpu.memref_squeeze %dma_start3A_210 : memref<1x!tpu.dma_semaphore, #tpu.memory_space<semaphore_mem>> -> memref<!tpu.dma_semaphore, #tpu.memory_space<semaphore_mem>>
        tpu.enqueue_indirect_dma source(%dma_start3A_209 : memref<10112x64xf32, #tpu.memory_space<vmem_shared>>) target(%dma_start3A_205 : memref<112x64xf32, #tpu.memory_space<vmem>>) offsets(%dma_start3A_206 : memref<112xi32, #tpu.memory_space<vmem>>) semaphore(%dma_start3A_211 : memref<!tpu.dma_semaphore, #tpu.memory_space<semaphore_mem>>)
      } else {
      }
      %scan3A_189 = arith.constant 0 : i32
      scf.yield %scan3A_189 : i32
    }
    %scan3A_94 = arith.constant 89 : i32
    %dma_wait3A_95 = arith.constant 1 : i32
    %dma_wait3A_96 = arith.constant 1 : i32
    %dma_wait3A_97 = arith.constant 0 : i32
    %dma_wait3A_98 = arith.constant 0 : i32
    %dma_wait3A_99 = tpu.memref_slice %arg11[%dma_wait3A_95, %dma_wait3A_97, %dma_wait3A_98] : memref<4x112x64xf32, #tpu.memory_space<vmem>> -> memref<1x112x64xf32, #tpu.memory_space<vmem>>
    %dma_wait3A_100 = tpu.memref_squeeze %dma_wait3A_99 : memref<1x112x64xf32, #tpu.memory_space<vmem>> -> memref<112x64xf32, #tpu.memory_space<vmem>>
    %dma_wait3A_101 = arith.constant 9520 : i32
    %dma_wait3A_102 = tpu.memref_slice %arg10[%dma_wait3A_101] : memref<10000xi32, #tpu.memory_space<vmem>> -> memref<112xi32, #tpu.memory_space<vmem>>
    %dma_wait3A_103 = arith.constant 0 : i32
    %dma_wait3A_104 = arith.constant 0 : i32
    %dma_wait3A_105 = tpu.memref_slice %arg7[%dma_wait3A_103, %dma_wait3A_104] : memref<10112x64xf32, #tpu.memory_space<vmem_shared>> -> memref<10112x64xf32, #tpu.memory_space<vmem_shared>>
    %dma_wait3A_106 = tpu.memref_slice %arg13[%dma_wait3A_96] : memref<4x!tpu.dma_semaphore, #tpu.memory_space<semaphore_mem>> -> memref<1x!tpu.dma_semaphore, #tpu.memory_space<semaphore_mem>>
    %dma_wait3A_107 = tpu.memref_squeeze %dma_wait3A_106 : memref<1x!tpu.dma_semaphore, #tpu.memory_space<semaphore_mem>> -> memref<!tpu.dma_semaphore, #tpu.memory_space<semaphore_mem>>
    tpu.wait_indirect_dma semaphore(%dma_wait3A_107 : memref<!tpu.dma_semaphore, #tpu.memory_space<semaphore_mem>>) src(%dma_wait3A_100 : memref<112x64xf32, #tpu.memory_space<vmem>>) dst(%dma_wait3A_105 : memref<10112x64xf32, #tpu.memory_space<vmem_shared>>)
    %dma_wait3A_108 = arith.constant 2 : i32
    %dma_wait3A_109 = arith.constant 2 : i32
    %dma_wait3A_110 = arith.constant 0 : i32
    %dma_wait3A_111 = arith.constant 0 : i32
    %dma_wait3A_112 = tpu.memref_slice %arg11[%dma_wait3A_108, %dma_wait3A_110, %dma_wait3A_111] : memref<4x112x64xf32, #tpu.memory_space<vmem>> -> memref<1x112x64xf32, #tpu.memory_space<vmem>>
    %dma_wait3A_113 = tpu.memref_squeeze %dma_wait3A_112 : memref<1x112x64xf32, #tpu.memory_space<vmem>> -> memref<112x64xf32, #tpu.memory_space<vmem>>
    %dma_wait3A_114 = arith.constant 9632 : i32
    %dma_wait3A_115 = tpu.memref_slice %arg10[%dma_wait3A_114] : memref<10000xi32, #tpu.memory_space<vmem>> -> memref<112xi32, #tpu.memory_space<vmem>>
    %dma_wait3A_116 = arith.constant 0 : i32
    %dma_wait3A_117 = arith.constant 0 : i32
    %dma_wait3A_118 = tpu.memref_slice %arg7[%dma_wait3A_116, %dma_wait3A_117] : memref<10112x64xf32, #tpu.memory_space<vmem_shared>> -> memref<10112x64xf32, #tpu.memory_space<vmem_shared>>
    %dma_wait3A_119 = tpu.memref_slice %arg13[%dma_wait3A_109] : memref<4x!tpu.dma_semaphore, #tpu.memory_space<semaphore_mem>> -> memref<1x!tpu.dma_semaphore, #tpu.memory_space<semaphore_mem>>
    %dma_wait3A_120 = tpu.memref_squeeze %dma_wait3A_119 : memref<1x!tpu.dma_semaphore, #tpu.memory_space<semaphore_mem>> -> memref<!tpu.dma_semaphore, #tpu.memory_space<semaphore_mem>>
    tpu.wait_indirect_dma semaphore(%dma_wait3A_120 : memref<!tpu.dma_semaphore, #tpu.memory_space<semaphore_mem>>) src(%dma_wait3A_113 : memref<112x64xf32, #tpu.memory_space<vmem>>) dst(%dma_wait3A_118 : memref<10112x64xf32, #tpu.memory_space<vmem_shared>>)
    %dma_wait3A_121 = arith.constant 3 : i32
    %dma_wait3A_122 = arith.constant 3 : i32
    %dma_wait3A_123 = arith.constant 0 : i32
    %dma_wait3A_124 = arith.constant 0 : i32
    %dma_wait3A_125 = tpu.memref_slice %arg11[%dma_wait3A_121, %dma_wait3A_123, %dma_wait3A_124] : memref<4x112x64xf32, #tpu.memory_space<vmem>> -> memref<1x112x64xf32, #tpu.memory_space<vmem>>
    %dma_wait3A_126 = tpu.memref_squeeze %dma_wait3A_125 : memref<1x112x64xf32, #tpu.memory_space<vmem>> -> memref<112x64xf32, #tpu.memory_space<vmem>>
    %dma_wait3A_127 = arith.constant 9744 : i32
    %dma_wait3A_128 = tpu.memref_slice %arg10[%dma_wait3A_127] : memref<10000xi32, #tpu.memory_space<vmem>> -> memref<112xi32, #tpu.memory_space<vmem>>
    %dma_wait3A_129 = arith.constant 0 : i32
    %dma_wait3A_130 = arith.constant 0 : i32
    %dma_wait3A_131 = tpu.memref_slice %arg7[%dma_wait3A_129, %dma_wait3A_130] : memref<10112x64xf32, #tpu.memory_space<vmem_shared>> -> memref<10112x64xf32, #tpu.memory_space<vmem_shared>>
    %dma_wait3A_132 = tpu.memref_slice %arg13[%dma_wait3A_122] : memref<4x!tpu.dma_semaphore, #tpu.memory_space<semaphore_mem>> -> memref<1x!tpu.dma_semaphore, #tpu.memory_space<semaphore_mem>>
    %dma_wait3A_133 = tpu.memref_squeeze %dma_wait3A_132 : memref<1x!tpu.dma_semaphore, #tpu.memory_space<semaphore_mem>> -> memref<!tpu.dma_semaphore, #tpu.memory_space<semaphore_mem>>
    tpu.wait_indirect_dma semaphore(%dma_wait3A_133 : memref<!tpu.dma_semaphore, #tpu.memory_space<semaphore_mem>>) src(%dma_wait3A_126 : memref<112x64xf32, #tpu.memory_space<vmem>>) dst(%dma_wait3A_131 : memref<10112x64xf32, #tpu.memory_space<vmem_shared>>)
    %dma_wait3A_134 = arith.constant 0 : i32
    %dma_wait3A_135 = arith.constant 0 : i32
    %dma_wait3A_136 = arith.constant 0 : i32
    %dma_wait3A_137 = arith.constant 0 : i32
    %dma_wait3A_138 = tpu.memref_slice %arg11[%dma_wait3A_134, %dma_wait3A_136, %dma_wait3A_137] : memref<4x112x64xf32, #tpu.memory_space<vmem>> -> memref<1x112x64xf32, #tpu.memory_space<vmem>>
    %dma_wait3A_139 = tpu.memref_squeeze %dma_wait3A_138 : memref<1x112x64xf32, #tpu.memory_space<vmem>> -> memref<112x64xf32, #tpu.memory_space<vmem>>
    %dma_wait3A_140 = arith.constant 9856 : i32
    %dma_wait3A_141 = tpu.memref_slice %arg10[%dma_wait3A_140] : memref<10000xi32, #tpu.memory_space<vmem>> -> memref<112xi32, #tpu.memory_space<vmem>>
    %dma_wait3A_142 = arith.constant 0 : i32
    %dma_wait3A_143 = arith.constant 0 : i32
    %dma_wait3A_144 = tpu.memref_slice %arg7[%dma_wait3A_142, %dma_wait3A_143] : memref<10112x64xf32, #tpu.memory_space<vmem_shared>> -> memref<10112x64xf32, #tpu.memory_space<vmem_shared>>
    %dma_wait3A_145 = tpu.memref_slice %arg13[%dma_wait3A_135] : memref<4x!tpu.dma_semaphore, #tpu.memory_space<semaphore_mem>> -> memref<1x!tpu.dma_semaphore, #tpu.memory_space<semaphore_mem>>
    %dma_wait3A_146 = tpu.memref_squeeze %dma_wait3A_145 : memref<1x!tpu.dma_semaphore, #tpu.memory_space<semaphore_mem>> -> memref<!tpu.dma_semaphore, #tpu.memory_space<semaphore_mem>>
    tpu.wait_indirect_dma semaphore(%dma_wait3A_146 : memref<!tpu.dma_semaphore, #tpu.memory_space<semaphore_mem>>) src(%dma_wait3A_139 : memref<112x64xf32, #tpu.memory_space<vmem>>) dst(%dma_wait3A_144 : memref<10112x64xf32, #tpu.memory_space<vmem_shared>>)
    %run_scoped3A = arith.constant 0 : i32
    "tpu.region"() ({
      %run_scoped3A_156 = tpu.sem_alloc : memref<!tpu.dma_semaphore, #tpu.memory_space<semaphore_mem>>
      %dma_start3A_157 = arith.constant 0 : i32
      %dma_start3A_158 = arith.constant 0 : i32
      %dma_start3A_159 = tpu.memref_slice %arg11[%run_scoped3A, %dma_start3A_157, %dma_start3A_158] : memref<4x112x64xf32, #tpu.memory_space<vmem>> -> memref<1x32x64xf32, #tpu.memory_space<vmem>>
      %dma_start3A_160 = tpu.memref_squeeze %dma_start3A_159 : memref<1x32x64xf32, #tpu.memory_space<vmem>> -> memref<32x64xf32, #tpu.memory_space<vmem>>
      %dma_start3A_161 = arith.constant 9968 : i32
      %dma_start3A_162 = tpu.memref_slice %arg9[%dma_start3A_161] : memref<10000xi32, #tpu.memory_space<vmem>> -> memref<32xi32, #tpu.memory_space<vmem>>
      %dma_start3A_163 = arith.constant 0 : i32
      %dma_start3A_164 = arith.constant 0 : i32
      %dma_start3A_165 = tpu.memref_slice %arg8[%dma_start3A_163, %dma_start3A_164] : memref<10112x64xf32, #tpu.memory_space<vmem_shared>> -> memref<10112x64xf32, #tpu.memory_space<vmem_shared>>
      tpu.enqueue_indirect_dma source(%dma_start3A_165 : memref<10112x64xf32, #tpu.memory_space<vmem_shared>>) target(%dma_start3A_160 : memref<32x64xf32, #tpu.memory_space<vmem>>) offsets(%dma_start3A_162 : memref<32xi32, #tpu.memory_space<vmem>>) semaphore(%run_scoped3A_156 : memref<!tpu.dma_semaphore, #tpu.memory_space<semaphore_mem>>)
      %dma_wait3A_166 = arith.constant 0 : i32
      %dma_wait3A_167 = arith.constant 0 : i32
      %dma_wait3A_168 = tpu.memref_slice %arg11[%run_scoped3A, %dma_wait3A_166, %dma_wait3A_167] : memref<4x112x64xf32, #tpu.memory_space<vmem>> -> memref<1x32x64xf32, #tpu.memory_space<vmem>>
      %dma_wait3A_169 = tpu.memref_squeeze %dma_wait3A_168 : memref<1x32x64xf32, #tpu.memory_space<vmem>> -> memref<32x64xf32, #tpu.memory_space<vmem>>
      %dma_wait3A_170 = arith.constant 9968 : i32
      %dma_wait3A_171 = tpu.memref_slice %arg9[%dma_wait3A_170] : memref<10000xi32, #tpu.memory_space<vmem>> -> memref<32xi32, #tpu.memory_space<vmem>>
      %dma_wait3A_172 = arith.constant 0 : i32
      %dma_wait3A_173 = arith.constant 0 : i32
      %dma_wait3A_174 = tpu.memref_slice %arg8[%dma_wait3A_172, %dma_wait3A_173] : memref<10112x64xf32, #tpu.memory_space<vmem_shared>> -> memref<10112x64xf32, #tpu.memory_space<vmem_shared>>
      tpu.wait_indirect_dma semaphore(%run_scoped3A_156 : memref<!tpu.dma_semaphore, #tpu.memory_space<semaphore_mem>>) src(%dma_wait3A_174 : memref<10112x64xf32, #tpu.memory_space<vmem_shared>>) dst(%dma_wait3A_169 : memref<32x64xf32, #tpu.memory_space<vmem>>)
      tpu.yield
    }) : () -> ()
    %run_scoped3A_147 = arith.constant 0 : i32
    "tpu.region"() ({
      %run_scoped3A_156 = tpu.sem_alloc : memref<!tpu.dma_semaphore, #tpu.memory_space<semaphore_mem>>
      %dma_start3A_157 = arith.constant 0 : i32
      %dma_start3A_158 = arith.constant 0 : i32
      %dma_start3A_159 = tpu.memref_slice %arg11[%run_scoped3A_147, %dma_start3A_157, %dma_start3A_158] : memref<4x112x64xf32, #tpu.memory_space<vmem>> -> memref<1x32x64xf32, #tpu.memory_space<vmem>>
      %dma_start3A_160 = tpu.memref_squeeze %dma_start3A_159 : memref<1x32x64xf32, #tpu.memory_space<vmem>> -> memref<32x64xf32, #tpu.memory_space<vmem>>
      %dma_start3A_161 = arith.constant 9968 : i32
      %dma_start3A_162 = tpu.memref_slice %arg10[%dma_start3A_161] : memref<10000xi32, #tpu.memory_space<vmem>> -> memref<32xi32, #tpu.memory_space<vmem>>
      %dma_start3A_163 = arith.constant 0 : i32
      %dma_start3A_164 = arith.constant 0 : i32
      %dma_start3A_165 = tpu.memref_slice %arg7[%dma_start3A_163, %dma_start3A_164] : memref<10112x64xf32, #tpu.memory_space<vmem_shared>> -> memref<10112x64xf32, #tpu.memory_space<vmem_shared>>
      tpu.enqueue_indirect_dma source(%dma_start3A_160 : memref<32x64xf32, #tpu.memory_space<vmem>>) target(%dma_start3A_165 : memref<10112x64xf32, #tpu.memory_space<vmem_shared>>) offsets(%dma_start3A_162 : memref<32xi32, #tpu.memory_space<vmem>>) semaphore(%run_scoped3A_156 : memref<!tpu.dma_semaphore, #tpu.memory_space<semaphore_mem>>) {add = true}
      %dma_wait3A_166 = arith.constant 0 : i32
      %dma_wait3A_167 = arith.constant 0 : i32
      %dma_wait3A_168 = tpu.memref_slice %arg11[%run_scoped3A_147, %dma_wait3A_166, %dma_wait3A_167] : memref<4x112x64xf32, #tpu.memory_space<vmem>> -> memref<1x32x64xf32, #tpu.memory_space<vmem>>
      %dma_wait3A_169 = tpu.memref_squeeze %dma_wait3A_168 : memref<1x32x64xf32, #tpu.memory_space<vmem>> -> memref<32x64xf32, #tpu.memory_space<vmem>>
      %dma_wait3A_170 = arith.constant 9968 : i32
      %dma_wait3A_171 = tpu.memref_slice %arg10[%dma_wait3A_170] : memref<10000xi32, #tpu.memory_space<vmem>> -> memref<32xi32, #tpu.memory_space<vmem>>
      %dma_wait3A_172 = arith.constant 0 : i32
      %dma_wait3A_173 = arith.constant 0 : i32
      %dma_wait3A_174 = tpu.memref_slice %arg7[%dma_wait3A_172, %dma_wait3A_173] : memref<10112x64xf32, #tpu.memory_space<vmem_shared>> -> memref<10112x64xf32, #tpu.memory_space<vmem_shared>>
      tpu.wait_indirect_dma semaphore(%run_scoped3A_156 : memref<!tpu.dma_semaphore, #tpu.memory_space<semaphore_mem>>) src(%dma_wait3A_169 : memref<32x64xf32, #tpu.memory_space<vmem>>) dst(%dma_wait3A_174 : memref<10112x64xf32, #tpu.memory_space<vmem_shared>>)
      tpu.yield
    }) : () -> ()
    %barrier3A_148 = arith.constant 0 : index
    tpu.barrier barrier_id(%barrier3A_148)
    %eq3A = arith.constant 0 : i32
    %eq3A_149 = arith.cmpi eq, %arg0, %eq3A : i32
    %convert_element_type3A = arith.extui %eq3A_149 : i1 to i32
    %cond3A = arith.constant 0 : i32
    %cond3A_150 = arith.cmpi ne, %convert_element_type3A, %cond3A : i32
    scf.if %cond3A_150 {
      "tpu.region"() ({
        %run_scoped3A_156 = tpu.sem_alloc : memref<!tpu.dma_semaphore, #tpu.memory_space<semaphore_mem>>
        %dma_start3A_157 = arith.constant 0 : i32
        %dma_start3A_158 = tpu.memref_slice %arg5[%mul3A_2, %dma_start3A_157] : memref<10112x64xf32, #tpu.memory_space<hbm>> -> memref<632x64xf32, #tpu.memory_space<hbm>>
        %dma_start3A_159 = arith.constant 0 : i32
        %dma_start3A_160 = tpu.memref_slice %arg7[%mul3A_2, %dma_start3A_159] : memref<10112x64xf32, #tpu.memory_space<vmem_shared>> -> memref<632x64xf32, #tpu.memory_space<vmem_shared>>
        tpu.enqueue_dma source(%dma_start3A_160 : memref<632x64xf32, #tpu.memory_space<vmem_shared>>) target(%dma_start3A_158 : memref<632x64xf32, #tpu.memory_space<hbm>>) target_semaphore(%run_scoped3A_156 : memref<!tpu.dma_semaphore, #tpu.memory_space<semaphore_mem>>)
        %dma_wait3A_161 = arith.constant 0 : i32
        %dma_wait3A_162 = tpu.memref_slice %arg5[%mul3A_2, %dma_wait3A_161] : memref<10112x64xf32, #tpu.memory_space<hbm>> -> memref<632x64xf32, #tpu.memory_space<hbm>>
        %dma_wait3A_163 = arith.constant 0 : i32
        %dma_wait3A_164 = tpu.memref_slice %arg7[%mul3A_2, %dma_wait3A_163] : memref<10112x64xf32, #tpu.memory_space<vmem_shared>> -> memref<632x64xf32, #tpu.memory_space<vmem_shared>>
        tpu.wait_dma2 semaphore(%run_scoped3A_156 : memref<!tpu.dma_semaphore, #tpu.memory_space<semaphore_mem>>) src(%dma_wait3A_164 : memref<632x64xf32, #tpu.memory_space<vmem_shared>>) dst(%dma_wait3A_162 : memref<632x64xf32, #tpu.memory_space<hbm>>)
        tpu.yield
      }) : () -> ()
    } else {
    }
    %eq3A_151 = arith.constant 1 : i32
    %eq3A_152 = arith.cmpi eq, %arg0, %eq3A_151 : i32
    %convert_element_type3A_153 = arith.extui %eq3A_152 : i1 to i32
    %cond3A_154 = arith.constant 0 : i32
    %cond3A_155 = arith.cmpi ne, %convert_element_type3A_153, %cond3A_154 : i32
    scf.if %cond3A_155 {
      "tpu.region"() ({
        %run_scoped3A_156 = tpu.sem_alloc : memref<!tpu.dma_semaphore, #tpu.memory_space<semaphore_mem>>
        %dma_start3A_157 = arith.constant 0 : i32
        %dma_start3A_158 = tpu.memref_slice %arg6[%mul3A_2, %dma_start3A_157] : memref<10112x64xf32, #tpu.memory_space<hbm>> -> memref<632x64xf32, #tpu.memory_space<hbm>>
        %dma_start3A_159 = arith.constant 0 : i32
        %dma_start3A_160 = tpu.memref_slice %arg7[%mul3A_2, %dma_start3A_159] : memref<10112x64xf32, #tpu.memory_space<vmem_shared>> -> memref<632x64xf32, #tpu.memory_space<vmem_shared>>
        tpu.enqueue_dma source(%dma_start3A_160 : memref<632x64xf32, #tpu.memory_space<vmem_shared>>) target(%dma_start3A_158 : memref<632x64xf32, #tpu.memory_space<hbm>>) target_semaphore(%run_scoped3A_156 : memref<!tpu.dma_semaphore, #tpu.memory_space<semaphore_mem>>)
        %dma_wait3A_161 = arith.constant 0 : i32
        %dma_wait3A_162 = tpu.memref_slice %arg6[%mul3A_2, %dma_wait3A_161] : memref<10112x64xf32, #tpu.memory_space<hbm>> -> memref<632x64xf32, #tpu.memory_space<hbm>>
        %dma_wait3A_163 = arith.constant 0 : i32
        %dma_wait3A_164 = tpu.memref_slice %arg7[%mul3A_2, %dma_wait3A_163] : memref<10112x64xf32, #tpu.memory_space<vmem_shared>> -> memref<632x64xf32, #tpu.memory_space<vmem_shared>>
        tpu.wait_dma2 semaphore(%run_scoped3A_156 : memref<!tpu.dma_semaphore, #tpu.memory_space<semaphore_mem>>) src(%dma_wait3A_164 : memref<632x64xf32, #tpu.memory_space<vmem_shared>>) dst(%dma_wait3A_162 : memref<632x64xf32, #tpu.memory_space<hbm>>)
        tpu.yield
      }) : () -> ()
    } else {
    }
    return
  }
}

module attributes {stable_mosaic.version = 14 : i64} {
  func.func @_mm0_body(%arg0: memref<10112x128xf32, #tpu.memory_space<vmem>>, %arg1: memref<128x64xf32, #tpu.memory_space<vmem>>, %arg2: memref<10112x16xf32, #tpu.memory_space<vmem>>, %arg3: memref<10112x16xf32, #tpu.memory_space<vmem>>, %arg4: memref<10112x64xf32, #tpu.memory_space<vmem>>, %arg5: memref<10112x1xf32, #tpu.memory_space<vmem>>) attributes {dimension_semantics = [], scalar_prefetch = 0 : i64, scratch_operands = 0 : i64, tpu.core_type = #tpu.core_type<tc>} {
    %get3A = arith.constant 0 : index
    %get3A_0 = arith.constant 0 : index
    %get3A_1 = vector.load %arg0[%get3A, %get3A_0] : memref<10112x128xf32, #tpu.memory_space<vmem>>, vector<10112x128xf32>
    %get3A_2 = arith.constant 0 : index
    %get3A_3 = arith.constant 0 : index
    %get3A_4 = vector.load %arg1[%get3A_2, %get3A_3] : memref<128x64xf32, #tpu.memory_space<vmem>>, vector<128x64xf32>
    %dot_general3A = arith.constant dense<0.000000e+00> : vector<10112x64xf32>
    %dot_general3A_5 = tpu.matmul %get3A_1, %get3A_4, %dot_general3A {dimension_numbers = #tpu.dot_dimension_numbers<[1], [0], [0], [1], [0, 0, 1, 1], [], []>, transpose_lhs_hint = false} : vector<10112x128xf32>, vector<128x64xf32>, vector<10112x64xf32> -> vector<10112x64xf32>
    %get3A_6 = arith.constant 0 : index
    %get3A_7 = arith.constant 0 : index
    %get3A_8 = vector.load %arg2[%get3A_6, %get3A_7] : memref<10112x16xf32, #tpu.memory_space<vmem>>, vector<10112x1xf32>
    %get3A_9 = arith.constant 0 : index
    %get3A_10 = arith.constant 0 : index
    %get3A_11 = vector.load %arg3[%get3A_9, %get3A_10] : memref<10112x16xf32, #tpu.memory_space<vmem>>, vector<10112x1xf32>
    %add3A = arith.addf %get3A_8, %get3A_11 : vector<10112x1xf32>
    %add3A_12 = arith.constant 1.000000e+00 : f32
    %add3A_13 = vector.broadcast %add3A_12 : f32 to vector<10112x1xf32>
    %add3A_14 = arith.addf %add3A, %add3A_13 : vector<10112x1xf32>
    %iota3A = tpu.iota {dimensions = array<i32: 0>} : vector<10112x1xi32>
    %lt3A = arith.constant 10000 : i32
    %lt3A_15 = vector.broadcast %lt3A : i32 to vector<10112x1xi32>
    %lt3A_16 = arith.cmpi slt, %iota3A, %lt3A_15 : vector<10112x1xi32>
    %rsqrt3A = math.rsqrt %add3A_14 : vector<10112x1xf32>
    %jit3A = arith.constant 0.000000e+00 : f32
    %broadcast_in_dim3A = vector.broadcast %jit3A : f32 to vector<10112x1xf32>
    %select_n3A = arith.select %lt3A_16, %rsqrt3A, %broadcast_in_dim3A : vector<10112x1xi1>, vector<10112x1xf32>
    %swap3A = arith.constant 0 : index
    %swap3A_17 = arith.constant 0 : index
    %swap3A_18 = vector.load %arg5[%swap3A, %swap3A_17] : memref<10112x1xf32, #tpu.memory_space<vmem>>, vector<10112x1xf32>
    tpu.vector_store %arg5[%swap3A, %swap3A_17], %select_n3A {strides = array<i32>} : memref<10112x1xf32, #tpu.memory_space<vmem>>, vector<10112x1xf32>,
    %mul3A = vector.broadcast %select_n3A : vector<10112x1xf32> to vector<10112x64xf32>
    %mul3A_19 = arith.mulf %dot_general3A_5, %mul3A : vector<10112x64xf32>
    %swap3A_20 = arith.constant 0 : index
    %swap3A_21 = arith.constant 0 : index
    %swap3A_22 = vector.load %arg4[%swap3A_20, %swap3A_21] : memref<10112x64xf32, #tpu.memory_space<vmem>>, vector<10112x64xf32>
    tpu.vector_store %arg4[%swap3A_20, %swap3A_21], %mul3A_19 {strides = array<i32>} : memref<10112x64xf32, #tpu.memory_space<vmem>>, vector<10112x64xf32>,
    return
  }
}

module attributes {stable_mosaic.version = 14 : i64} {
  func.func @_combine_body(%arg0: memref<10112x64xf32, #tpu.memory_space<vmem>>, %arg1: memref<10112x64xf32, #tpu.memory_space<vmem>>, %arg2: memref<10112x64xf32, #tpu.memory_space<vmem>>, %arg3: memref<10112x1xf32, #tpu.memory_space<vmem>>, %arg4: memref<1x64xf32, #tpu.memory_space<vmem>>, %arg5: memref<1x64xf32, #tpu.memory_space<vmem>>, %arg6: memref<1x64xf32, #tpu.memory_space<vmem>>, %arg7: memref<64x64xf32, #tpu.memory_space<vmem>>, %arg8: memref<10112x64xf32, #tpu.memory_space<vmem>>, %arg9: memref<10112x64xf32, #tpu.memory_space<vmem>>, %arg10: memref<10112x64xf32, #tpu.memory_space<vmem>>) attributes {dimension_semantics = [], scalar_prefetch = 0 : i64, scratch_operands = 0 : i64, tpu.core_type = #tpu.core_type<tc>} {
    %get3A = arith.constant 0 : index
    %get3A_0 = arith.constant 0 : index
    %get3A_1 = vector.load %arg3[%get3A, %get3A_0] : memref<10112x1xf32, #tpu.memory_space<vmem>>, vector<10112x1xf32>
    %get3A_2 = arith.constant 0 : index
    %get3A_3 = arith.constant 0 : index
    %get3A_4 = vector.load %arg0[%get3A_2, %get3A_3] : memref<10112x64xf32, #tpu.memory_space<vmem>>, vector<10112x64xf32>
    %get3A_5 = arith.constant 0 : index
    %get3A_6 = arith.constant 0 : index
    %get3A_7 = vector.load %arg1[%get3A_5, %get3A_6] : memref<10112x64xf32, #tpu.memory_space<vmem>>, vector<10112x64xf32>
    %add3A = arith.addf %get3A_4, %get3A_7 : vector<10112x64xf32>
    %get3A_8 = arith.constant 0 : index
    %get3A_9 = arith.constant 0 : index
    %get3A_10 = vector.load %arg2[%get3A_8, %get3A_9] : memref<10112x64xf32, #tpu.memory_space<vmem>>, vector<10112x64xf32>
    %add3A_11 = arith.addf %add3A, %get3A_10 : vector<10112x64xf32>
    %mul3A = vector.broadcast %get3A_1 : vector<10112x1xf32> to vector<10112x64xf32>
    %mul3A_12 = arith.mulf %add3A_11, %mul3A : vector<10112x64xf32>
    %get3A_13 = arith.constant 0 : index
    %get3A_14 = arith.constant 0 : index
    %get3A_15 = vector.load %arg4[%get3A_13, %get3A_14] : memref<1x64xf32, #tpu.memory_space<vmem>>, vector<1x64xf32>
    %add3A_16 = vector.broadcast %get3A_15 : vector<1x64xf32> to vector<10112x64xf32>
    %add3A_17 = arith.addf %mul3A_12, %add3A_16 : vector<10112x64xf32>
    %iota3A = tpu.iota {dimensions = array<i32: 0>} : vector<10112x64xi32>
    %lt3A = arith.constant 10000 : i32
    %lt3A_18 = vector.broadcast %lt3A : i32 to vector<10112x64xi32>
    %lt3A_19 = arith.cmpi slt, %iota3A, %lt3A_18 : vector<10112x64xi32>
    %jit3A = arith.constant 0.000000e+00 : f32
    %broadcast_in_dim3A = vector.broadcast %jit3A : f32 to vector<10112x64xf32>
    %select_n3A = arith.select %lt3A_19, %add3A_17, %broadcast_in_dim3A : vector<10112x64xi1>, vector<10112x64xf32>
    %get3A_20 = arith.constant 0 : index
    %get3A_21 = arith.constant 0 : index
    %get3A_22 = vector.load %arg5[%get3A_20, %get3A_21] : memref<1x64xf32, #tpu.memory_space<vmem>>, vector<1x64xf32>
    %get3A_23 = arith.constant 0 : index
    %get3A_24 = arith.constant 0 : index
    %get3A_25 = vector.load %arg6[%get3A_23, %get3A_24] : memref<1x64xf32, #tpu.memory_space<vmem>>, vector<1x64xf32>
    %reduce_sum3A = arith.constant dense<0.000000e+00> : vector<64xf32>
    %reduce_sum3A_26 = vector.multi_reduction <add>, %select_n3A, %reduce_sum3A [0] : vector<10112x64xf32> to vector<64xf32>
    %broadcast_in_dim3A_27 = vector.shape_cast %reduce_sum3A_26 : vector<64xf32> to vector<1x64xf32>
    %mul3A_28 = arith.constant 9.99999974E-5 : f32
    %mul3A_29 = vector.broadcast %mul3A_28 : f32 to vector<1x64xf32>
    %mul3A_30 = arith.mulf %broadcast_in_dim3A_27, %mul3A_29 : vector<1x64xf32>
    %mul3A_31 = arith.mulf %select_n3A, %select_n3A : vector<10112x64xf32>
    %reduce_sum3A_32 = arith.constant dense<0.000000e+00> : vector<64xf32>
    %reduce_sum3A_33 = vector.multi_reduction <add>, %mul3A_31, %reduce_sum3A_32 [0] : vector<10112x64xf32> to vector<64xf32>
    %broadcast_in_dim3A_34 = vector.shape_cast %reduce_sum3A_33 : vector<64xf32> to vector<1x64xf32>
    %mul3A_35 = arith.constant 9.99999974E-5 : f32
    %mul3A_36 = vector.broadcast %mul3A_35 : f32 to vector<1x64xf32>
    %mul3A_37 = arith.mulf %broadcast_in_dim3A_34, %mul3A_36 : vector<1x64xf32>
    %mul3A_38 = arith.mulf %mul3A_30, %mul3A_30 : vector<1x64xf32>
    %sub3A = arith.subf %mul3A_37, %mul3A_38 : vector<1x64xf32>
    %sub3A_39 = vector.broadcast %mul3A_30 : vector<1x64xf32> to vector<10112x64xf32>
    %sub3A_40 = arith.subf %select_n3A, %sub3A_39 : vector<10112x64xf32>
    %add3A_41 = arith.constant 9.99999974E-6 : f32
    %add3A_42 = vector.broadcast %add3A_41 : f32 to vector<1x64xf32>
    %add3A_43 = arith.addf %sub3A, %add3A_42 : vector<1x64xf32>
    %rsqrt3A = math.rsqrt %add3A_43 : vector<1x64xf32>
    %mul3A_44 = vector.broadcast %rsqrt3A : vector<1x64xf32> to vector<10112x64xf32>
    %mul3A_45 = arith.mulf %sub3A_40, %mul3A_44 : vector<10112x64xf32>
    %mul3A_46 = vector.broadcast %get3A_22 : vector<1x64xf32> to vector<10112x64xf32>
    %mul3A_47 = arith.mulf %mul3A_45, %mul3A_46 : vector<10112x64xf32>
    %add3A_48 = vector.broadcast %get3A_25 : vector<1x64xf32> to vector<10112x64xf32>
    %add3A_49 = arith.addf %mul3A_47, %add3A_48 : vector<10112x64xf32>
    %max3A = arith.constant 0.000000e+00 : f32
    %max3A_50 = vector.broadcast %max3A : f32 to vector<10112x64xf32>
    %max3A_51 = arith.maximumf %add3A_49, %max3A_50 : vector<10112x64xf32>
    %swap3A = arith.constant 0 : index
    %swap3A_52 = arith.constant 0 : index
    %swap3A_53 = vector.load %arg9[%swap3A, %swap3A_52] : memref<10112x64xf32, #tpu.memory_space<vmem>>, vector<10112x64xf32>
    tpu.vector_store %arg9[%swap3A, %swap3A_52], %max3A_51 {strides = array<i32>} : memref<10112x64xf32, #tpu.memory_space<vmem>>, vector<10112x64xf32>,
    %get3A_54 = arith.constant 0 : index
    %get3A_55 = arith.constant 0 : index
    %get3A_56 = vector.load %arg7[%get3A_54, %get3A_55] : memref<64x64xf32, #tpu.memory_space<vmem>>, vector<64x64xf32>
    %dot_general3A = arith.constant dense<0.000000e+00> : vector<10112x64xf32>
    %dot_general3A_57 = tpu.matmul %max3A_51, %get3A_56, %dot_general3A {dimension_numbers = #tpu.dot_dimension_numbers<[1], [0], [0], [1], [0, 0, 1, 1], [], []>, transpose_lhs_hint = false} : vector<10112x64xf32>, vector<64x64xf32>, vector<10112x64xf32> -> vector<10112x64xf32>
    %mul3A_58 = vector.broadcast %get3A_1 : vector<10112x1xf32> to vector<10112x64xf32>
    %mul3A_59 = arith.mulf %dot_general3A_57, %mul3A_58 : vector<10112x64xf32>
    %swap3A_60 = arith.constant 0 : index
    %swap3A_61 = arith.constant 0 : index
    %swap3A_62 = vector.load %arg10[%swap3A_60, %swap3A_61] : memref<10112x64xf32, #tpu.memory_space<vmem>>, vector<10112x64xf32>
    tpu.vector_store %arg10[%swap3A_60, %swap3A_61], %mul3A_59 {strides = array<i32>} : memref<10112x64xf32, #tpu.memory_space<vmem>>, vector<10112x64xf32>,
    return
  }
}

module attributes {stable_mosaic.version = 14 : i64} {
  func.func @_combine_body(%arg0: memref<10112x64xf32, #tpu.memory_space<vmem>>, %arg1: memref<10112x64xf32, #tpu.memory_space<vmem>>, %arg2: memref<10112x64xf32, #tpu.memory_space<vmem>>, %arg3: memref<10112x1xf32, #tpu.memory_space<vmem>>, %arg4: memref<1x64xf32, #tpu.memory_space<vmem>>, %arg5: memref<1x64xf32, #tpu.memory_space<vmem>>, %arg6: memref<1x64xf32, #tpu.memory_space<vmem>>, %arg7: memref<64x64xf32, #tpu.memory_space<vmem>>, %arg8: memref<10112x64xf32, #tpu.memory_space<vmem>>, %arg9: memref<10112x64xf32, #tpu.memory_space<vmem>>, %arg10: memref<10112x64xf32, #tpu.memory_space<vmem>>) attributes {dimension_semantics = [], scalar_prefetch = 0 : i64, scratch_operands = 0 : i64, tpu.core_type = #tpu.core_type<tc>} {
    %get3A = arith.constant 0 : index
    %get3A_0 = arith.constant 0 : index
    %get3A_1 = vector.load %arg3[%get3A, %get3A_0] : memref<10112x1xf32, #tpu.memory_space<vmem>>, vector<10112x1xf32>
    %get3A_2 = arith.constant 0 : index
    %get3A_3 = arith.constant 0 : index
    %get3A_4 = vector.load %arg0[%get3A_2, %get3A_3] : memref<10112x64xf32, #tpu.memory_space<vmem>>, vector<10112x64xf32>
    %get3A_5 = arith.constant 0 : index
    %get3A_6 = arith.constant 0 : index
    %get3A_7 = vector.load %arg1[%get3A_5, %get3A_6] : memref<10112x64xf32, #tpu.memory_space<vmem>>, vector<10112x64xf32>
    %add3A = arith.addf %get3A_4, %get3A_7 : vector<10112x64xf32>
    %get3A_8 = arith.constant 0 : index
    %get3A_9 = arith.constant 0 : index
    %get3A_10 = vector.load %arg2[%get3A_8, %get3A_9] : memref<10112x64xf32, #tpu.memory_space<vmem>>, vector<10112x64xf32>
    %add3A_11 = arith.addf %add3A, %get3A_10 : vector<10112x64xf32>
    %mul3A = vector.broadcast %get3A_1 : vector<10112x1xf32> to vector<10112x64xf32>
    %mul3A_12 = arith.mulf %add3A_11, %mul3A : vector<10112x64xf32>
    %get3A_13 = arith.constant 0 : index
    %get3A_14 = arith.constant 0 : index
    %get3A_15 = vector.load %arg4[%get3A_13, %get3A_14] : memref<1x64xf32, #tpu.memory_space<vmem>>, vector<1x64xf32>
    %add3A_16 = vector.broadcast %get3A_15 : vector<1x64xf32> to vector<10112x64xf32>
    %add3A_17 = arith.addf %mul3A_12, %add3A_16 : vector<10112x64xf32>
    %iota3A = tpu.iota {dimensions = array<i32: 0>} : vector<10112x64xi32>
    %lt3A = arith.constant 10000 : i32
    %lt3A_18 = vector.broadcast %lt3A : i32 to vector<10112x64xi32>
    %lt3A_19 = arith.cmpi slt, %iota3A, %lt3A_18 : vector<10112x64xi32>
    %jit3A = arith.constant 0.000000e+00 : f32
    %broadcast_in_dim3A = vector.broadcast %jit3A : f32 to vector<10112x64xf32>
    %select_n3A = arith.select %lt3A_19, %add3A_17, %broadcast_in_dim3A : vector<10112x64xi1>, vector<10112x64xf32>
    %get3A_20 = arith.constant 0 : index
    %get3A_21 = arith.constant 0 : index
    %get3A_22 = vector.load %arg5[%get3A_20, %get3A_21] : memref<1x64xf32, #tpu.memory_space<vmem>>, vector<1x64xf32>
    %get3A_23 = arith.constant 0 : index
    %get3A_24 = arith.constant 0 : index
    %get3A_25 = vector.load %arg6[%get3A_23, %get3A_24] : memref<1x64xf32, #tpu.memory_space<vmem>>, vector<1x64xf32>
    %reduce_sum3A = arith.constant dense<0.000000e+00> : vector<64xf32>
    %reduce_sum3A_26 = vector.multi_reduction <add>, %select_n3A, %reduce_sum3A [0] : vector<10112x64xf32> to vector<64xf32>
    %broadcast_in_dim3A_27 = vector.shape_cast %reduce_sum3A_26 : vector<64xf32> to vector<1x64xf32>
    %mul3A_28 = arith.constant 9.99999974E-5 : f32
    %mul3A_29 = vector.broadcast %mul3A_28 : f32 to vector<1x64xf32>
    %mul3A_30 = arith.mulf %broadcast_in_dim3A_27, %mul3A_29 : vector<1x64xf32>
    %mul3A_31 = arith.mulf %select_n3A, %select_n3A : vector<10112x64xf32>
    %reduce_sum3A_32 = arith.constant dense<0.000000e+00> : vector<64xf32>
    %reduce_sum3A_33 = vector.multi_reduction <add>, %mul3A_31, %reduce_sum3A_32 [0] : vector<10112x64xf32> to vector<64xf32>
    %broadcast_in_dim3A_34 = vector.shape_cast %reduce_sum3A_33 : vector<64xf32> to vector<1x64xf32>
    %mul3A_35 = arith.constant 9.99999974E-5 : f32
    %mul3A_36 = vector.broadcast %mul3A_35 : f32 to vector<1x64xf32>
    %mul3A_37 = arith.mulf %broadcast_in_dim3A_34, %mul3A_36 : vector<1x64xf32>
    %mul3A_38 = arith.mulf %mul3A_30, %mul3A_30 : vector<1x64xf32>
    %sub3A = arith.subf %mul3A_37, %mul3A_38 : vector<1x64xf32>
    %sub3A_39 = vector.broadcast %mul3A_30 : vector<1x64xf32> to vector<10112x64xf32>
    %sub3A_40 = arith.subf %select_n3A, %sub3A_39 : vector<10112x64xf32>
    %add3A_41 = arith.constant 9.99999974E-6 : f32
    %add3A_42 = vector.broadcast %add3A_41 : f32 to vector<1x64xf32>
    %add3A_43 = arith.addf %sub3A, %add3A_42 : vector<1x64xf32>
    %rsqrt3A = math.rsqrt %add3A_43 : vector<1x64xf32>
    %mul3A_44 = vector.broadcast %rsqrt3A : vector<1x64xf32> to vector<10112x64xf32>
    %mul3A_45 = arith.mulf %sub3A_40, %mul3A_44 : vector<10112x64xf32>
    %mul3A_46 = vector.broadcast %get3A_22 : vector<1x64xf32> to vector<10112x64xf32>
    %mul3A_47 = arith.mulf %mul3A_45, %mul3A_46 : vector<10112x64xf32>
    %add3A_48 = vector.broadcast %get3A_25 : vector<1x64xf32> to vector<10112x64xf32>
    %add3A_49 = arith.addf %mul3A_47, %add3A_48 : vector<10112x64xf32>
    %max3A = arith.constant 0.000000e+00 : f32
    %max3A_50 = vector.broadcast %max3A : f32 to vector<10112x64xf32>
    %max3A_51 = arith.maximumf %add3A_49, %max3A_50 : vector<10112x64xf32>
    %get3A_52 = arith.constant 0 : index
    %get3A_53 = arith.constant 0 : index
    %get3A_54 = vector.load %arg8[%get3A_52, %get3A_53] : memref<10112x64xf32, #tpu.memory_space<vmem>>, vector<10112x64xf32>
    %add3A_55 = arith.addf %max3A_51, %get3A_54 : vector<10112x64xf32>
    %swap3A = arith.constant 0 : index
    %swap3A_56 = arith.constant 0 : index
    %swap3A_57 = vector.load %arg9[%swap3A, %swap3A_56] : memref<10112x64xf32, #tpu.memory_space<vmem>>, vector<10112x64xf32>
    tpu.vector_store %arg9[%swap3A, %swap3A_56], %add3A_55 {strides = array<i32>} : memref<10112x64xf32, #tpu.memory_space<vmem>>, vector<10112x64xf32>,
    %get3A_58 = arith.constant 0 : index
    %get3A_59 = arith.constant 0 : index
    %get3A_60 = vector.load %arg7[%get3A_58, %get3A_59] : memref<64x64xf32, #tpu.memory_space<vmem>>, vector<64x64xf32>
    %dot_general3A = arith.constant dense<0.000000e+00> : vector<10112x64xf32>
    %dot_general3A_61 = tpu.matmul %add3A_55, %get3A_60, %dot_general3A {dimension_numbers = #tpu.dot_dimension_numbers<[1], [0], [0], [1], [0, 0, 1, 1], [], []>, transpose_lhs_hint = false} : vector<10112x64xf32>, vector<64x64xf32>, vector<10112x64xf32> -> vector<10112x64xf32>
    %mul3A_62 = vector.broadcast %get3A_1 : vector<10112x1xf32> to vector<10112x64xf32>
    %mul3A_63 = arith.mulf %dot_general3A_61, %mul3A_62 : vector<10112x64xf32>
    %swap3A_64 = arith.constant 0 : index
    %swap3A_65 = arith.constant 0 : index
    %swap3A_66 = vector.load %arg10[%swap3A_64, %swap3A_65] : memref<10112x64xf32, #tpu.memory_space<vmem>>, vector<10112x64xf32>
    tpu.vector_store %arg10[%swap3A_64, %swap3A_65], %mul3A_63 {strides = array<i32>} : memref<10112x64xf32, #tpu.memory_space<vmem>>, vector<10112x64xf32>,
    return
  }
}

module attributes {stable_mosaic.version = 14 : i64} {
  func.func @_final_body(%arg0: memref<10112x64xf32, #tpu.memory_space<vmem>>, %arg1: memref<10112x64xf32, #tpu.memory_space<vmem>>, %arg2: memref<10112x64xf32, #tpu.memory_space<vmem>>, %arg3: memref<10112x1xf32, #tpu.memory_space<vmem>>, %arg4: memref<1x64xf32, #tpu.memory_space<vmem>>, %arg5: memref<1x64xf32, #tpu.memory_space<vmem>>, %arg6: memref<1x64xf32, #tpu.memory_space<vmem>>, %arg7: memref<10112x64xf32, #tpu.memory_space<vmem>>, %arg8: memref<64x64xf32, #tpu.memory_space<vmem>>, %arg9: memref<1x64xf32, #tpu.memory_space<vmem>>, %arg10: memref<1x64xf32, #tpu.memory_space<vmem>>, %arg11: memref<1x64xf32, #tpu.memory_space<vmem>>, %arg12: memref<64x32xf32, #tpu.memory_space<vmem>>, %arg13: memref<1x32xf32, #tpu.memory_space<vmem>>, %arg14: memref<1x32xf32, #tpu.memory_space<vmem>>, %arg15: memref<1x32xf32, #tpu.memory_space<vmem>>, %arg16: memref<32x4xf32, #tpu.memory_space<vmem>>, %arg17: memref<1x4xf32, #tpu.memory_space<vmem>>, %arg18: memref<10112x4xf32, #tpu.memory_space<vmem>>) attributes {dimension_semantics = [], scalar_prefetch = 0 : i64, scratch_operands = 0 : i64, tpu.core_type = #tpu.core_type<tc>} {
    %get3A = arith.constant 0 : index
    %get3A_0 = arith.constant 0 : index
    %get3A_1 = vector.load %arg3[%get3A, %get3A_0] : memref<10112x1xf32, #tpu.memory_space<vmem>>, vector<10112x1xf32>
    %get3A_2 = arith.constant 0 : index
    %get3A_3 = arith.constant 0 : index
    %get3A_4 = vector.load %arg0[%get3A_2, %get3A_3] : memref<10112x64xf32, #tpu.memory_space<vmem>>, vector<10112x64xf32>
    %get3A_5 = arith.constant 0 : index
    %get3A_6 = arith.constant 0 : index
    %get3A_7 = vector.load %arg1[%get3A_5, %get3A_6] : memref<10112x64xf32, #tpu.memory_space<vmem>>, vector<10112x64xf32>
    %add3A = arith.addf %get3A_4, %get3A_7 : vector<10112x64xf32>
    %get3A_8 = arith.constant 0 : index
    %get3A_9 = arith.constant 0 : index
    %get3A_10 = vector.load %arg2[%get3A_8, %get3A_9] : memref<10112x64xf32, #tpu.memory_space<vmem>>, vector<10112x64xf32>
    %add3A_11 = arith.addf %add3A, %get3A_10 : vector<10112x64xf32>
    %mul3A = vector.broadcast %get3A_1 : vector<10112x1xf32> to vector<10112x64xf32>
    %mul3A_12 = arith.mulf %add3A_11, %mul3A : vector<10112x64xf32>
    %get3A_13 = arith.constant 0 : index
    %get3A_14 = arith.constant 0 : index
    %get3A_15 = vector.load %arg4[%get3A_13, %get3A_14] : memref<1x64xf32, #tpu.memory_space<vmem>>, vector<1x64xf32>
    %add3A_16 = vector.broadcast %get3A_15 : vector<1x64xf32> to vector<10112x64xf32>
    %add3A_17 = arith.addf %mul3A_12, %add3A_16 : vector<10112x64xf32>
    %iota3A = tpu.iota {dimensions = array<i32: 0>} : vector<10112x64xi32>
    %lt3A = arith.constant 10000 : i32
    %lt3A_18 = vector.broadcast %lt3A : i32 to vector<10112x64xi32>
    %lt3A_19 = arith.cmpi slt, %iota3A, %lt3A_18 : vector<10112x64xi32>
    %jit3A = arith.constant 0.000000e+00 : f32
    %broadcast_in_dim3A = vector.broadcast %jit3A : f32 to vector<10112x64xf32>
    %select_n3A = arith.select %lt3A_19, %add3A_17, %broadcast_in_dim3A : vector<10112x64xi1>, vector<10112x64xf32>
    %get3A_20 = arith.constant 0 : index
    %get3A_21 = arith.constant 0 : index
    %get3A_22 = vector.load %arg5[%get3A_20, %get3A_21] : memref<1x64xf32, #tpu.memory_space<vmem>>, vector<1x64xf32>
    %get3A_23 = arith.constant 0 : index
    %get3A_24 = arith.constant 0 : index
    %get3A_25 = vector.load %arg6[%get3A_23, %get3A_24] : memref<1x64xf32, #tpu.memory_space<vmem>>, vector<1x64xf32>
    %reduce_sum3A = arith.constant dense<0.000000e+00> : vector<64xf32>
    %reduce_sum3A_26 = vector.multi_reduction <add>, %select_n3A, %reduce_sum3A [0] : vector<10112x64xf32> to vector<64xf32>
    %broadcast_in_dim3A_27 = vector.shape_cast %reduce_sum3A_26 : vector<64xf32> to vector<1x64xf32>
    %mul3A_28 = arith.constant 9.99999974E-5 : f32
    %mul3A_29 = vector.broadcast %mul3A_28 : f32 to vector<1x64xf32>
    %mul3A_30 = arith.mulf %broadcast_in_dim3A_27, %mul3A_29 : vector<1x64xf32>
    %mul3A_31 = arith.mulf %select_n3A, %select_n3A : vector<10112x64xf32>
    %reduce_sum3A_32 = arith.constant dense<0.000000e+00> : vector<64xf32>
    %reduce_sum3A_33 = vector.multi_reduction <add>, %mul3A_31, %reduce_sum3A_32 [0] : vector<10112x64xf32> to vector<64xf32>
    %broadcast_in_dim3A_34 = vector.shape_cast %reduce_sum3A_33 : vector<64xf32> to vector<1x64xf32>
    %mul3A_35 = arith.constant 9.99999974E-5 : f32
    %mul3A_36 = vector.broadcast %mul3A_35 : f32 to vector<1x64xf32>
    %mul3A_37 = arith.mulf %broadcast_in_dim3A_34, %mul3A_36 : vector<1x64xf32>
    %mul3A_38 = arith.mulf %mul3A_30, %mul3A_30 : vector<1x64xf32>
    %sub3A = arith.subf %mul3A_37, %mul3A_38 : vector<1x64xf32>
    %sub3A_39 = vector.broadcast %mul3A_30 : vector<1x64xf32> to vector<10112x64xf32>
    %sub3A_40 = arith.subf %select_n3A, %sub3A_39 : vector<10112x64xf32>
    %add3A_41 = arith.constant 9.99999974E-6 : f32
    %add3A_42 = vector.broadcast %add3A_41 : f32 to vector<1x64xf32>
    %add3A_43 = arith.addf %sub3A, %add3A_42 : vector<1x64xf32>
    %rsqrt3A = math.rsqrt %add3A_43 : vector<1x64xf32>
    %mul3A_44 = vector.broadcast %rsqrt3A : vector<1x64xf32> to vector<10112x64xf32>
    %mul3A_45 = arith.mulf %sub3A_40, %mul3A_44 : vector<10112x64xf32>
    %mul3A_46 = vector.broadcast %get3A_22 : vector<1x64xf32> to vector<10112x64xf32>
    %mul3A_47 = arith.mulf %mul3A_45, %mul3A_46 : vector<10112x64xf32>
    %add3A_48 = vector.broadcast %get3A_25 : vector<1x64xf32> to vector<10112x64xf32>
    %add3A_49 = arith.addf %mul3A_47, %add3A_48 : vector<10112x64xf32>
    %get3A_50 = arith.constant 0 : index
    %get3A_51 = arith.constant 0 : index
    %get3A_52 = vector.load %arg7[%get3A_50, %get3A_51] : memref<10112x64xf32, #tpu.memory_space<vmem>>, vector<10112x64xf32>
    %add3A_53 = arith.addf %add3A_49, %get3A_52 : vector<10112x64xf32>
    %get3A_54 = arith.constant 0 : index
    %get3A_55 = arith.constant 0 : index
    %get3A_56 = vector.load %arg8[%get3A_54, %get3A_55] : memref<64x64xf32, #tpu.memory_space<vmem>>, vector<64x64xf32>
    %dot_general3A = arith.constant dense<0.000000e+00> : vector<10112x64xf32>
    %dot_general3A_57 = tpu.matmul %add3A_53, %get3A_56, %dot_general3A {dimension_numbers = #tpu.dot_dimension_numbers<[1], [0], [0], [1], [0, 0, 1, 1], [], []>, transpose_lhs_hint = false} : vector<10112x64xf32>, vector<64x64xf32>, vector<10112x64xf32> -> vector<10112x64xf32>
    %iota3A_58 = tpu.iota {dimensions = array<i32: 0>} : vector<10112x64xi32>
    %lt3A_59 = arith.constant 10000 : i32
    %lt3A_60 = vector.broadcast %lt3A_59 : i32 to vector<10112x64xi32>
    %lt3A_61 = arith.cmpi slt, %iota3A_58, %lt3A_60 : vector<10112x64xi32>
    %get3A_62 = arith.constant 0 : index
    %get3A_63 = arith.constant 0 : index
    %get3A_64 = vector.load %arg9[%get3A_62, %get3A_63] : memref<1x64xf32, #tpu.memory_space<vmem>>, vector<1x64xf32>
    %add3A_65 = vector.broadcast %get3A_64 : vector<1x64xf32> to vector<10112x64xf32>
    %add3A_66 = arith.addf %dot_general3A_57, %add3A_65 : vector<10112x64xf32>
    %jit3A_67 = arith.constant 0.000000e+00 : f32
    %broadcast_in_dim3A_68 = vector.broadcast %jit3A_67 : f32 to vector<10112x64xf32>
    %select_n3A_69 = arith.select %lt3A_61, %add3A_66, %broadcast_in_dim3A_68 : vector<10112x64xi1>, vector<10112x64xf32>
    %get3A_70 = arith.constant 0 : index
    %get3A_71 = arith.constant 0 : index
    %get3A_72 = vector.load %arg10[%get3A_70, %get3A_71] : memref<1x64xf32, #tpu.memory_space<vmem>>, vector<1x64xf32>
    %get3A_73 = arith.constant 0 : index
    %get3A_74 = arith.constant 0 : index
    %get3A_75 = vector.load %arg11[%get3A_73, %get3A_74] : memref<1x64xf32, #tpu.memory_space<vmem>>, vector<1x64xf32>
    %reduce_sum3A_76 = arith.constant dense<0.000000e+00> : vector<64xf32>
    %reduce_sum3A_77 = vector.multi_reduction <add>, %select_n3A_69, %reduce_sum3A_76 [0] : vector<10112x64xf32> to vector<64xf32>
    %broadcast_in_dim3A_78 = vector.shape_cast %reduce_sum3A_77 : vector<64xf32> to vector<1x64xf32>
    %mul3A_79 = arith.constant 9.99999974E-5 : f32
    %mul3A_80 = vector.broadcast %mul3A_79 : f32 to vector<1x64xf32>
    %mul3A_81 = arith.mulf %broadcast_in_dim3A_78, %mul3A_80 : vector<1x64xf32>
    %mul3A_82 = arith.mulf %select_n3A_69, %select_n3A_69 : vector<10112x64xf32>
    %reduce_sum3A_83 = arith.constant dense<0.000000e+00> : vector<64xf32>
    %reduce_sum3A_84 = vector.multi_reduction <add>, %mul3A_82, %reduce_sum3A_83 [0] : vector<10112x64xf32> to vector<64xf32>
    %broadcast_in_dim3A_85 = vector.shape_cast %reduce_sum3A_84 : vector<64xf32> to vector<1x64xf32>
    %mul3A_86 = arith.constant 9.99999974E-5 : f32
    %mul3A_87 = vector.broadcast %mul3A_86 : f32 to vector<1x64xf32>
    %mul3A_88 = arith.mulf %broadcast_in_dim3A_85, %mul3A_87 : vector<1x64xf32>
    %mul3A_89 = arith.mulf %mul3A_81, %mul3A_81 : vector<1x64xf32>
    %sub3A_90 = arith.subf %mul3A_88, %mul3A_89 : vector<1x64xf32>
    %sub3A_91 = vector.broadcast %mul3A_81 : vector<1x64xf32> to vector<10112x64xf32>
    %sub3A_92 = arith.subf %select_n3A_69, %sub3A_91 : vector<10112x64xf32>
    %add3A_93 = arith.constant 9.99999974E-6 : f32
    %add3A_94 = vector.broadcast %add3A_93 : f32 to vector<1x64xf32>
    %add3A_95 = arith.addf %sub3A_90, %add3A_94 : vector<1x64xf32>
    %rsqrt3A_96 = math.rsqrt %add3A_95 : vector<1x64xf32>
    %mul3A_97 = vector.broadcast %rsqrt3A_96 : vector<1x64xf32> to vector<10112x64xf32>
    %mul3A_98 = arith.mulf %sub3A_92, %mul3A_97 : vector<10112x64xf32>
    %mul3A_99 = vector.broadcast %get3A_72 : vector<1x64xf32> to vector<10112x64xf32>
    %mul3A_100 = arith.mulf %mul3A_98, %mul3A_99 : vector<10112x64xf32>
    %add3A_101 = vector.broadcast %get3A_75 : vector<1x64xf32> to vector<10112x64xf32>
    %add3A_102 = arith.addf %mul3A_100, %add3A_101 : vector<10112x64xf32>
    %max3A = arith.constant 0.000000e+00 : f32
    %max3A_103 = vector.broadcast %max3A : f32 to vector<10112x64xf32>
    %max3A_104 = arith.maximumf %add3A_102, %max3A_103 : vector<10112x64xf32>
    %get3A_105 = arith.constant 0 : index
    %get3A_106 = arith.constant 0 : index
    %get3A_107 = vector.load %arg12[%get3A_105, %get3A_106] : memref<64x32xf32, #tpu.memory_space<vmem>>, vector<64x32xf32>
    %dot_general3A_108 = arith.constant dense<0.000000e+00> : vector<10112x32xf32>
    %dot_general3A_109 = tpu.matmul %max3A_104, %get3A_107, %dot_general3A_108 {dimension_numbers = #tpu.dot_dimension_numbers<[1], [0], [0], [1], [0, 0, 1, 1], [], []>, transpose_lhs_hint = false} : vector<10112x64xf32>, vector<64x32xf32>, vector<10112x32xf32> -> vector<10112x32xf32>
    %iota3A_110 = tpu.iota {dimensions = array<i32: 0>} : vector<10112x32xi32>
    %lt3A_111 = arith.constant 10000 : i32
    %lt3A_112 = vector.broadcast %lt3A_111 : i32 to vector<10112x32xi32>
    %lt3A_113 = arith.cmpi slt, %iota3A_110, %lt3A_112 : vector<10112x32xi32>
    %get3A_114 = arith.constant 0 : index
    %get3A_115 = arith.constant 0 : index
    %get3A_116 = vector.load %arg13[%get3A_114, %get3A_115] : memref<1x32xf32, #tpu.memory_space<vmem>>, vector<1x32xf32>
    %add3A_117 = vector.broadcast %get3A_116 : vector<1x32xf32> to vector<10112x32xf32>
    %add3A_118 = arith.addf %dot_general3A_109, %add3A_117 : vector<10112x32xf32>
    %jit3A_119 = arith.constant 0.000000e+00 : f32
    %broadcast_in_dim3A_120 = vector.broadcast %jit3A_119 : f32 to vector<10112x32xf32>
    %select_n3A_121 = arith.select %lt3A_113, %add3A_118, %broadcast_in_dim3A_120 : vector<10112x32xi1>, vector<10112x32xf32>
    %get3A_122 = arith.constant 0 : index
    %get3A_123 = arith.constant 0 : index
    %get3A_124 = vector.load %arg14[%get3A_122, %get3A_123] : memref<1x32xf32, #tpu.memory_space<vmem>>, vector<1x32xf32>
    %get3A_125 = arith.constant 0 : index
    %get3A_126 = arith.constant 0 : index
    %get3A_127 = vector.load %arg15[%get3A_125, %get3A_126] : memref<1x32xf32, #tpu.memory_space<vmem>>, vector<1x32xf32>
    %reduce_sum3A_128 = arith.constant dense<0.000000e+00> : vector<32xf32>
    %reduce_sum3A_129 = vector.multi_reduction <add>, %select_n3A_121, %reduce_sum3A_128 [0] : vector<10112x32xf32> to vector<32xf32>
    %broadcast_in_dim3A_130 = vector.shape_cast %reduce_sum3A_129 : vector<32xf32> to vector<1x32xf32>
    %mul3A_131 = arith.constant 9.99999974E-5 : f32
    %mul3A_132 = vector.broadcast %mul3A_131 : f32 to vector<1x32xf32>
    %mul3A_133 = arith.mulf %broadcast_in_dim3A_130, %mul3A_132 : vector<1x32xf32>
    %mul3A_134 = arith.mulf %select_n3A_121, %select_n3A_121 : vector<10112x32xf32>
    %reduce_sum3A_135 = arith.constant dense<0.000000e+00> : vector<32xf32>
    %reduce_sum3A_136 = vector.multi_reduction <add>, %mul3A_134, %reduce_sum3A_135 [0] : vector<10112x32xf32> to vector<32xf32>
    %broadcast_in_dim3A_137 = vector.shape_cast %reduce_sum3A_136 : vector<32xf32> to vector<1x32xf32>
    %mul3A_138 = arith.constant 9.99999974E-5 : f32
    %mul3A_139 = vector.broadcast %mul3A_138 : f32 to vector<1x32xf32>
    %mul3A_140 = arith.mulf %broadcast_in_dim3A_137, %mul3A_139 : vector<1x32xf32>
    %mul3A_141 = arith.mulf %mul3A_133, %mul3A_133 : vector<1x32xf32>
    %sub3A_142 = arith.subf %mul3A_140, %mul3A_141 : vector<1x32xf32>
    %sub3A_143 = vector.broadcast %mul3A_133 : vector<1x32xf32> to vector<10112x32xf32>
    %sub3A_144 = arith.subf %select_n3A_121, %sub3A_143 : vector<10112x32xf32>
    %add3A_145 = arith.constant 9.99999974E-6 : f32
    %add3A_146 = vector.broadcast %add3A_145 : f32 to vector<1x32xf32>
    %add3A_147 = arith.addf %sub3A_142, %add3A_146 : vector<1x32xf32>
    %rsqrt3A_148 = math.rsqrt %add3A_147 : vector<1x32xf32>
    %mul3A_149 = vector.broadcast %rsqrt3A_148 : vector<1x32xf32> to vector<10112x32xf32>
    %mul3A_150 = arith.mulf %sub3A_144, %mul3A_149 : vector<10112x32xf32>
    %mul3A_151 = vector.broadcast %get3A_124 : vector<1x32xf32> to vector<10112x32xf32>
    %mul3A_152 = arith.mulf %mul3A_150, %mul3A_151 : vector<10112x32xf32>
    %add3A_153 = vector.broadcast %get3A_127 : vector<1x32xf32> to vector<10112x32xf32>
    %add3A_154 = arith.addf %mul3A_152, %add3A_153 : vector<10112x32xf32>
    %max3A_155 = arith.constant 0.000000e+00 : f32
    %max3A_156 = vector.broadcast %max3A_155 : f32 to vector<10112x32xf32>
    %max3A_157 = arith.maximumf %add3A_154, %max3A_156 : vector<10112x32xf32>
    %get3A_158 = arith.constant 0 : index
    %get3A_159 = arith.constant 0 : index
    %get3A_160 = vector.load %arg16[%get3A_158, %get3A_159] : memref<32x4xf32, #tpu.memory_space<vmem>>, vector<32x4xf32>
    %dot_general3A_161 = arith.constant dense<0.000000e+00> : vector<10112x4xf32>
    %dot_general3A_162 = tpu.matmul %max3A_157, %get3A_160, %dot_general3A_161 {dimension_numbers = #tpu.dot_dimension_numbers<[1], [0], [0], [1], [0, 0, 1, 1], [], []>, transpose_lhs_hint = false} : vector<10112x32xf32>, vector<32x4xf32>, vector<10112x4xf32> -> vector<10112x4xf32>
    %get3A_163 = arith.constant 0 : index
    %get3A_164 = arith.constant 0 : index
    %get3A_165 = vector.load %arg17[%get3A_163, %get3A_164] : memref<1x4xf32, #tpu.memory_space<vmem>>, vector<1x4xf32>
    %add3A_166 = vector.broadcast %get3A_165 : vector<1x4xf32> to vector<10112x4xf32>
    %add3A_167 = arith.addf %dot_general3A_162, %add3A_166 : vector<10112x4xf32>
    %neg3A = arith.constant 0.000000e+00 : f32
    %neg3A_168 = vector.broadcast %neg3A : f32 to vector<10112x4xf32>
    %neg3A_169 = arith.subf %neg3A_168, %add3A_167 : vector<10112x4xf32>
    %exp3A = math.exp %neg3A_169 : vector<10112x4xf32>
    %add3A_170 = arith.constant 1.000000e+00 : f32
    %add3A_171 = vector.broadcast %add3A_170 : f32 to vector<10112x4xf32>
    %add3A_172 = arith.addf %add3A_171, %exp3A : vector<10112x4xf32>
    %div3A = arith.constant 1.000000e+00 : f32
    %div3A_173 = vector.broadcast %div3A : f32 to vector<10112x4xf32>
    %div3A_174 = arith.divf %div3A_173, %add3A_172 : vector<10112x4xf32>
    %swap3A = arith.constant 0 : index
    %swap3A_175 = arith.constant 0 : index
    %swap3A_176 = vector.load %arg18[%swap3A, %swap3A_175] : memref<10112x4xf32, #tpu.memory_space<vmem>>, vector<10112x4xf32>
    tpu.vector_store %arg18[%swap3A, %swap3A_175], %div3A_174 {strides = array<i32>} : memref<10112x4xf32, #tpu.memory_space<vmem>>, vector<10112x4xf32>,
    return
  }
}

</mosaic_0001>

<sc_bundles>
// kernel: kernel.10.cloned.1.call-start
scs
__scs_entry_jumppad:
0x0: {  	(pc) =	sbr.rel $0x88, $3  }
0x1: {  	(tag) =	ssettag $0x0;
	lr =	simm.s32 $0x1  }
0x2: {  	[smem:$0x3F89] =	sst lr;
	_ =	strace $0xD0000000  }
0x3: {  	_ = 	snop  }
0x4: {  	_ = 	snop  }
0x5: {  	_ = 	snop  }
0x6: {  	_ = 	snop  }
0x7: {  	_ = 	snop  }
__scs_overlays_trampoline_lowered:
0x8: {  	[smem:$0x3F98] =	sst s0  }
0x9: {  	[smem:$0x3F99] =	sst s1  }
0xa: {  	[smem:$0x3F9A] =	sst s2  }
0xb: {  	[smem:$0x3F9B] =	sst s3  }
0xc: {  	[smem:$0x3F9C] =	sst s4  }
0xd: {  	[smem:$0x3F9D] =	sst s5  }
0xe: {  	[smem:$0x3F9E] =	sst s6  }
0xf: {  	[smem:$0x3F9F] =	sst s7  }
0x10: {  	[smem:$0x3FA0] =	sst s8  }
0x11: {  	[smem:$0x3FA1] =	sst s9;
	s0 =	simm.s32 @!p0 $0x0  }
0x12: {  	s1 =	sld [smem:$0x3F87];
	s0 =	simm.s32 @p0 $0x1  }
0x13: {  	[smem:$0x3FA2] =	sst s0;
	s0 =	simm.s32 @!p1 $0x0  }
0x14: {  	s2 =	sld [smem:$0x3F86];
	s0 =	simm.s32 @p1 $0x1  }
0x15: {  	[smem:$0x3FA3] =	sst s0;
	s0 =	simm.s32 @!p2 $0x0  }
0x16: {  	s3 =	sld [smem:$0x3FDB];
	s0 =	simm.s32 @p2 $0x1  }
0x17: {  	s4 =	simm.s32 $0x1BF5;
	[smem:$0x3FA5] =	sst s0  }
0x18: {  	s0 =	sld [smem:$0x3F88];
	_ =	swait.ge [sflag:s4], $0x0  }
0x19: {  	s7 =	sld [smem:$0x3F89]  }
0x1a: {  	s8 =	sadd.s32 $0xFFFFE003, lr  }
0x1b: {  	s9 =	sadd.s32 $0xFFFFFEF7, lr;
	s5 =	simm.s32 $0xFFFFFFFF;
	p2 =	slt.u32 s8, $0xFFFFF086  }
0x1c: {  	p1 =	slt.u32 s9, $0xF7A;
	s5 =	simm.s32 @!p2 $0x0  }
0x1d: {  	s5 =	simm.s32 @p1 $0x1;
	p0 =	seq.s32 s7, s2  }
0x1e: {  	s7 =	smul.u32 @!p0 $0xF7A, s2;
	p2 =	seq.s32 @!p0 s5, $0x0  }
0x1f: {  	s9 =	smul.u32 $0xF7A, s1;
	s8 =	simm.s32 @!p0 $0x1BF5;
	p2 =	por !p2, p0  }
0x20: {  	[sflag:s8] =	ssyncset.s32 @!p0 $0xFFFFF086;
	s6 =	sadd.s32 @!p0 s3, s7;
	s7 =	simm.s32 @!p0 $0x108  }
0x21: {  	s3 =	sadd.s32 s3, s9;
	s6 =	sadd.s32 @!p0 $0x88, s6;
	s7 =	simm.s32 @p2 $0x1082  }
0x22: {  	[simem:s7], [sflag:s8] =	dma.local @!p0 [hbm:s6], $0xF7A  }
0x23: {  	s9 =	sor.u32 $0xD0000000, s2;
	s6 =	simm.s32 $0x108;
	_ =	swait.ge @!p0 [sflag:s8], $0x0  }
0x24: {  	s3 =	sadd.s32 $0x88, s3;
	s6 =	simm.s32 @!p1 $0x1082;
	[sflag:s4] =	ssyncset.s32 $0xFFFFF086  }
0x25: {  	[simem:s6], [sflag:s4] =	dma.local [hbm:s3], $0xF7A  }
0x26: {  	[smem:$0x3F89] =	sst s1;
	(tag) =	ssettag s2;
	_ =	strace s9  }
0x27: {  	s1 =	sld [smem:$0x3F99]  }
0x28: {  	s2 =	sld [smem:$0x3F9A]  }
0x29: {  	s4 =	sld [smem:$0x3F9C]  }
0x2a: {  	p0 =	seq.s32 s5, $0x0;
	s5 =	sld [smem:$0x3F9D]  }
0x2b: {  	s6 =	sld [smem:$0x3F9E]  }
0x2c: {  	s7 =	sld [smem:$0x3F9F]  }
0x2d: {  	s3 =	simm.s32 $0x108;
	s8 =	sld [smem:$0x3FA0]  }
0x2e: {  	s3 =	simm.s32 @!p0 $0x1082;
	s9 =	sld [smem:$0x3FA1]  }
0x2f: {  	lr =	sadd.s32 s0, s3;
	s0 =	sld [smem:$0x3F98]  }
0x30: {  	s3 =	sld [smem:$0x3F9B]  }
0x31: {  	[smem:$0x3FA4] =	sst s10  }
0x32: {  	s10 =	sld [smem:$0x3FA2];
	_ =	sdelay $0x3  }
0x33: {  	p0 =	seq.s32 s10, $0x1;
	s10 =	sld [smem:$0x3FA4];
	_ =	sdelay $0x3  }
0x34: {  	[smem:$0x3FA4] =	sst s10  }
0x35: {  	s10 =	sld [smem:$0x3FA3];
	_ =	sdelay $0x3  }
0x36: {  	p1 =	seq.s32 s10, $0x1;
	s10 =	sld [smem:$0x3FA4];
	_ =	sdelay $0x3  }
0x37: {  	[smem:$0x3FA4] =	sst s10  }
0x38: {  	s10 =	sld [smem:$0x3FA5]  }
0x39: {  	_ = 	snop;
	(pc) =	sbr.ind lr, $3  }
0x3a: {  	_ = 	snop  }
0x3b: {  	_ = 	snop  }
0x3c: {  	p2 =	seq.s32 s10, $0x1;
	s10 =	sld [smem:$0x3FA4]  }
0x3d: {  	_ =	shalt  }
0x3e: {  	_ =	shalt  }
0x3f: {  	_ =	shalt  }
0x40: {  	_ =	shalt  }
0x41: {  	_ =	shalt  }
0x42: {  	_ =	shalt  }
0x43: {  	_ =	shalt  }
0x44: {  	_ =	shalt  }
0x45: {  	_ =	shalt  }
0x46: {  	_ =	shalt  }
0x47: {  	_ =	shalt  }
0x48: {  	_ =	shalt  }
0x49: {  	_ =	shalt  }
0x4a: {  	_ =	shalt  }
0x4b: {  	_ =	shalt  }
0x4c: {  	_ =	shalt  }
0x4d: {  	_ =	shalt  }
0x4e: {  	_ =	shalt  }
0x4f: {  	_ =	shalt  }
0x50: {  	_ =	shalt  }
0x51: {  	_ =	shalt  }
0x52: {  	_ =	shalt  }
0x53: {  	_ =	shalt  }
0x54: {  	_ =	shalt  }
0x55: {  	_ =	shalt  }
0x56: {  	_ =	shalt  }
0x57: {  	_ =	shalt  }
0x58: {  	_ =	shalt  }
0x59: {  	_ =	shalt  }
0x5a: {  	_ =	shalt  }
0x5b: {  	_ =	shalt  }
0x5c: {  	_ =	shalt  }
0x5d: {  	_ =	shalt  }
0x5e: {  	_ =	shalt  }
0x5f: {  	_ =	shalt  }
0x60: {  	_ =	shalt  }
0x61: {  	_ =	shalt  }
0x62: {  	_ =	shalt  }
0x63: {  	_ =	shalt  }
0x64: {  	_ =	shalt  }
0x65: {  	_ =	shalt  }
0x66: {  	_ =	shalt  }
0x67: {  	_ =	shalt  }
0x68: {  	_ =	shalt  }
0x69: {  	_ =	shalt  }
0x6a: {  	_ =	shalt  }
0x6b: {  	_ =	shalt  }
0x6c: {  	_ =	shalt  }
0x6d: {  	_ =	shalt  }
0x6e: {  	_ =	shalt  }
0x6f: {  	_ =	shalt  }
0x70: {  	_ =	shalt  }
0x71: {  	_ =	shalt  }
0x72: {  	_ =	shalt  }
0x73: {  	_ =	shalt  }
0x74: {  	_ =	shalt  }
0x75: {  	_ =	shalt  }
0x76: {  	_ =	shalt  }
0x77: {  	_ =	shalt  }
0x78: {  	_ =	shalt  }
0x79: {  	_ =	shalt  }
0x7a: {  	_ =	shalt  }
0x7b: {  	_ =	shalt  }
0x7c: {  	_ =	shalt  }
0x7d: {  	_ =	shalt  }
0x7e: {  	_ =	shalt  }
0x7f: {  	_ =	shalt  }
0x80: {  	_ =	shalt  }
0x81: {  	_ =	shalt  }
0x82: {  	_ =	shalt  }
0x83: {  	_ =	shalt  }
0x84: {  	_ =	shalt  }
0x85: {  	_ =	shalt  }
0x86: {  	_ =	shalt  }
0x87: {  	_ =	shalt  }
.Lfunc_end0:
.L_simem_size_0:
called_computation_lowered:
.L_overlay_start_0:
0x88: {  	s2 =	sld [smem:$0x3FD9]  }
0x89: {  	s3 =	sld [smem:$0x3FFE];
	_ =	sdelay $0x1  }
0x8a: {  	s1 =	srdreg.scid  }
0x8b: {  	s0 =	sand.u32 $0x1, s1  }
0x8c: {  	s17 =	sshll.u32 s0, $0xA;
	s2 =	sadd.s32 s3, s2  }
0x8d: {  	s2 =	sadd.s32 s2, s17  }
0x8e: {  	[smem:$0x3FB0] =	sst s2  }
0x8f: {  	_ = 	snop  }
0x90: {  	s2 =	sld [smem:$0x3FD0];
	(tm) =	ssettm $0x1  }
0x91: {  	s18 =	sld [smem:$0x3FFB];
	_ =	sdelay $0x3  }
0x92: {  	_ =	strace s18  }
0x93: {  	s3 =	sld [smem:$0x3FFC];
	_ =	sdelay $0x3  }
0x94: {  	_ =	strace s3  }
0x95: {  	s3 =	sld [smem:$0x3FFD];
	_ =	sdelay $0x3  }
0x96: {  	_ =	strace s3  }
0x97: {  	_ =	strace $0x8FFFFFFF  }
0x98: {  	s19 =	sld [smem:$0x3FDB];
	_ =	sdelay $0x1  }
0x99: {  	s4 =	simm.s32 $_scs_section_size  }
0x9a: {  	s5 =	simm.s32 $_size__tile_overlayer_lowered;
	s6 =	simm.s32 $_tile_overlayer_lowered  }
0x9b: {  	s22 =	simm.s32 $0x1BFF;
	s21 =	sshll.u32 s6, $0x1;
	s3 =	sadd.s32 s4, s19  }
0x9c: {  	s7 =	simm.s32 $0x0;
	s20 =	sshll.u32 s5, $0x1;
	s5 =	sadd.s32 s21, s3  }
0x9d: {  	[timem:s7], [sflag:s22] =	dma.local [hbm:s5], s20  }
0x9e: {  	_ =	swait.ge [sflag:s22], s20  }
0x9f: {  	s4 =	ssub.s32 $0x0, s20;
	[sflag:s22] =	ssyncset.done $0x0  }
0xa0: {  	[sflag:s22] =	ssyncadd.s32 s4;
	_ =	sdelay $0x1  }
0xa1: {  	s23 =	simm.s32 $0x1B8B  }
0xa2: {  	_ =	swait.ge [sflag:s23], $0x1  }
0xa3: {  	[sflag:s23] =	ssyncset.done $0x0  }
0xa4: {  	s25 =	simm.s32 $0x1B8E;
	s24 =	sld [smem:$0x3FFE];
	[sflag:s23] =	ssyncadd.s32 $0xFFFFFFFF  }
0xa5: {  	s26 =	simm.s32 $execute0_lowered;
	[smem:$0x3FD2] =	sst s25  }
0xa6: {  	s5 =	sshll.u32 s26, $0x1;
	_ =	strace $0x80000046;
	[dreg:$0x1] =	wrdreg $0xFFFFFFFF  }
0xa7: {  	s28 =	simm.s32 $_size_execute0_lowered;
	s3 =	sadd.s32 s3, s5;
	[dreg:$0x0] =	wrdreg $0x0  }
0xa8: {  	s5 =	sshll.u32 s28, $0x1;
	[dreg:$0x2] =	wrdreg s3  }
0xa9: {  	[dreg:$0x3] =	wrdreg s5  }
0xaa: {  	[dreg:$0x4] =	wrdreg $0xC0  }
0xab: {  	_ =	task [dreg:s7], $0x5FFFF  }
0xac: {  	[dreg:$0x1] =	wrdreg $0xFFFFFFFF  }
0xad: {  	[dreg:$0x0] =	wrdreg $0x60  }
0xae: {  	[dreg:$0x2] =	wrdreg s24  }
0xaf: {  	[dreg:$0x3] =	wrdreg s2  }
0xb0: {  	[dreg:$0x4] =	wrdreg $0x0  }
0xb1: {  	[dreg:$0x5] =	wrdreg $0x9  }
0xb2: {  	_ =	task.clear_ibuf [dreg:s7], $0x6FFFF;
	_ =	strace $0x90000046  }
0xb3: {  	s29 =	simm.s32 $0x9;
	_ =	strace $0x80000048  }
0xb4: {  	_ =	swait.ge [sflag:s29], $0x1  }
0xb5: {  	[sflag:s29] =	ssyncadd.s32 $0xFFFFFFFF  }
0xb6: {  	_ =	strace $0x90000048  }
0xb7: {  	_ =	sfence  }
0xb8: {  	s30 =	sld [smem:$0x0];
	_ =	sdelay $0x2  }
0xb9: {  	s31 =	sshll.u32 s1, $0xD;
	s1 =	sshrl.u32 s1, $0x2  }
0xba: {  	s3 =	sand.u32 $0x4000, s31;
	s1 =	sadd.s32 s1, s30  }
0xbb: {  	s0 =	sor.u32 s3, s0;
	s1 =	sshll.u32 s1, $0x11  }
0xbc: {  	s0 =	sor.u32 s1, s0  }
0xbd: {  	s0 =	sadd.s32 $0x8F2B, s0  }
0xbe: {  	[sflag:s0] =	ssyncadd.remote.s32 $0x1  }
0xbf: {  	_ =	sfence.sel $0xFFFF  }
0xc0: {  	[dreg:$0x0] =	wrdreg $0xFFFFFFFF;
	(pc) =	sbr.abs _section_cstart, $3  }
0xc1: {  	[dreg:$0x1] =	wrdreg $0xFFFFFFFF  }
0xc2: {  	_ =	task.clear_ibuf [dreg:s7], $0x2FFFF;
	_ =	strace $0x9FFFFFFF  }
0xc3: {  	(tm) =	ssettm $0x7FFFFFFF  }
tec
execute0_lowered:
.L_overlay_start_1:
0x0: {  	(tag) =	ssettag $0x1  }
0x1: {  	s7 =	rddreg [dreg:$0x0]  }
0x2: {  	s2 =	rddreg [dreg:$0x1]  }
0x3: {  	s3 =	rddreg [dreg:$0x2]  }
0x4: {  	s0 =	rddreg [dreg:$0x3];
	s4 =	simm.s32 $0x0;
	s1 =	stileid.u32  }
0x5: {  	s5 =	srdreg.scid;
	s13 =	simm.s32 $0x2780;
	s14 =	simm.s32 $0x70  }
0x6: {  	s15 =	simm.s32 $0x20;
	s16 =	simm.s32 $0x4E70;
	s17 =	simm.s32 $0x0  }
0x7: {  	[smem:$0x7FF] =	sst s4;
	s6 =	smul.u32 $0x2780, s1;
	s8 =	sand.u32 $0x1, s5  }
0x8: {  	s31 =	sshll.u32 s1, $0x6;
	_ =	strace $0x80000047;
	s5 =	sshll.u32 s8, $0x4  }
0x9: {  	s10 =	ssub.s32 $0x2, s8;
	p0 =	seq.s32 s8, $0x1;
	s5 =	sor.u32 s1, s5  }
0xa: {  	s9 =	sshrl.u32 s6, $0x3;
	s11 =	sshrl.u32 s10, $0x1;
	s12 =	smul.u32 $0x2710, s5  }
0xb: {  	s30 =	sadd.s32 s6, s3;
	s6 =	sor.u32 $0x1C01, s31;
	s9 =	sadd.s32 s9, s7  }
0xc: {  	s10 =	ssub.s32 s10, s11;
	s11 =	simm.s32 $0x1;
	s12 =	sshrl.u32 s12, $0x3  }
0xd: {  	s5 =	sadd.s32 $0x1AA00, s9;
	s7 =	sadd.s32 s7, s12;
	s12 =	simm.s32 $0x1FA00  }
0xe: {  	s8 =	smax.u32 s10, $0x1;
	s10 =	sshrl.u32 s30, $0x3;
	s12 =	simm.s32 @!p0 $0x24A00  }
0xf: {  	s7 =	sadd.s32 $0x10C40, s7;
	s9 =	sadd.s32 s12, s9;
	s12 =	simm.s32 $0x4E90  }
.LBB2_1:
0x10: {  	[spmem:s10], [sflag:s6] =	dma.local [hbm:s5], $0x4F0  }
0x11: {  	_ =	swait.ge [sflag:s11], $0x4F0  }
0x12: {  	[sflag:s11] =	ssyncset.done $0x0  }
0x13: {  	[sflag:s11] =	ssyncadd.s32 $0xFFFFFB10  }
0x14: {  	[tilespmem:s12], [sflag:$0x1] =	stream.linear.gather [hbm4b:s2+s4], $0x700, $0x38;
	[tilespmem:$0x5590] =	vst v63  }
0x15: {  	_ =	swait.ge [sflag:s11], $0x700  }
0x16: {  	[sflag:s11] =	ssyncset.done $0x0  }
0x17: {  	[sflag:s11] =	ssyncadd.s32 $0xFFFFF900  }
0x18: {  	[tilespmem:s13], [sflag:$0x1] =	stream.linear.gather [hbm4b:s7+s4], $0x2710, $0x38;
	[tilespmem:$0x5590] =	vst v63  }
0x19: {  	_ =	swait.ge [sflag:s11], $0x2710  }
0x1a: {  	[sflag:s11] =	ssyncset.done $0x0  }
0x1b: {  	[sflag:s11] =	ssyncadd.s32 $0xFFFFD8F0  }
0x1c: {  	s18 =	simm.s32 $0x2780;
	[bflag:$0x0] =	sbarrier.arrive $0xFFFF  }
0x1d: {  	[spmem:s3] =	stream.indirect.scatter.add.f32 [tilespmem:s12], [sflag:$0x1], $0x10, s18, s14, $0xb8;
	[tilespmem:$0x5590] =	vst v63  }
0x1e: {  	s18 =	simm.s32 $0x1C0;
	_ =	swait.ge [sflag:s11], $0x700  }
.LBB2_2:
0x1f: {  	s19 =	sshra.s32 s18, $0x2;
	[sflag:s11] =	ssyncset.done $0x0;
	p0 =	sne.s32 s18, $0x9A00  }
.Ltmp0:
0x20: {  	s19 =	sadd.s32 $0x2780, s19;
	[sflag:s11] =	ssyncadd.s32 $0xFFFFF900;
	(pc) =	sbr.rel @p0 .LBB2_2-.Ltmp0, $3  }
0x21: {  	[spmem:s3] =	stream.indirect.scatter.add.f32 [tilespmem:s12], [sflag:$0x1], $0x10, s19, s14, $0xb8;
	[tilespmem:$0x5590] =	vst v63  }
0x22: {  	s18 =	sadd.s32 $0x1C0, s18;
	_ =	sdelay $0x1  }
0x23: {  	_ =	swait.ge [sflag:s11], $0x700  }
0x24: {  	[sflag:s11] =	ssyncset.done $0x0  }
0x25: {  	[sflag:s11] =	ssyncadd.s32 $0xFFFFF900  }
0x26: {  	[spmem:s3] =	stream.indirect.scatter.add.f32 [tilespmem:s12], [sflag:$0x1], $0x10, s16, s15, $0xb8;
	[tilespmem:$0x5590] =	vst v63  }
0x27: {  	_ =	swait.ge [sflag:s11], $0x200  }
0x28: {  	s17 =	sadd.s32 $0x1, s17;
	[sflag:s11] =	ssyncset.done $0x0  }
0x29: {  	p0 =	sne.s32 s17, s8;
	[sflag:s11] =	ssyncadd.s32 $0xFFFFFE00  }
.Ltmp1:
0x2a: {  	[bflag:$0x0] =	sbarrier.arrive $0xFFFF;
	(pc) =	sbr.rel @p0 .LBB2_1-.Ltmp1, $4  }
0x2b: {  	[hbm:s9], [sflag:s6] =	dma.local [spmem:s10], $0x4F0  }
0x2c: {  	_ =	swait.ge [sflag:s11], $0x4F0  }
0x2d: {  	[sflag:s11] =	ssyncset.done $0x0  }
0x2e: {  	[sflag:s11] =	ssyncadd.s32 $0xFFFFFB10  }
0x2f: {  	_ =	sfence.sel $0x180000  }
0x30: {  	[bflag:$0x0] =	sbarrier.arrive $0xFFFF  }
0x31: {  	p0 =	sne.s32 s1, $0x0;
	_ =	strace $0x90000047  }
0x32: {  	s0 =	sadd.s32 @!p0 $0x100000, s0;
	[bflag:$0x2] =	sbarrier.arrive $0xFFFF  }
0x33: {  	[sflag:s0] =	ssyncadd.tile.s32 @!p0 $0x1;
	_ =	shalt  }
.Lfunc_end2:
_tile_overlayer_lowered:
.L_overlay_start_2:
0x34: {  	(tag) =	ssettag $0x2  }
0x35: {  	s0 =	rddreg [dreg:$0x0];
	s2 =	stileid.u32  }
0x36: {  	s1 =	rddreg [dreg:$0x1];
	p0 =	sne.s32 s2, $0x0  }
0x37: {  	s3 =	rddreg [dreg:$0x2];
	[bflag:$0x3] =	sbarrier.arrive $0xFFFF;
	s2 =	simm.s32 @!p0 $0x1C01  }
0x38: {  	[timem:s3], [sflag:s2] =	dma.local @!p0 [hbm:s0], s1  }
0x39: {  	s0 =	simm.s32 @!p0 $0x1  }
0x3a: {  	_ =	swait.ge @!p0 [sflag:s0], s1  }
0x3b: {  	s1 =	ssub.s32 @!p0 $0x0, s1;
	[sflag:s0] =	ssyncset.done @!p0 $0x0  }
0x3c: {  	[sflag:s0] =	ssyncadd.s32 @!p0 s1  }
0x3d: {  	[bflag:$0x3] =	sbarrier.arrive $0xFFFF  }
0x3e: {  	_ =	shalt  }

// kernel: kernel.13.cloned.1.call-start
scs
__scs_entry_jumppad:
0x0: {  	(pc) =	sbr.rel $0x88, $3  }
0x1: {  	(tag) =	ssettag $0x0;
	lr =	simm.s32 $0x1  }
0x2: {  	[smem:$0x3F89] =	sst lr;
	_ =	strace $0xD0000000  }
0x3: {  	_ = 	snop  }
0x4: {  	_ = 	snop  }
0x5: {  	_ = 	snop  }
0x6: {  	_ = 	snop  }
0x7: {  	_ = 	snop  }
__scs_overlays_trampoline_lowered:
0x8: {  	[smem:$0x3F98] =	sst s0  }
0x9: {  	[smem:$0x3F99] =	sst s1  }
0xa: {  	[smem:$0x3F9A] =	sst s2  }
0xb: {  	[smem:$0x3F9B] =	sst s3  }
0xc: {  	[smem:$0x3F9C] =	sst s4  }
0xd: {  	[smem:$0x3F9D] =	sst s5  }
0xe: {  	[smem:$0x3F9E] =	sst s6  }
0xf: {  	[smem:$0x3F9F] =	sst s7  }
0x10: {  	[smem:$0x3FA0] =	sst s8  }
0x11: {  	[smem:$0x3FA1] =	sst s9;
	s0 =	simm.s32 @!p0 $0x0  }
0x12: {  	s1 =	sld [smem:$0x3F87];
	s0 =	simm.s32 @p0 $0x1  }
0x13: {  	[smem:$0x3FA2] =	sst s0;
	s0 =	simm.s32 @!p1 $0x0  }
0x14: {  	s2 =	sld [smem:$0x3F86];
	s0 =	simm.s32 @p1 $0x1  }
0x15: {  	[smem:$0x3FA3] =	sst s0;
	s0 =	simm.s32 @!p2 $0x0  }
0x16: {  	s3 =	sld [smem:$0x3FDB];
	s0 =	simm.s32 @p2 $0x1  }
0x17: {  	s4 =	simm.s32 $0x1BF5;
	[smem:$0x3FA5] =	sst s0  }
0x18: {  	s0 =	sld [smem:$0x3F88];
	_ =	swait.ge [sflag:s4], $0x0  }
0x19: {  	s7 =	sld [smem:$0x3F89]  }
0x1a: {  	s8 =	sadd.s32 $0xFFFFE003, lr  }
0x1b: {  	s9 =	sadd.s32 $0xFFFFFEF7, lr;
	s5 =	simm.s32 $0xFFFFFFFF;
	p2 =	slt.u32 s8, $0xFFFFF086  }
0x1c: {  	p1 =	slt.u32 s9, $0xF7A;
	s5 =	simm.s32 @!p2 $0x0  }
0x1d: {  	s5 =	simm.s32 @p1 $0x1;
	p0 =	seq.s32 s7, s2  }
0x1e: {  	s7 =	smul.u32 @!p0 $0xF7A, s2;
	p2 =	seq.s32 @!p0 s5, $0x0  }
0x1f: {  	s9 =	smul.u32 $0xF7A, s1;
	s8 =	simm.s32 @!p0 $0x1BF5;
	p2 =	por !p2, p0  }
0x20: {  	[sflag:s8] =	ssyncset.s32 @!p0 $0xFFFFF086;
	s6 =	sadd.s32 @!p0 s3, s7;
	s7 =	simm.s32 @!p0 $0x108  }
0x21: {  	s3 =	sadd.s32 s3, s9;
	s6 =	sadd.s32 @!p0 $0x88, s6;
	s7 =	simm.s32 @p2 $0x1082  }
0x22: {  	[simem:s7], [sflag:s8] =	dma.local @!p0 [hbm:s6], $0xF7A  }
0x23: {  	s9 =	sor.u32 $0xD0000000, s2;
	s6 =	simm.s32 $0x108;
	_ =	swait.ge @!p0 [sflag:s8], $0x0  }
0x24: {  	s3 =	sadd.s32 $0x88, s3;
	s6 =	simm.s32 @!p1 $0x1082;
	[sflag:s4] =	ssyncset.s32 $0xFFFFF086  }
0x25: {  	[simem:s6], [sflag:s4] =	dma.local [hbm:s3], $0xF7A  }
0x26: {  	[smem:$0x3F89] =	sst s1;
	(tag) =	ssettag s2;
	_ =	strace s9  }
0x27: {  	s1 =	sld [smem:$0x3F99]  }
0x28: {  	s2 =	sld [smem:$0x3F9A]  }
0x29: {  	s4 =	sld [smem:$0x3F9C]  }
0x2a: {  	p0 =	seq.s32 s5, $0x0;
	s5 =	sld [smem:$0x3F9D]  }
0x2b: {  	s6 =	sld [smem:$0x3F9E]  }
0x2c: {  	s7 =	sld [smem:$0x3F9F]  }
0x2d: {  	s3 =	simm.s32 $0x108;
	s8 =	sld [smem:$0x3FA0]  }
0x2e: {  	s3 =	simm.s32 @!p0 $0x1082;
	s9 =	sld [smem:$0x3FA1]  }
0x2f: {  	lr =	sadd.s32 s0, s3;
	s0 =	sld [smem:$0x3F98]  }
0x30: {  	s3 =	sld [smem:$0x3F9B]  }
0x31: {  	[smem:$0x3FA4] =	sst s10  }
0x32: {  	s10 =	sld [smem:$0x3FA2];
	_ =	sdelay $0x3  }
0x33: {  	p0 =	seq.s32 s10, $0x1;
	s10 =	sld [smem:$0x3FA4];
	_ =	sdelay $0x3  }
0x34: {  	[smem:$0x3FA4] =	sst s10  }
0x35: {  	s10 =	sld [smem:$0x3FA3];
	_ =	sdelay $0x3  }
0x36: {  	p1 =	seq.s32 s10, $0x1;
	s10 =	sld [smem:$0x3FA4];
	_ =	sdelay $0x3  }
0x37: {  	[smem:$0x3FA4] =	sst s10  }
0x38: {  	s10 =	sld [smem:$0x3FA5]  }
0x39: {  	_ = 	snop;
	(pc) =	sbr.ind lr, $3  }
0x3a: {  	_ = 	snop  }
0x3b: {  	_ = 	snop  }
0x3c: {  	p2 =	seq.s32 s10, $0x1;
	s10 =	sld [smem:$0x3FA4]  }
0x3d: {  	_ =	shalt  }
0x3e: {  	_ =	shalt  }
0x3f: {  	_ =	shalt  }
0x40: {  	_ =	shalt  }
0x41: {  	_ =	shalt  }
0x42: {  	_ =	shalt  }
0x43: {  	_ =	shalt  }
0x44: {  	_ =	shalt  }
0x45: {  	_ =	shalt  }
0x46: {  	_ =	shalt  }
0x47: {  	_ =	shalt  }
0x48: {  	_ =	shalt  }
0x49: {  	_ =	shalt  }
0x4a: {  	_ =	shalt  }
0x4b: {  	_ =	shalt  }
0x4c: {  	_ =	shalt  }
0x4d: {  	_ =	shalt  }
0x4e: {  	_ =	shalt  }
0x4f: {  	_ =	shalt  }
0x50: {  	_ =	shalt  }
0x51: {  	_ =	shalt  }
0x52: {  	_ =	shalt  }
0x53: {  	_ =	shalt  }
0x54: {  	_ =	shalt  }
0x55: {  	_ =	shalt  }
0x56: {  	_ =	shalt  }
0x57: {  	_ =	shalt  }
0x58: {  	_ =	shalt  }
0x59: {  	_ =	shalt  }
0x5a: {  	_ =	shalt  }
0x5b: {  	_ =	shalt  }
0x5c: {  	_ =	shalt  }
0x5d: {  	_ =	shalt  }
0x5e: {  	_ =	shalt  }
0x5f: {  	_ =	shalt  }
0x60: {  	_ =	shalt  }
0x61: {  	_ =	shalt  }
0x62: {  	_ =	shalt  }
0x63: {  	_ =	shalt  }
0x64: {  	_ =	shalt  }
0x65: {  	_ =	shalt  }
0x66: {  	_ =	shalt  }
0x67: {  	_ =	shalt  }
0x68: {  	_ =	shalt  }
0x69: {  	_ =	shalt  }
0x6a: {  	_ =	shalt  }
0x6b: {  	_ =	shalt  }
0x6c: {  	_ =	shalt  }
0x6d: {  	_ =	shalt  }
0x6e: {  	_ =	shalt  }
0x6f: {  	_ =	shalt  }
0x70: {  	_ =	shalt  }
0x71: {  	_ =	shalt  }
0x72: {  	_ =	shalt  }
0x73: {  	_ =	shalt  }
0x74: {  	_ =	shalt  }
0x75: {  	_ =	shalt  }
0x76: {  	_ =	shalt  }
0x77: {  	_ =	shalt  }
0x78: {  	_ =	shalt  }
0x79: {  	_ =	shalt  }
0x7a: {  	_ =	shalt  }
0x7b: {  	_ =	shalt  }
0x7c: {  	_ =	shalt  }
0x7d: {  	_ =	shalt  }
0x7e: {  	_ =	shalt  }
0x7f: {  	_ =	shalt  }
0x80: {  	_ =	shalt  }
0x81: {  	_ =	shalt  }
0x82: {  	_ =	shalt  }
0x83: {  	_ =	shalt  }
0x84: {  	_ =	shalt  }
0x85: {  	_ =	shalt  }
0x86: {  	_ =	shalt  }
0x87: {  	_ =	shalt  }
.Lfunc_end0:
.L_simem_size_0:
called_computation.1_lowered:
.L_overlay_start_0:
0x88: {  	s2 =	sld [smem:$0x3FD9]  }
0x89: {  	s3 =	sld [smem:$0x3FFE];
	_ =	sdelay $0x1  }
0x8a: {  	s1 =	srdreg.scid  }
0x8b: {  	s0 =	sand.u32 $0x1, s1  }
0x8c: {  	s16 =	sshll.u32 s0, $0xA;
	s2 =	sadd.s32 s3, s2  }
0x8d: {  	s2 =	sadd.s32 s2, s16  }
0x8e: {  	[smem:$0x3FB0] =	sst s2  }
0x8f: {  	_ = 	snop  }
0x90: {  	(tm) =	ssettm $0x1  }
0x91: {  	s17 =	sld [smem:$0x3FFB];
	_ =	sdelay $0x3  }
0x92: {  	_ =	strace s17  }
0x93: {  	s2 =	sld [smem:$0x3FFC];
	_ =	sdelay $0x3  }
0x94: {  	_ =	strace s2  }
0x95: {  	s2 =	sld [smem:$0x3FFD];
	_ =	sdelay $0x3  }
0x96: {  	_ =	strace s2  }
0x97: {  	_ =	strace $0x8FFFFFFF  }
0x98: {  	s18 =	sld [smem:$0x3FDB];
	_ =	sdelay $0x1  }
0x99: {  	s19 =	simm.s32 $_scs_section_size  }
0x9a: {  	s4 =	simm.s32 $_size__tile_overlayer_lowered;
	s5 =	simm.s32 $_tile_overlayer_lowered  }
0x9b: {  	s22 =	simm.s32 $0x1BFF;
	s21 =	sshll.u32 s5, $0x1;
	s2 =	sadd.s32 s19, s18  }
0x9c: {  	s6 =	simm.s32 $0x0;
	s20 =	sshll.u32 s4, $0x1;
	s4 =	sadd.s32 s21, s2  }
0x9d: {  	[timem:s6], [sflag:s22] =	dma.local [hbm:s4], s20  }
0x9e: {  	_ =	swait.ge [sflag:s22], s20  }
0x9f: {  	s3 =	ssub.s32 $0x0, s20;
	[sflag:s22] =	ssyncset.done $0x0  }
0xa0: {  	[sflag:s22] =	ssyncadd.s32 s3;
	_ =	sdelay $0x1  }
0xa1: {  	s23 =	simm.s32 $0x1B8B  }
0xa2: {  	_ =	swait.ge [sflag:s23], $0x1  }
0xa3: {  	[sflag:s23] =	ssyncset.done $0x0  }
0xa4: {  	s25 =	simm.s32 $0x1B8E;
	s24 =	sld [smem:$0x3FFE];
	[sflag:s23] =	ssyncadd.s32 $0xFFFFFFFF  }
0xa5: {  	s26 =	simm.s32 $execute0_lowered;
	[smem:$0x3FD2] =	sst s25  }
0xa6: {  	s4 =	sshll.u32 s26, $0x1;
	_ =	strace $0x80000049;
	[dreg:$0x1] =	wrdreg $0xFFFFFFFF  }
0xa7: {  	s28 =	simm.s32 $_size_execute0_lowered;
	s2 =	sadd.s32 s2, s4;
	[dreg:$0x0] =	wrdreg $0x0  }
0xa8: {  	s4 =	sshll.u32 s28, $0x1;
	[dreg:$0x2] =	wrdreg s2  }
0xa9: {  	[dreg:$0x3] =	wrdreg s4  }
0xaa: {  	[dreg:$0x4] =	wrdreg $0xC0  }
0xab: {  	_ =	task [dreg:s6], $0x5FFFF  }
0xac: {  	[dreg:$0x1] =	wrdreg $0xFFFFFFFF  }
0xad: {  	[dreg:$0x0] =	wrdreg $0x60  }
0xae: {  	[dreg:$0x2] =	wrdreg s24  }
0xaf: {  	[dreg:$0x3] =	wrdreg $0x0  }
0xb0: {  	[dreg:$0x4] =	wrdreg $0x9E000  }
0xb1: {  	[dreg:$0x5] =	wrdreg $0x9  }
0xb2: {  	_ =	task.clear_ibuf [dreg:s6], $0x6FFFF;
	_ =	strace $0x90000049  }
0xb3: {  	s29 =	simm.s32 $0x9;
	_ =	strace $0x8000004B  }
0xb4: {  	_ =	swait.ge [sflag:s29], $0x1  }
0xb5: {  	[sflag:s29] =	ssyncadd.s32 $0xFFFFFFFF  }
0xb6: {  	_ =	strace $0x9000004B  }
0xb7: {  	_ =	sfence  }
0xb8: {  	s30 =	sld [smem:$0x0];
	_ =	sdelay $0x2  }
0xb9: {  	s31 =	sshll.u32 s1, $0xD;
	s1 =	sshrl.u32 s1, $0x2  }
0xba: {  	s3 =	sand.u32 $0x4000, s31;
	s1 =	sadd.s32 s1, s30  }
0xbb: {  	s0 =	sor.u32 s3, s0;
	s1 =	sshll.u32 s1, $0x11  }
0xbc: {  	s0 =	sor.u32 s1, s0  }
0xbd: {  	s0 =	sadd.s32 $0x8F2B, s0  }
0xbe: {  	[sflag:s0] =	ssyncadd.remote.s32 $0x1  }
0xbf: {  	_ =	sfence.sel $0xFFFF  }
0xc0: {  	[dreg:$0x0] =	wrdreg $0xFFFFFFFF;
	(pc) =	sbr.abs _section_cstart, $3  }
0xc1: {  	[dreg:$0x1] =	wrdreg $0xFFFFFFFF  }
0xc2: {  	_ =	task.clear_ibuf [dreg:s6], $0x2FFFF;
	_ =	strace $0x9FFFFFFF  }
0xc3: {  	(tm) =	ssettm $0x7FFFFFFF  }
tec
execute0_lowered:
.L_overlay_start_1:
0x0: {  	(tag) =	ssettag $0x1  }
0x1: {  	s1 =	rddreg [dreg:$0x0]  }
0x2: {  	s0 =	srdreg.scid;
	s2 =	rddreg [dreg:$0x1]  }
0x3: {  	s9 =	stileid.u32;
	s3 =	rddreg [dreg:$0x2];
	s5 =	simm.s32 $0x0  }
0x4: {  	s16 =	simm.s32 $0x13C00;
	s17 =	simm.s32 $0x16310;
	s18 =	simm.s32 $0x1  }
0x5: {  	s19 =	simm.s32 $0x2;
	s20 =	simm.s32 $0x3;
	s31 =	simm.s32 $0x6  }
0x6: {  	s28 =	simm.s32 $0x9;
	s30 =	simm.s32 $0x0;
	s0 =	sand.u32 $0x1, s0  }
0x7: {  	[smem:$0x7FF] =	sst s5;
	s21 =	smul.u32 $0x9E00, s9;
	s4 =	sshll.u32 s0, $0x4  }
0x8: {  	_ =	strace $0x8000004A;
	s6 =	ssub.s32 $0x2, s0;
	p0 =	seq.s32 s0, $0x1  }
0x9: {  	s0 =	simm.s32 $0x91200;
	s4 =	sor.u32 s9, s4;
	s7 =	sshrl.u32 s21, $0x3  }
0xa: {  	s8 =	sshrl.u32 s6, $0x1;
	s23 =	sadd.s32 s21, s2;
	s5 =	sadd.s32 s21, s3  }
0xb: {  	s0 =	simm.s32 @!p0 $0xA4E00;
	s21 =	simm.s32 $0x70;
	s4 =	smul.u32 $0x2710, s4  }
0xc: {  	s22 =	ssub.s32 s6, s8;
	s6 =	sshll.u32 s9, $0x6;
	s13 =	sshrl.u32 s23, $0x3  }
0xd: {  	s15 =	sshrl.u32 s5, $0x3;
	s23 =	simm.s32 $0x5;
	s9 =	sor.u32 $0x1C01, s6  }
0xe: {  	s29 =	smax.u32 s22, $0x1;
	s14 =	sor.u32 $0x1C02, s6;
	s4 =	sshrl.u32 s4, $0x3  }
0xf: {  	[dreg:$0x5] =	wrdreg s9;
	s4 =	sadd.s32 s4, s1;
	s1 =	sadd.s32 s7, s1  }
0x10: {  	s22 =	simm.s32 $0x18A20;
	[dreg:$0x9] =	wrdreg s29;
	s24 =	sadd.s32 $0x7D600, s1  }
0x11: {  	s25 =	sadd.s32 $0x69A00, s1;
	s26 =	sadd.s32 $0x7000, s4;
	[dreg:$0x4] =	wrdreg s24  }
0x12: {  	s4 =	sadd.s32 $0x10C40, s4;
	s12 =	sadd.s32 s0, s1;
	[dreg:$0x6] =	wrdreg s25  }
0x13: {  	s1 =	simm.s32 $0x7;
	s0 =	simm.s32 $0x8;
	[dreg:$0x7] =	wrdreg s26  }
0x14: {  	[dreg:$0x8] =	wrdreg s4;
	s24 =	simm.s32 $0x1A620;
	s25 =	simm.s32 $0x20  }
.LBB2_1:
0x15: {  	s4 =	rddreg [dreg:$0x4]  }
0x16: {  	s5 =	rddreg [dreg:$0x5]  }
0x17: {  	[spmem:s13], [sflag:s5] =	dma.local [hbm:s4], $0x13C0  }
0x18: {  	s4 =	rddreg [dreg:$0x6]  }
0x19: {  	[spmem:s15], [sflag:s14] =	dma.local [hbm:s4], $0x13C0  }
0x1a: {  	s8 =	simm.s32 $0x0;
	s9 =	rddreg [dreg:$0x7]  }
0x1b: {  	[tilespmem:s16], [sflag:$0x3] =	stream.linear.gather [hbm4b:s9+s8], $0x2710, $0x38;
	[tilespmem:$0x1FA20] =	vst v63  }
0x1c: {  	s10 =	rddreg [dreg:$0x8]  }
0x1d: {  	[tilespmem:s17], [sflag:$0x4] =	stream.linear.gather [hbm4b:s10+s8], $0x2710, $0x38;
	[tilespmem:$0x1FA20] =	vst v63  }
0x1e: {  	_ =	swait.ge [sflag:s18], $0x13C0  }
0x1f: {  	[sflag:s18] =	ssyncset.done $0x0  }
0x20: {  	[sflag:s18] =	ssyncadd.s32 $0xFFFFEC40  }
0x21: {  	_ =	swait.ge [sflag:s19], $0x13C0  }
0x22: {  	[sflag:s19] =	ssyncset.done $0x0  }
0x23: {  	[sflag:s19] =	ssyncadd.s32 $0xFFFFEC40  }
0x24: {  	_ =	swait.ge [sflag:s20], $0x2710  }
0x25: {  	[sflag:s20] =	ssyncset.done $0x0  }
0x26: {  	s4 =	simm.s32 $0x4;
	[sflag:s20] =	ssyncadd.s32 $0xFFFFD8F0  }
0x27: {  	_ =	swait.ge [sflag:s4], $0x2710  }
0x28: {  	[sflag:s4] =	ssyncset.done $0x0  }
0x29: {  	[sflag:s4] =	ssyncadd.s32 $0xFFFFD8F0  }
0x2a: {  	[bflag:$0x0] =	sbarrier.arrive $0xFFFF  }
0x2b: {  	[tilespmem:s22], [sflag:$0x1] =	stream.indirect.gather [spmem:s3], $0x40, s16, s21, $0xb8;
	[tilespmem:$0x1FA20] =	vst v63  }
0x2c: {  	s11 =	simm.s32 $0x13C70  }
0x2d: {  	[tilespmem:s24], [sflag:$0x2] =	stream.indirect.gather [spmem:s3], $0x40, s11, s21, $0xb8;
	[tilespmem:$0x1FA20] =	vst v63  }
0x2e: {  	_ =	swait.ge [sflag:s18], $0x1C00  }
0x2f: {  	[sflag:s18] =	ssyncset.done $0x0  }
0x30: {  	[sflag:s18] =	ssyncadd.s32 $0xFFFFE400  }
0x31: {  	[spmem:s2] =	stream.indirect.scatter.add.f32 [tilespmem:s22], [sflag:$0x5], $0x40, s17, s21, $0xb8;
	[tilespmem:$0x1FA20] =	vst v63  }
0x32: {  	s26 =	simm.s32 $0x13CE0;
	s7 =	simm.s32 $0x1C220;
	p0 =	por $0x0, $0x0  }
0x33: {  	[tilespmem:s7], [sflag:$0x3] =	stream.indirect.gather [spmem:s3], $0x40, s26, s21, $0xb8;
	[tilespmem:$0x1FA20] =	vst v63  }
0x34: {  	s29 =	simm.s32 $0x5;
	s9 =	simm.s32 $0x1DE20;
	_ =	swait.ge [sflag:s19], $0x1C00  }
0x35: {  	s8 =	simm.s32 $0x13D50;
	s10 =	simm.s32 $0x2;
	[sflag:s19] =	ssyncset.done $0x0  }
0x36: {  	s5 =	sand.u32 $0x3, s10;
	s7 =	simm.s32 $0x16380;
	[sflag:s19] =	ssyncadd.s32 $0xFFFFE400  }
0x37: {  	[spmem:s2] =	stream.indirect.scatter.add.f32 [tilespmem:s24], [sflag:$0x6], $0x40, s7, s21, $0xb8;
	[tilespmem:$0x1FA20] =	vst v63  }
0x38: {  	s4 =	sand.u32 @!p0 $0x3, s4;
	s11 =	smul.u32 $0x7000, s5;
	s26 =	simm.s32 $0x13DC0  }
0x39: {  	[tilespmem:s9], [sflag:$0x4] =	stream.indirect.gather [spmem:s3], $0x40, s8, s21, $0xb8;
	[tilespmem:$0x1FA20] =	vst v63  }
0x3a: {  	s7 =	sshrl.u32 s11, $0x2;
	s11 =	smul.u32 @!p0 $0x7000, s4;
	s8 =	sadd.s32 $0x1, s5  }
0x3b: {  	s10 =	sadd.s32 $0x18A20, s7;
	s7 =	sadd.s32 @!p0 $0x5, s4;
	_ =	swait.ge [sflag:s8], $0x1C00  }
0x3c: {  	s9 =	simm.s32 $0x163F0;
	s5 =	sadd.s32 $0x5, s5;
	[sflag:s8] =	ssyncset.done $0x0  }
0x3d: {  	[sflag:s8] =	ssyncadd.s32 $0xFFFFE400;
	s8 =	sadd.s32 @!p0 $0x1, s4;
	s4 =	simm.s32 $0x16460  }
0x3e: {  	[spmem:s2] =	stream.indirect.scatter.add.f32 [tilespmem:s10], [sflag:s5], $0x40, s9, s21, $0xb8;
	[tilespmem:$0x1FA20] =	vst v63  }
0x3f: {  	s5 =	sshrl.u32 @!p0 s11, $0x2;
	s10 =	simm.s32 @!p0 $0x70;
	_ =	swait.ge @!p0 [sflag:s7], $0x1C00  }
0x40: {  	s9 =	sadd.s32 @!p0 $0x18A20, s5;
	s5 =	simm.s32 $0x13DC0;
	[sflag:s7] =	ssyncset.done @!p0 $0x0  }
.LBB2_2:
0x41: {  	[sflag:s7] =	ssyncadd.s32 @!p0 $0xFFFFE400  }
0x42: {  	s26 =	sadd.s32 $0x70, s26;
	s7 =	smov.u32 s29;
	s29 =	sadd.s32 $0x1, s29  }
0x43: {  	[tilespmem:s9], [sflag:s8] =	stream.indirect.gather @!p0 [spmem:s3], $0x40, s5, s10, $0xb8;
	[tilespmem:$0x1FA20] =	vst v63  }
0x44: {  	s8 =	sadd.s32 $0xFFFFFFFE, s7;
	p1 =	sne.s32 s29, $0x5B;
	s5 =	smov.u32 s26  }
0x45: {  	s9 =	sand.u32 $0x3, s8  }
0x46: {  	s10 =	smul.u32 $0x7000, s9;
	s11 =	sadd.s32 $0x1, s9  }
0x47: {  	p0 =	sgt.u32 s8, $0x56;
	s9 =	sadd.s32 $0x5, s9;
	_ =	swait.ge [sflag:s11], $0x1C00  }
0x48: {  	s8 =	sand.u32 @!p0 $0x3, s7;
	s10 =	sshrl.u32 s10, $0x2;
	[sflag:s11] =	ssyncset.done $0x0  }
.Ltmp0:
0x49: {  	s10 =	sadd.s32 $0x18A20, s10;
	[sflag:s11] =	ssyncadd.s32 $0xFFFFE400;
	(pc) =	sbr.rel @p1 .LBB2_2-.Ltmp0, $4  }
0x4a: {  	s7 =	sadd.s32 @!p0 $0x5, s8;
	s11 =	smul.u32 @!p0 $0x7000, s8;
	s8 =	sadd.s32 @!p0 $0x1, s8  }
0x4b: {  	[spmem:s2] =	stream.indirect.scatter.add.f32 [tilespmem:s10], [sflag:s9], $0x40, s4, s21, $0xb8;
	[tilespmem:$0x1FA20] =	vst v63  }
0x4c: {  	s9 =	sshrl.u32 @!p0 s11, $0x2;
	s4 =	sadd.s32 $0x70, s4;
	_ =	swait.ge @!p0 [sflag:s7], $0x1C00  }
0x4d: {  	s10 =	simm.s32 @!p0 $0x70;
	s9 =	sadd.s32 @!p0 $0x18A20, s9;
	[sflag:s7] =	ssyncset.done @!p0 $0x0  }
0x4e: {  	[sflag:s7] =	ssyncadd.s32 @!p0 $0xFFFFE400  }
0x4f: {  	[tilespmem:s9], [sflag:s8] =	stream.indirect.gather @!p0 [spmem:s3], $0x40, s5, s10, $0xb8;
	[tilespmem:$0x1FA20] =	vst v63  }
0x50: {  	_ =	swait.ge [sflag:s31], $0x1C00  }
0x51: {  	[sflag:s31] =	ssyncset.done $0x0  }
0x52: {  	[sflag:s31] =	ssyncadd.s32 $0xFFFFE400  }
0x53: {  	_ =	swait.ge [sflag:s1], $0x1C00  }
0x54: {  	[sflag:s1] =	ssyncset.done $0x0  }
0x55: {  	[sflag:s1] =	ssyncadd.s32 $0xFFFFE400  }
0x56: {  	_ =	swait.ge [sflag:s0], $0x1C00  }
0x57: {  	[sflag:s0] =	ssyncset.done $0x0  }
0x58: {  	[sflag:s0] =	ssyncadd.s32 $0xFFFFE400  }
0x59: {  	_ =	swait.ge [sflag:s23], $0x1C00  }
0x5a: {  	[sflag:s23] =	ssyncset.done $0x0  }
0x5b: {  	s4 =	simm.s32 $0x162F0;
	[sflag:s23] =	ssyncadd.s32 $0xFFFFE400  }
0x5c: {  	[tilespmem:s22], [sflag:$0x9] =	stream.indirect.gather [spmem:s3], $0x40, s4, s25, $0xb8;
	[tilespmem:$0x1FA20] =	vst v63  }
0x5d: {  	_ =	swait.ge [sflag:s28], $0x800  }
0x5e: {  	[sflag:s28] =	ssyncset.done $0x0  }
0x5f: {  	s11 =	simm.s32 $0x18A00;
	[sflag:s28] =	ssyncadd.s32 $0xFFFFF800  }
0x60: {  	[spmem:s2] =	stream.indirect.scatter.add.f32 [tilespmem:s22], [sflag:$0x9], $0x40, s11, s25, $0xb8;
	[tilespmem:$0x1FA20] =	vst v63  }
0x61: {  	_ =	swait.ge [sflag:s28], $0x800  }
0x62: {  	[sflag:s28] =	ssyncset.done $0x0  }
0x63: {  	[sflag:s28] =	ssyncadd.s32 $0xFFFFF800  }
0x64: {  	s26 =	sor.u32 $0x1C09, s6;
	[bflag:$0x0] =	sbarrier.arrive $0xFFFF  }
0x65: {  	[hbm:s12], [sflag:s26] =	dma.local [spmem:s13], $0x13C0  }
0x66: {  	_ =	swait.ge [sflag:s28], $0x13C0  }
0x67: {  	s30 =	sadd.s32 $0x1, s30;
	s29 =	rddreg [dreg:$0x9]  }
0x68: {  	p0 =	sne.s32 s30, s29  }
.Ltmp1:
0x69: {  	_ = 	snop;
	(pc) =	sbr.rel @p0 .LBB2_1-.Ltmp1, $3  }
0x6a: {  	_ =	sdelay $0x1  }
0x6b: {  	[sflag:s28] =	ssyncset.done $0x0  }
0x6c: {  	[sflag:s28] =	ssyncadd.s32 $0xFFFFEC40  }
0x6d: {  	_ =	sfence.sel $0x180000  }
0x6e: {  	[bflag:$0x0] =	sbarrier.arrive $0xFFFF  }
0x6f: {  	_ =	strace $0x9000004A  }
0x70: {  	s0 =	stileid.u32;
	[bflag:$0x2] =	sbarrier.arrive $0xFFFF  }
0x71: {  	p0 =	sne.s32 s0, $0x0;
	s0 =	rddreg [dreg:$0x3]  }
0x72: {  	s0 =	sadd.s32 @!p0 $0x100000, s0  }
0x73: {  	[sflag:s0] =	ssyncadd.tile.s32 @!p0 $0x1;
	_ =	shalt  }
.Lfunc_end2:
_tile_overlayer_lowered:
.L_overlay_start_2:
0x74: {  	(tag) =	ssettag $0x2  }
0x75: {  	s0 =	rddreg [dreg:$0x0];
	s2 =	stileid.u32  }
0x76: {  	s1 =	rddreg [dreg:$0x1];
	p0 =	sne.s32 s2, $0x0  }
0x77: {  	s3 =	rddreg [dreg:$0x2];
	[bflag:$0x3] =	sbarrier.arrive $0xFFFF;
	s2 =	simm.s32 @!p0 $0x1C09  }
0x78: {  	[timem:s3], [sflag:s2] =	dma.local @!p0 [hbm:s0], s1  }
0x79: {  	s0 =	simm.s32 @!p0 $0x9  }
0x7a: {  	_ =	swait.ge @!p0 [sflag:s0], s1  }
0x7b: {  	s1 =	ssub.s32 @!p0 $0x0, s1;
	[sflag:s0] =	ssyncset.done @!p0 $0x0  }
0x7c: {  	[sflag:s0] =	ssyncadd.s32 @!p0 s1  }
0x7d: {  	[bflag:$0x3] =	sbarrier.arrive $0xFFFF  }
0x7e: {  	_ =	shalt  }

// kernel: kernel.16.cloned.1.call-start
scs
__scs_entry_jumppad:
0x0: {  	(pc) =	sbr.rel $0x88, $3  }
0x1: {  	(tag) =	ssettag $0x0;
	lr =	simm.s32 $0x1  }
0x2: {  	[smem:$0x3F89] =	sst lr;
	_ =	strace $0xD0000000  }
0x3: {  	_ = 	snop  }
0x4: {  	_ = 	snop  }
0x5: {  	_ = 	snop  }
0x6: {  	_ = 	snop  }
0x7: {  	_ = 	snop  }
__scs_overlays_trampoline_lowered:
0x8: {  	[smem:$0x3F98] =	sst s0  }
0x9: {  	[smem:$0x3F99] =	sst s1  }
0xa: {  	[smem:$0x3F9A] =	sst s2  }
0xb: {  	[smem:$0x3F9B] =	sst s3  }
0xc: {  	[smem:$0x3F9C] =	sst s4  }
0xd: {  	[smem:$0x3F9D] =	sst s5  }
0xe: {  	[smem:$0x3F9E] =	sst s6  }
0xf: {  	[smem:$0x3F9F] =	sst s7  }
0x10: {  	[smem:$0x3FA0] =	sst s8  }
0x11: {  	[smem:$0x3FA1] =	sst s9;
	s0 =	simm.s32 @!p0 $0x0  }
0x12: {  	s1 =	sld [smem:$0x3F87];
	s0 =	simm.s32 @p0 $0x1  }
0x13: {  	[smem:$0x3FA2] =	sst s0;
	s0 =	simm.s32 @!p1 $0x0  }
0x14: {  	s2 =	sld [smem:$0x3F86];
	s0 =	simm.s32 @p1 $0x1  }
0x15: {  	[smem:$0x3FA3] =	sst s0;
	s0 =	simm.s32 @!p2 $0x0  }
0x16: {  	s3 =	sld [smem:$0x3FDB];
	s0 =	simm.s32 @p2 $0x1  }
0x17: {  	s4 =	simm.s32 $0x1BF5;
	[smem:$0x3FA5] =	sst s0  }
0x18: {  	s0 =	sld [smem:$0x3F88];
	_ =	swait.ge [sflag:s4], $0x0  }
0x19: {  	s7 =	sld [smem:$0x3F89]  }
0x1a: {  	s8 =	sadd.s32 $0xFFFFE003, lr  }
0x1b: {  	s9 =	sadd.s32 $0xFFFFFEF7, lr;
	s5 =	simm.s32 $0xFFFFFFFF;
	p2 =	slt.u32 s8, $0xFFFFF086  }
0x1c: {  	p1 =	slt.u32 s9, $0xF7A;
	s5 =	simm.s32 @!p2 $0x0  }
0x1d: {  	s5 =	simm.s32 @p1 $0x1;
	p0 =	seq.s32 s7, s2  }
0x1e: {  	s7 =	smul.u32 @!p0 $0xF7A, s2;
	p2 =	seq.s32 @!p0 s5, $0x0  }
0x1f: {  	s9 =	smul.u32 $0xF7A, s1;
	s8 =	simm.s32 @!p0 $0x1BF5;
	p2 =	por !p2, p0  }
0x20: {  	[sflag:s8] =	ssyncset.s32 @!p0 $0xFFFFF086;
	s6 =	sadd.s32 @!p0 s3, s7;
	s7 =	simm.s32 @!p0 $0x108  }
0x21: {  	s3 =	sadd.s32 s3, s9;
	s6 =	sadd.s32 @!p0 $0x88, s6;
	s7 =	simm.s32 @p2 $0x1082  }
0x22: {  	[simem:s7], [sflag:s8] =	dma.local @!p0 [hbm:s6], $0xF7A  }
0x23: {  	s9 =	sor.u32 $0xD0000000, s2;
	s6 =	simm.s32 $0x108;
	_ =	swait.ge @!p0 [sflag:s8], $0x0  }
0x24: {  	s3 =	sadd.s32 $0x88, s3;
	s6 =	simm.s32 @!p1 $0x1082;
	[sflag:s4] =	ssyncset.s32 $0xFFFFF086  }
0x25: {  	[simem:s6], [sflag:s4] =	dma.local [hbm:s3], $0xF7A  }
0x26: {  	[smem:$0x3F89] =	sst s1;
	(tag) =	ssettag s2;
	_ =	strace s9  }
0x27: {  	s1 =	sld [smem:$0x3F99]  }
0x28: {  	s2 =	sld [smem:$0x3F9A]  }
0x29: {  	s4 =	sld [smem:$0x3F9C]  }
0x2a: {  	p0 =	seq.s32 s5, $0x0;
	s5 =	sld [smem:$0x3F9D]  }
0x2b: {  	s6 =	sld [smem:$0x3F9E]  }
0x2c: {  	s7 =	sld [smem:$0x3F9F]  }
0x2d: {  	s3 =	simm.s32 $0x108;
	s8 =	sld [smem:$0x3FA0]  }
0x2e: {  	s3 =	simm.s32 @!p0 $0x1082;
	s9 =	sld [smem:$0x3FA1]  }
0x2f: {  	lr =	sadd.s32 s0, s3;
	s0 =	sld [smem:$0x3F98]  }
0x30: {  	s3 =	sld [smem:$0x3F9B]  }
0x31: {  	[smem:$0x3FA4] =	sst s10  }
0x32: {  	s10 =	sld [smem:$0x3FA2];
	_ =	sdelay $0x3  }
0x33: {  	p0 =	seq.s32 s10, $0x1;
	s10 =	sld [smem:$0x3FA4];
	_ =	sdelay $0x3  }
0x34: {  	[smem:$0x3FA4] =	sst s10  }
0x35: {  	s10 =	sld [smem:$0x3FA3];
	_ =	sdelay $0x3  }
0x36: {  	p1 =	seq.s32 s10, $0x1;
	s10 =	sld [smem:$0x3FA4];
	_ =	sdelay $0x3  }
0x37: {  	[smem:$0x3FA4] =	sst s10  }
0x38: {  	s10 =	sld [smem:$0x3FA5]  }
0x39: {  	_ = 	snop;
	(pc) =	sbr.ind lr, $3  }
0x3a: {  	_ = 	snop  }
0x3b: {  	_ = 	snop  }
0x3c: {  	p2 =	seq.s32 s10, $0x1;
	s10 =	sld [smem:$0x3FA4]  }
0x3d: {  	_ =	shalt  }
0x3e: {  	_ =	shalt  }
0x3f: {  	_ =	shalt  }
0x40: {  	_ =	shalt  }
0x41: {  	_ =	shalt  }
0x42: {  	_ =	shalt  }
0x43: {  	_ =	shalt  }
0x44: {  	_ =	shalt  }
0x45: {  	_ =	shalt  }
0x46: {  	_ =	shalt  }
0x47: {  	_ =	shalt  }
0x48: {  	_ =	shalt  }
0x49: {  	_ =	shalt  }
0x4a: {  	_ =	shalt  }
0x4b: {  	_ =	shalt  }
0x4c: {  	_ =	shalt  }
0x4d: {  	_ =	shalt  }
0x4e: {  	_ =	shalt  }
0x4f: {  	_ =	shalt  }
0x50: {  	_ =	shalt  }
0x51: {  	_ =	shalt  }
0x52: {  	_ =	shalt  }
0x53: {  	_ =	shalt  }
0x54: {  	_ =	shalt  }
0x55: {  	_ =	shalt  }
0x56: {  	_ =	shalt  }
0x57: {  	_ =	shalt  }
0x58: {  	_ =	shalt  }
0x59: {  	_ =	shalt  }
0x5a: {  	_ =	shalt  }
0x5b: {  	_ =	shalt  }
0x5c: {  	_ =	shalt  }
0x5d: {  	_ =	shalt  }
0x5e: {  	_ =	shalt  }
0x5f: {  	_ =	shalt  }
0x60: {  	_ =	shalt  }
0x61: {  	_ =	shalt  }
0x62: {  	_ =	shalt  }
0x63: {  	_ =	shalt  }
0x64: {  	_ =	shalt  }
0x65: {  	_ =	shalt  }
0x66: {  	_ =	shalt  }
0x67: {  	_ =	shalt  }
0x68: {  	_ =	shalt  }
0x69: {  	_ =	shalt  }
0x6a: {  	_ =	shalt  }
0x6b: {  	_ =	shalt  }
0x6c: {  	_ =	shalt  }
0x6d: {  	_ =	shalt  }
0x6e: {  	_ =	shalt  }
0x6f: {  	_ =	shalt  }
0x70: {  	_ =	shalt  }
0x71: {  	_ =	shalt  }
0x72: {  	_ =	shalt  }
0x73: {  	_ =	shalt  }
0x74: {  	_ =	shalt  }
0x75: {  	_ =	shalt  }
0x76: {  	_ =	shalt  }
0x77: {  	_ =	shalt  }
0x78: {  	_ =	shalt  }
0x79: {  	_ =	shalt  }
0x7a: {  	_ =	shalt  }
0x7b: {  	_ =	shalt  }
0x7c: {  	_ =	shalt  }
0x7d: {  	_ =	shalt  }
0x7e: {  	_ =	shalt  }
0x7f: {  	_ =	shalt  }
0x80: {  	_ =	shalt  }
0x81: {  	_ =	shalt  }
0x82: {  	_ =	shalt  }
0x83: {  	_ =	shalt  }
0x84: {  	_ =	shalt  }
0x85: {  	_ =	shalt  }
0x86: {  	_ =	shalt  }
0x87: {  	_ =	shalt  }
.Lfunc_end0:
.L_simem_size_0:
called_computation.2_lowered:
.L_overlay_start_0:
0x88: {  	s2 =	sld [smem:$0x3FD9]  }
0x89: {  	s3 =	sld [smem:$0x3FFE];
	_ =	sdelay $0x1  }
0x8a: {  	s1 =	srdreg.scid  }
0x8b: {  	s0 =	sand.u32 $0x1, s1  }
0x8c: {  	s16 =	sshll.u32 s0, $0xA;
	s2 =	sadd.s32 s3, s2  }
0x8d: {  	s2 =	sadd.s32 s2, s16  }
0x8e: {  	[smem:$0x3FB0] =	sst s2  }
0x8f: {  	_ = 	snop  }
0x90: {  	(tm) =	ssettm $0x1  }
0x91: {  	s17 =	sld [smem:$0x3FFB];
	_ =	sdelay $0x3  }
0x92: {  	_ =	strace s17  }
0x93: {  	s2 =	sld [smem:$0x3FFC];
	_ =	sdelay $0x3  }
0x94: {  	_ =	strace s2  }
0x95: {  	s2 =	sld [smem:$0x3FFD];
	_ =	sdelay $0x3  }
0x96: {  	_ =	strace s2  }
0x97: {  	_ =	strace $0x8FFFFFFF  }
0x98: {  	s18 =	sld [smem:$0x3FDB];
	_ =	sdelay $0x1  }
0x99: {  	s19 =	simm.s32 $_scs_section_size  }
0x9a: {  	s4 =	simm.s32 $_size__tile_overlayer_lowered;
	s5 =	simm.s32 $_tile_overlayer_lowered  }
0x9b: {  	s22 =	simm.s32 $0x1BFF;
	s21 =	sshll.u32 s5, $0x1;
	s2 =	sadd.s32 s19, s18  }
0x9c: {  	s6 =	simm.s32 $0x0;
	s20 =	sshll.u32 s4, $0x1;
	s4 =	sadd.s32 s21, s2  }
0x9d: {  	[timem:s6], [sflag:s22] =	dma.local [hbm:s4], s20  }
0x9e: {  	_ =	swait.ge [sflag:s22], s20  }
0x9f: {  	s3 =	ssub.s32 $0x0, s20;
	[sflag:s22] =	ssyncset.done $0x0  }
0xa0: {  	[sflag:s22] =	ssyncadd.s32 s3;
	_ =	sdelay $0x1  }
0xa1: {  	s23 =	simm.s32 $0x1B8B  }
0xa2: {  	_ =	swait.ge [sflag:s23], $0x1  }
0xa3: {  	[sflag:s23] =	ssyncset.done $0x0  }
0xa4: {  	s25 =	simm.s32 $0x1B8E;
	s24 =	sld [smem:$0x3FFE];
	[sflag:s23] =	ssyncadd.s32 $0xFFFFFFFF  }
0xa5: {  	s26 =	simm.s32 $execute0_lowered;
	[smem:$0x3FD2] =	sst s25  }
0xa6: {  	s4 =	sshll.u32 s26, $0x1;
	_ =	strace $0x8000004C;
	[dreg:$0x1] =	wrdreg $0xFFFFFFFF  }
0xa7: {  	s28 =	simm.s32 $_size_execute0_lowered;
	s2 =	sadd.s32 s2, s4;
	[dreg:$0x0] =	wrdreg $0x0  }
0xa8: {  	s4 =	sshll.u32 s28, $0x1;
	[dreg:$0x2] =	wrdreg s2  }
0xa9: {  	[dreg:$0x3] =	wrdreg s4  }
0xaa: {  	[dreg:$0x4] =	wrdreg $0xC0  }
0xab: {  	_ =	task [dreg:s6], $0x5FFFF  }
0xac: {  	[dreg:$0x1] =	wrdreg $0xFFFFFFFF  }
0xad: {  	[dreg:$0x0] =	wrdreg $0x60  }
0xae: {  	[dreg:$0x2] =	wrdreg s24  }
0xaf: {  	[dreg:$0x3] =	wrdreg $0x0  }
0xb0: {  	[dreg:$0x4] =	wrdreg $0x9E000  }
0xb1: {  	[dreg:$0x5] =	wrdreg $0x9  }
0xb2: {  	_ =	task.clear_ibuf [dreg:s6], $0x6FFFF;
	_ =	strace $0x9000004C  }
0xb3: {  	s29 =	simm.s32 $0x9;
	_ =	strace $0x8000004E  }
0xb4: {  	_ =	swait.ge [sflag:s29], $0x1  }
0xb5: {  	[sflag:s29] =	ssyncadd.s32 $0xFFFFFFFF  }
0xb6: {  	_ =	strace $0x9000004E  }
0xb7: {  	_ =	sfence  }
0xb8: {  	s30 =	sld [smem:$0x0];
	_ =	sdelay $0x2  }
0xb9: {  	s31 =	sshll.u32 s1, $0xD;
	s1 =	sshrl.u32 s1, $0x2  }
0xba: {  	s3 =	sand.u32 $0x4000, s31;
	s1 =	sadd.s32 s1, s30  }
0xbb: {  	s0 =	sor.u32 s3, s0;
	s1 =	sshll.u32 s1, $0x11  }
0xbc: {  	s0 =	sor.u32 s1, s0  }
0xbd: {  	s0 =	sadd.s32 $0x8F2B, s0  }
0xbe: {  	[sflag:s0] =	ssyncadd.remote.s32 $0x1  }
0xbf: {  	_ =	sfence.sel $0xFFFF  }
0xc0: {  	[dreg:$0x0] =	wrdreg $0xFFFFFFFF;
	(pc) =	sbr.abs _section_cstart, $3  }
0xc1: {  	[dreg:$0x1] =	wrdreg $0xFFFFFFFF  }
0xc2: {  	_ =	task.clear_ibuf [dreg:s6], $0x2FFFF;
	_ =	strace $0x9FFFFFFF  }
0xc3: {  	(tm) =	ssettm $0x7FFFFFFF  }
tec
execute0_lowered:
.L_overlay_start_1:
0x0: {  	(tag) =	ssettag $0x1  }
0x1: {  	s1 =	rddreg [dreg:$0x0]  }
0x2: {  	s0 =	srdreg.scid;
	s2 =	rddreg [dreg:$0x1]  }
0x3: {  	s9 =	stileid.u32;
	s3 =	rddreg [dreg:$0x2];
	s5 =	simm.s32 $0x0  }
0x4: {  	s16 =	simm.s32 $0x13C00;
	s17 =	simm.s32 $0x16310;
	s18 =	simm.s32 $0x1  }
0x5: {  	s19 =	simm.s32 $0x2;
	s20 =	simm.s32 $0x3;
	s31 =	simm.s32 $0x6  }
0x6: {  	s28 =	simm.s32 $0x9;
	s30 =	simm.s32 $0x0;
	s0 =	sand.u32 $0x1, s0  }
0x7: {  	[smem:$0x7FF] =	sst s5;
	s21 =	smul.u32 $0x9E00, s9;
	s4 =	sshll.u32 s0, $0x4  }
0x8: {  	_ =	strace $0x8000004D;
	s6 =	ssub.s32 $0x2, s0;
	p0 =	seq.s32 s0, $0x1  }
0x9: {  	s0 =	simm.s32 $0xB8A00;
	s4 =	sor.u32 s9, s4;
	s7 =	sshrl.u32 s21, $0x3  }
0xa: {  	s8 =	sshrl.u32 s6, $0x1;
	s23 =	sadd.s32 s21, s2;
	s5 =	sadd.s32 s21, s3  }
0xb: {  	s0 =	simm.s32 @!p0 $0xCC600;
	s21 =	simm.s32 $0x70;
	s4 =	smul.u32 $0x2710, s4  }
0xc: {  	s22 =	ssub.s32 s6, s8;
	s6 =	sshll.u32 s9, $0x6;
	s13 =	sshrl.u32 s23, $0x3  }
0xd: {  	s15 =	sshrl.u32 s5, $0x3;
	s23 =	simm.s32 $0x5;
	s9 =	sor.u32 $0x1C01, s6  }
0xe: {  	s29 =	smax.u32 s22, $0x1;
	s14 =	sor.u32 $0x1C02, s6;
	s4 =	sshrl.u32 s4, $0x3  }
0xf: {  	[dreg:$0x5] =	wrdreg s9;
	s4 =	sadd.s32 s4, s1;
	s1 =	sadd.s32 s7, s1  }
0x10: {  	s22 =	simm.s32 $0x18A20;
	[dreg:$0x9] =	wrdreg s29;
	s24 =	sadd.s32 $0x7D600, s1  }
0x11: {  	s25 =	sadd.s32 $0x69A00, s1;
	s26 =	sadd.s32 $0x7000, s4;
	[dreg:$0x4] =	wrdreg s24  }
0x12: {  	s4 =	sadd.s32 $0x10C40, s4;
	s12 =	sadd.s32 s0, s1;
	[dreg:$0x6] =	wrdreg s25  }
0x13: {  	s1 =	simm.s32 $0x7;
	s0 =	simm.s32 $0x8;
	[dreg:$0x7] =	wrdreg s26  }
0x14: {  	[dreg:$0x8] =	wrdreg s4;
	s24 =	simm.s32 $0x1A620;
	s25 =	simm.s32 $0x20  }
.LBB2_1:
0x15: {  	s4 =	rddreg [dreg:$0x4]  }
0x16: {  	s5 =	rddreg [dreg:$0x5]  }
0x17: {  	[spmem:s13], [sflag:s5] =	dma.local [hbm:s4], $0x13C0  }
0x18: {  	s4 =	rddreg [dreg:$0x6]  }
0x19: {  	[spmem:s15], [sflag:s14] =	dma.local [hbm:s4], $0x13C0  }
0x1a: {  	s8 =	simm.s32 $0x0;
	s9 =	rddreg [dreg:$0x7]  }
0x1b: {  	[tilespmem:s16], [sflag:$0x3] =	stream.linear.gather [hbm4b:s9+s8], $0x2710, $0x38;
	[tilespmem:$0x1FA20] =	vst v63  }
0x1c: {  	s10 =	rddreg [dreg:$0x8]  }
0x1d: {  	[tilespmem:s17], [sflag:$0x4] =	stream.linear.gather [hbm4b:s10+s8], $0x2710, $0x38;
	[tilespmem:$0x1FA20] =	vst v63  }
0x1e: {  	_ =	swait.ge [sflag:s18], $0x13C0  }
0x1f: {  	[sflag:s18] =	ssyncset.done $0x0  }
0x20: {  	[sflag:s18] =	ssyncadd.s32 $0xFFFFEC40  }
0x21: {  	_ =	swait.ge [sflag:s19], $0x13C0  }
0x22: {  	[sflag:s19] =	ssyncset.done $0x0  }
0x23: {  	[sflag:s19] =	ssyncadd.s32 $0xFFFFEC40  }
0x24: {  	_ =	swait.ge [sflag:s20], $0x2710  }
0x25: {  	[sflag:s20] =	ssyncset.done $0x0  }
0x26: {  	s4 =	simm.s32 $0x4;
	[sflag:s20] =	ssyncadd.s32 $0xFFFFD8F0  }
0x27: {  	_ =	swait.ge [sflag:s4], $0x2710  }
0x28: {  	[sflag:s4] =	ssyncset.done $0x0  }
0x29: {  	[sflag:s4] =	ssyncadd.s32 $0xFFFFD8F0  }
0x2a: {  	[bflag:$0x0] =	sbarrier.arrive $0xFFFF  }
0x2b: {  	[tilespmem:s22], [sflag:$0x1] =	stream.indirect.gather [spmem:s3], $0x40, s16, s21, $0xb8;
	[tilespmem:$0x1FA20] =	vst v63  }
0x2c: {  	s11 =	simm.s32 $0x13C70  }
0x2d: {  	[tilespmem:s24], [sflag:$0x2] =	stream.indirect.gather [spmem:s3], $0x40, s11, s21, $0xb8;
	[tilespmem:$0x1FA20] =	vst v63  }
0x2e: {  	_ =	swait.ge [sflag:s18], $0x1C00  }
0x2f: {  	[sflag:s18] =	ssyncset.done $0x0  }
0x30: {  	[sflag:s18] =	ssyncadd.s32 $0xFFFFE400  }
0x31: {  	[spmem:s2] =	stream.indirect.scatter.add.f32 [tilespmem:s22], [sflag:$0x5], $0x40, s17, s21, $0xb8;
	[tilespmem:$0x1FA20] =	vst v63  }
0x32: {  	s26 =	simm.s32 $0x13CE0;
	s7 =	simm.s32 $0x1C220;
	p0 =	por $0x0, $0x0  }
0x33: {  	[tilespmem:s7], [sflag:$0x3] =	stream.indirect.gather [spmem:s3], $0x40, s26, s21, $0xb8;
	[tilespmem:$0x1FA20] =	vst v63  }
0x34: {  	s29 =	simm.s32 $0x5;
	s9 =	simm.s32 $0x1DE20;
	_ =	swait.ge [sflag:s19], $0x1C00  }
0x35: {  	s8 =	simm.s32 $0x13D50;
	s10 =	simm.s32 $0x2;
	[sflag:s19] =	ssyncset.done $0x0  }
0x36: {  	s5 =	sand.u32 $0x3, s10;
	s7 =	simm.s32 $0x16380;
	[sflag:s19] =	ssyncadd.s32 $0xFFFFE400  }
0x37: {  	[spmem:s2] =	stream.indirect.scatter.add.f32 [tilespmem:s24], [sflag:$0x6], $0x40, s7, s21, $0xb8;
	[tilespmem:$0x1FA20] =	vst v63  }
0x38: {  	s4 =	sand.u32 @!p0 $0x3, s4;
	s11 =	smul.u32 $0x7000, s5;
	s26 =	simm.s32 $0x13DC0  }
0x39: {  	[tilespmem:s9], [sflag:$0x4] =	stream.indirect.gather [spmem:s3], $0x40, s8, s21, $0xb8;
	[tilespmem:$0x1FA20] =	vst v63  }
0x3a: {  	s7 =	sshrl.u32 s11, $0x2;
	s11 =	smul.u32 @!p0 $0x7000, s4;
	s8 =	sadd.s32 $0x1, s5  }
0x3b: {  	s10 =	sadd.s32 $0x18A20, s7;
	s7 =	sadd.s32 @!p0 $0x5, s4;
	_ =	swait.ge [sflag:s8], $0x1C00  }
0x3c: {  	s9 =	simm.s32 $0x163F0;
	s5 =	sadd.s32 $0x5, s5;
	[sflag:s8] =	ssyncset.done $0x0  }
0x3d: {  	[sflag:s8] =	ssyncadd.s32 $0xFFFFE400;
	s8 =	sadd.s32 @!p0 $0x1, s4;
	s4 =	simm.s32 $0x16460  }
0x3e: {  	[spmem:s2] =	stream.indirect.scatter.add.f32 [tilespmem:s10], [sflag:s5], $0x40, s9, s21, $0xb8;
	[tilespmem:$0x1FA20] =	vst v63  }
0x3f: {  	s5 =	sshrl.u32 @!p0 s11, $0x2;
	s10 =	simm.s32 @!p0 $0x70;
	_ =	swait.ge @!p0 [sflag:s7], $0x1C00  }
0x40: {  	s9 =	sadd.s32 @!p0 $0x18A20, s5;
	s5 =	simm.s32 $0x13DC0;
	[sflag:s7] =	ssyncset.done @!p0 $0x0  }
.LBB2_2:
0x41: {  	[sflag:s7] =	ssyncadd.s32 @!p0 $0xFFFFE400  }
0x42: {  	s26 =	sadd.s32 $0x70, s26;
	s7 =	smov.u32 s29;
	s29 =	sadd.s32 $0x1, s29  }
0x43: {  	[tilespmem:s9], [sflag:s8] =	stream.indirect.gather @!p0 [spmem:s3], $0x40, s5, s10, $0xb8;
	[tilespmem:$0x1FA20] =	vst v63  }
0x44: {  	s8 =	sadd.s32 $0xFFFFFFFE, s7;
	p1 =	sne.s32 s29, $0x5B;
	s5 =	smov.u32 s26  }
0x45: {  	s9 =	sand.u32 $0x3, s8  }
0x46: {  	s10 =	smul.u32 $0x7000, s9;
	s11 =	sadd.s32 $0x1, s9  }
0x47: {  	p0 =	sgt.u32 s8, $0x56;
	s9 =	sadd.s32 $0x5, s9;
	_ =	swait.ge [sflag:s11], $0x1C00  }
0x48: {  	s8 =	sand.u32 @!p0 $0x3, s7;
	s10 =	sshrl.u32 s10, $0x2;
	[sflag:s11] =	ssyncset.done $0x0  }
.Ltmp0:
0x49: {  	s10 =	sadd.s32 $0x18A20, s10;
	[sflag:s11] =	ssyncadd.s32 $0xFFFFE400;
	(pc) =	sbr.rel @p1 .LBB2_2-.Ltmp0, $4  }
0x4a: {  	s7 =	sadd.s32 @!p0 $0x5, s8;
	s11 =	smul.u32 @!p0 $0x7000, s8;
	s8 =	sadd.s32 @!p0 $0x1, s8  }
0x4b: {  	[spmem:s2] =	stream.indirect.scatter.add.f32 [tilespmem:s10], [sflag:s9], $0x40, s4, s21, $0xb8;
	[tilespmem:$0x1FA20] =	vst v63  }
0x4c: {  	s9 =	sshrl.u32 @!p0 s11, $0x2;
	s4 =	sadd.s32 $0x70, s4;
	_ =	swait.ge @!p0 [sflag:s7], $0x1C00  }
0x4d: {  	s10 =	simm.s32 @!p0 $0x70;
	s9 =	sadd.s32 @!p0 $0x18A20, s9;
	[sflag:s7] =	ssyncset.done @!p0 $0x0  }
0x4e: {  	[sflag:s7] =	ssyncadd.s32 @!p0 $0xFFFFE400  }
0x4f: {  	[tilespmem:s9], [sflag:s8] =	stream.indirect.gather @!p0 [spmem:s3], $0x40, s5, s10, $0xb8;
	[tilespmem:$0x1FA20] =	vst v63  }
0x50: {  	_ =	swait.ge [sflag:s31], $0x1C00  }
0x51: {  	[sflag:s31] =	ssyncset.done $0x0  }
0x52: {  	[sflag:s31] =	ssyncadd.s32 $0xFFFFE400  }
0x53: {  	_ =	swait.ge [sflag:s1], $0x1C00  }
0x54: {  	[sflag:s1] =	ssyncset.done $0x0  }
0x55: {  	[sflag:s1] =	ssyncadd.s32 $0xFFFFE400  }
0x56: {  	_ =	swait.ge [sflag:s0], $0x1C00  }
0x57: {  	[sflag:s0] =	ssyncset.done $0x0  }
0x58: {  	[sflag:s0] =	ssyncadd.s32 $0xFFFFE400  }
0x59: {  	_ =	swait.ge [sflag:s23], $0x1C00  }
0x5a: {  	[sflag:s23] =	ssyncset.done $0x0  }
0x5b: {  	s4 =	simm.s32 $0x162F0;
	[sflag:s23] =	ssyncadd.s32 $0xFFFFE400  }
0x5c: {  	[tilespmem:s22], [sflag:$0x9] =	stream.indirect.gather [spmem:s3], $0x40, s4, s25, $0xb8;
	[tilespmem:$0x1FA20] =	vst v63  }
0x5d: {  	_ =	swait.ge [sflag:s28], $0x800  }
0x5e: {  	[sflag:s28] =	ssyncset.done $0x0  }
0x5f: {  	s11 =	simm.s32 $0x18A00;
	[sflag:s28] =	ssyncadd.s32 $0xFFFFF800  }
0x60: {  	[spmem:s2] =	stream.indirect.scatter.add.f32 [tilespmem:s22], [sflag:$0x9], $0x40, s11, s25, $0xb8;
	[tilespmem:$0x1FA20] =	vst v63  }
0x61: {  	_ =	swait.ge [sflag:s28], $0x800  }
0x62: {  	[sflag:s28] =	ssyncset.done $0x0  }
0x63: {  	[sflag:s28] =	ssyncadd.s32 $0xFFFFF800  }
0x64: {  	s26 =	sor.u32 $0x1C09, s6;
	[bflag:$0x0] =	sbarrier.arrive $0xFFFF  }
0x65: {  	[hbm:s12], [sflag:s26] =	dma.local [spmem:s13], $0x13C0  }
0x66: {  	_ =	swait.ge [sflag:s28], $0x13C0  }
0x67: {  	s30 =	sadd.s32 $0x1, s30;
	s29 =	rddreg [dreg:$0x9]  }
0x68: {  	p0 =	sne.s32 s30, s29  }
.Ltmp1:
0x69: {  	_ = 	snop;
	(pc) =	sbr.rel @p0 .LBB2_1-.Ltmp1, $3  }
0x6a: {  	_ =	sdelay $0x1  }
0x6b: {  	[sflag:s28] =	ssyncset.done $0x0  }
0x6c: {  	[sflag:s28] =	ssyncadd.s32 $0xFFFFEC40  }
0x6d: {  	_ =	sfence.sel $0x180000  }
0x6e: {  	[bflag:$0x0] =	sbarrier.arrive $0xFFFF  }
0x6f: {  	_ =	strace $0x9000004D  }
0x70: {  	s0 =	stileid.u32;
	[bflag:$0x2] =	sbarrier.arrive $0xFFFF  }
0x71: {  	p0 =	sne.s32 s0, $0x0;
	s0 =	rddreg [dreg:$0x3]  }
0x72: {  	s0 =	sadd.s32 @!p0 $0x100000, s0  }
0x73: {  	[sflag:s0] =	ssyncadd.tile.s32 @!p0 $0x1;
	_ =	shalt  }
.Lfunc_end2:
_tile_overlayer_lowered:
.L_overlay_start_2:
0x74: {  	(tag) =	ssettag $0x2  }
0x75: {  	s0 =	rddreg [dreg:$0x0];
	s2 =	stileid.u32  }
0x76: {  	s1 =	rddreg [dreg:$0x1];
	p0 =	sne.s32 s2, $0x0  }
0x77: {  	s3 =	rddreg [dreg:$0x2];
	[bflag:$0x3] =	sbarrier.arrive $0xFFFF;
	s2 =	simm.s32 @!p0 $0x1C09  }
0x78: {  	[timem:s3], [sflag:s2] =	dma.local @!p0 [hbm:s0], s1  }
0x79: {  	s0 =	simm.s32 @!p0 $0x9  }
0x7a: {  	_ =	swait.ge @!p0 [sflag:s0], s1  }
0x7b: {  	s1 =	ssub.s32 @!p0 $0x0, s1;
	[sflag:s0] =	ssyncset.done @!p0 $0x0  }
0x7c: {  	[sflag:s0] =	ssyncadd.s32 @!p0 s1  }
0x7d: {  	[bflag:$0x3] =	sbarrier.arrive $0xFFFF  }
0x7e: {  	_ =	shalt  }

// kernel: kernel.19.cloned.1.call-start
scs
__scs_entry_jumppad:
0x0: {  	(pc) =	sbr.rel $0x88, $3  }
0x1: {  	(tag) =	ssettag $0x0;
	lr =	simm.s32 $0x1  }
0x2: {  	[smem:$0x3F89] =	sst lr;
	_ =	strace $0xD0000000  }
0x3: {  	_ = 	snop  }
0x4: {  	_ = 	snop  }
0x5: {  	_ = 	snop  }
0x6: {  	_ = 	snop  }
0x7: {  	_ = 	snop  }
__scs_overlays_trampoline_lowered:
0x8: {  	[smem:$0x3F98] =	sst s0  }
0x9: {  	[smem:$0x3F99] =	sst s1  }
0xa: {  	[smem:$0x3F9A] =	sst s2  }
0xb: {  	[smem:$0x3F9B] =	sst s3  }
0xc: {  	[smem:$0x3F9C] =	sst s4  }
0xd: {  	[smem:$0x3F9D] =	sst s5  }
0xe: {  	[smem:$0x3F9E] =	sst s6  }
0xf: {  	[smem:$0x3F9F] =	sst s7  }
0x10: {  	[smem:$0x3FA0] =	sst s8  }
0x11: {  	[smem:$0x3FA1] =	sst s9;
	s0 =	simm.s32 @!p0 $0x0  }
0x12: {  	s1 =	sld [smem:$0x3F87];
	s0 =	simm.s32 @p0 $0x1  }
0x13: {  	[smem:$0x3FA2] =	sst s0;
	s0 =	simm.s32 @!p1 $0x0  }
0x14: {  	s2 =	sld [smem:$0x3F86];
	s0 =	simm.s32 @p1 $0x1  }
0x15: {  	[smem:$0x3FA3] =	sst s0;
	s0 =	simm.s32 @!p2 $0x0  }
0x16: {  	s3 =	sld [smem:$0x3FDB];
	s0 =	simm.s32 @p2 $0x1  }
0x17: {  	s4 =	simm.s32 $0x1BF5;
	[smem:$0x3FA5] =	sst s0  }
0x18: {  	s0 =	sld [smem:$0x3F88];
	_ =	swait.ge [sflag:s4], $0x0  }
0x19: {  	s7 =	sld [smem:$0x3F89]  }
0x1a: {  	s8 =	sadd.s32 $0xFFFFE003, lr  }
0x1b: {  	s9 =	sadd.s32 $0xFFFFFEF7, lr;
	s5 =	simm.s32 $0xFFFFFFFF;
	p2 =	slt.u32 s8, $0xFFFFF086  }
0x1c: {  	p1 =	slt.u32 s9, $0xF7A;
	s5 =	simm.s32 @!p2 $0x0  }
0x1d: {  	s5 =	simm.s32 @p1 $0x1;
	p0 =	seq.s32 s7, s2  }
0x1e: {  	s7 =	smul.u32 @!p0 $0xF7A, s2;
	p2 =	seq.s32 @!p0 s5, $0x0  }
0x1f: {  	s9 =	smul.u32 $0xF7A, s1;
	s8 =	simm.s32 @!p0 $0x1BF5;
	p2 =	por !p2, p0  }
0x20: {  	[sflag:s8] =	ssyncset.s32 @!p0 $0xFFFFF086;
	s6 =	sadd.s32 @!p0 s3, s7;
	s7 =	simm.s32 @!p0 $0x108  }
0x21: {  	s3 =	sadd.s32 s3, s9;
	s6 =	sadd.s32 @!p0 $0x88, s6;
	s7 =	simm.s32 @p2 $0x1082  }
0x22: {  	[simem:s7], [sflag:s8] =	dma.local @!p0 [hbm:s6], $0xF7A  }
0x23: {  	s9 =	sor.u32 $0xD0000000, s2;
	s6 =	simm.s32 $0x108;
	_ =	swait.ge @!p0 [sflag:s8], $0x0  }
0x24: {  	s3 =	sadd.s32 $0x88, s3;
	s6 =	simm.s32 @!p1 $0x1082;
	[sflag:s4] =	ssyncset.s32 $0xFFFFF086  }
0x25: {  	[simem:s6], [sflag:s4] =	dma.local [hbm:s3], $0xF7A  }
0x26: {  	[smem:$0x3F89] =	sst s1;
	(tag) =	ssettag s2;
	_ =	strace s9  }
0x27: {  	s1 =	sld [smem:$0x3F99]  }
0x28: {  	s2 =	sld [smem:$0x3F9A]  }
0x29: {  	s4 =	sld [smem:$0x3F9C]  }
0x2a: {  	p0 =	seq.s32 s5, $0x0;
	s5 =	sld [smem:$0x3F9D]  }
0x2b: {  	s6 =	sld [smem:$0x3F9E]  }
0x2c: {  	s7 =	sld [smem:$0x3F9F]  }
0x2d: {  	s3 =	simm.s32 $0x108;
	s8 =	sld [smem:$0x3FA0]  }
0x2e: {  	s3 =	simm.s32 @!p0 $0x1082;
	s9 =	sld [smem:$0x3FA1]  }
0x2f: {  	lr =	sadd.s32 s0, s3;
	s0 =	sld [smem:$0x3F98]  }
0x30: {  	s3 =	sld [smem:$0x3F9B]  }
0x31: {  	[smem:$0x3FA4] =	sst s10  }
0x32: {  	s10 =	sld [smem:$0x3FA2];
	_ =	sdelay $0x3  }
0x33: {  	p0 =	seq.s32 s10, $0x1;
	s10 =	sld [smem:$0x3FA4];
	_ =	sdelay $0x3  }
0x34: {  	[smem:$0x3FA4] =	sst s10  }
0x35: {  	s10 =	sld [smem:$0x3FA3];
	_ =	sdelay $0x3  }
0x36: {  	p1 =	seq.s32 s10, $0x1;
	s10 =	sld [smem:$0x3FA4];
	_ =	sdelay $0x3  }
0x37: {  	[smem:$0x3FA4] =	sst s10  }
0x38: {  	s10 =	sld [smem:$0x3FA5]  }
0x39: {  	_ = 	snop;
	(pc) =	sbr.ind lr, $3  }
0x3a: {  	_ = 	snop  }
0x3b: {  	_ = 	snop  }
0x3c: {  	p2 =	seq.s32 s10, $0x1;
	s10 =	sld [smem:$0x3FA4]  }
0x3d: {  	_ =	shalt  }
0x3e: {  	_ =	shalt  }
0x3f: {  	_ =	shalt  }
0x40: {  	_ =	shalt  }
0x41: {  	_ =	shalt  }
0x42: {  	_ =	shalt  }
0x43: {  	_ =	shalt  }
0x44: {  	_ =	shalt  }
0x45: {  	_ =	shalt  }
0x46: {  	_ =	shalt  }
0x47: {  	_ =	shalt  }
0x48: {  	_ =	shalt  }
0x49: {  	_ =	shalt  }
0x4a: {  	_ =	shalt  }
0x4b: {  	_ =	shalt  }
0x4c: {  	_ =	shalt  }
0x4d: {  	_ =	shalt  }
0x4e: {  	_ =	shalt  }
0x4f: {  	_ =	shalt  }
0x50: {  	_ =	shalt  }
0x51: {  	_ =	shalt  }
0x52: {  	_ =	shalt  }
0x53: {  	_ =	shalt  }
0x54: {  	_ =	shalt  }
0x55: {  	_ =	shalt  }
0x56: {  	_ =	shalt  }
0x57: {  	_ =	shalt  }
0x58: {  	_ =	shalt  }
0x59: {  	_ =	shalt  }
0x5a: {  	_ =	shalt  }
0x5b: {  	_ =	shalt  }
0x5c: {  	_ =	shalt  }
0x5d: {  	_ =	shalt  }
0x5e: {  	_ =	shalt  }
0x5f: {  	_ =	shalt  }
0x60: {  	_ =	shalt  }
0x61: {  	_ =	shalt  }
0x62: {  	_ =	shalt  }
0x63: {  	_ =	shalt  }
0x64: {  	_ =	shalt  }
0x65: {  	_ =	shalt  }
0x66: {  	_ =	shalt  }
0x67: {  	_ =	shalt  }
0x68: {  	_ =	shalt  }
0x69: {  	_ =	shalt  }
0x6a: {  	_ =	shalt  }
0x6b: {  	_ =	shalt  }
0x6c: {  	_ =	shalt  }
0x6d: {  	_ =	shalt  }
0x6e: {  	_ =	shalt  }
0x6f: {  	_ =	shalt  }
0x70: {  	_ =	shalt  }
0x71: {  	_ =	shalt  }
0x72: {  	_ =	shalt  }
0x73: {  	_ =	shalt  }
0x74: {  	_ =	shalt  }
0x75: {  	_ =	shalt  }
0x76: {  	_ =	shalt  }
0x77: {  	_ =	shalt  }
0x78: {  	_ =	shalt  }
0x79: {  	_ =	shalt  }
0x7a: {  	_ =	shalt  }
0x7b: {  	_ =	shalt  }
0x7c: {  	_ =	shalt  }
0x7d: {  	_ =	shalt  }
0x7e: {  	_ =	shalt  }
0x7f: {  	_ =	shalt  }
0x80: {  	_ =	shalt  }
0x81: {  	_ =	shalt  }
0x82: {  	_ =	shalt  }
0x83: {  	_ =	shalt  }
0x84: {  	_ =	shalt  }
0x85: {  	_ =	shalt  }
0x86: {  	_ =	shalt  }
0x87: {  	_ =	shalt  }
.Lfunc_end0:
.L_simem_size_0:
called_computation.3_lowered:
.L_overlay_start_0:
0x88: {  	s2 =	sld [smem:$0x3FD9]  }
0x89: {  	s3 =	sld [smem:$0x3FFE];
	_ =	sdelay $0x1  }
0x8a: {  	s1 =	srdreg.scid  }
0x8b: {  	s0 =	sand.u32 $0x1, s1  }
0x8c: {  	s16 =	sshll.u32 s0, $0xA;
	s2 =	sadd.s32 s3, s2  }
0x8d: {  	s2 =	sadd.s32 s2, s16  }
0x8e: {  	[smem:$0x3FB0] =	sst s2  }
0x8f: {  	_ = 	snop  }
0x90: {  	(tm) =	ssettm $0x1  }
0x91: {  	s17 =	sld [smem:$0x3FFB];
	_ =	sdelay $0x3  }
0x92: {  	_ =	strace s17  }
0x93: {  	s2 =	sld [smem:$0x3FFC];
	_ =	sdelay $0x3  }
0x94: {  	_ =	strace s2  }
0x95: {  	s2 =	sld [smem:$0x3FFD];
	_ =	sdelay $0x3  }
0x96: {  	_ =	strace s2  }
0x97: {  	_ =	strace $0x8FFFFFFF  }
0x98: {  	s18 =	sld [smem:$0x3FDB];
	_ =	sdelay $0x1  }
0x99: {  	s19 =	simm.s32 $_scs_section_size  }
0x9a: {  	s4 =	simm.s32 $_size__tile_overlayer_lowered;
	s5 =	simm.s32 $_tile_overlayer_lowered  }
0x9b: {  	s22 =	simm.s32 $0x1BFF;
	s21 =	sshll.u32 s5, $0x1;
	s2 =	sadd.s32 s19, s18  }
0x9c: {  	s6 =	simm.s32 $0x0;
	s20 =	sshll.u32 s4, $0x1;
	s4 =	sadd.s32 s21, s2  }
0x9d: {  	[timem:s6], [sflag:s22] =	dma.local [hbm:s4], s20  }
0x9e: {  	_ =	swait.ge [sflag:s22], s20  }
0x9f: {  	s3 =	ssub.s32 $0x0, s20;
	[sflag:s22] =	ssyncset.done $0x0  }
0xa0: {  	[sflag:s22] =	ssyncadd.s32 s3;
	_ =	sdelay $0x1  }
0xa1: {  	s23 =	simm.s32 $0x1B8B  }
0xa2: {  	_ =	swait.ge [sflag:s23], $0x1  }
0xa3: {  	[sflag:s23] =	ssyncset.done $0x0  }
0xa4: {  	s25 =	simm.s32 $0x1B8E;
	s24 =	sld [smem:$0x3FFE];
	[sflag:s23] =	ssyncadd.s32 $0xFFFFFFFF  }
0xa5: {  	s26 =	simm.s32 $execute0_lowered;
	[smem:$0x3FD2] =	sst s25  }
0xa6: {  	s4 =	sshll.u32 s26, $0x1;
	_ =	strace $0x8000004F;
	[dreg:$0x1] =	wrdreg $0xFFFFFFFF  }
0xa7: {  	s28 =	simm.s32 $_size_execute0_lowered;
	s2 =	sadd.s32 s2, s4;
	[dreg:$0x0] =	wrdreg $0x0  }
0xa8: {  	s4 =	sshll.u32 s28, $0x1;
	[dreg:$0x2] =	wrdreg s2  }
0xa9: {  	[dreg:$0x3] =	wrdreg s4  }
0xaa: {  	[dreg:$0x4] =	wrdreg $0xC0  }
0xab: {  	_ =	task [dreg:s6], $0x5FFFF  }
0xac: {  	[dreg:$0x1] =	wrdreg $0xFFFFFFFF  }
0xad: {  	[dreg:$0x0] =	wrdreg $0x60  }
0xae: {  	[dreg:$0x2] =	wrdreg s24  }
0xaf: {  	[dreg:$0x3] =	wrdreg $0x0  }
0xb0: {  	[dreg:$0x4] =	wrdreg $0x9E000  }
0xb1: {  	[dreg:$0x5] =	wrdreg $0x9  }
0xb2: {  	_ =	task.clear_ibuf [dreg:s6], $0x6FFFF;
	_ =	strace $0x9000004F  }
0xb3: {  	s29 =	simm.s32 $0x9;
	_ =	strace $0x80000051  }
0xb4: {  	_ =	swait.ge [sflag:s29], $0x1  }
0xb5: {  	[sflag:s29] =	ssyncadd.s32 $0xFFFFFFFF  }
0xb6: {  	_ =	strace $0x90000051  }
0xb7: {  	_ =	sfence  }
0xb8: {  	s30 =	sld [smem:$0x0];
	_ =	sdelay $0x2  }
0xb9: {  	s31 =	sshll.u32 s1, $0xD;
	s1 =	sshrl.u32 s1, $0x2  }
0xba: {  	s3 =	sand.u32 $0x4000, s31;
	s1 =	sadd.s32 s1, s30  }
0xbb: {  	s0 =	sor.u32 s3, s0;
	s1 =	sshll.u32 s1, $0x11  }
0xbc: {  	s0 =	sor.u32 s1, s0  }
0xbd: {  	s0 =	sadd.s32 $0x8F2B, s0  }
0xbe: {  	[sflag:s0] =	ssyncadd.remote.s32 $0x1  }
0xbf: {  	_ =	sfence.sel $0xFFFF  }
0xc0: {  	[dreg:$0x0] =	wrdreg $0xFFFFFFFF;
	(pc) =	sbr.abs _section_cstart, $3  }
0xc1: {  	[dreg:$0x1] =	wrdreg $0xFFFFFFFF  }
0xc2: {  	_ =	task.clear_ibuf [dreg:s6], $0x2FFFF;
	_ =	strace $0x9FFFFFFF  }
0xc3: {  	(tm) =	ssettm $0x7FFFFFFF  }
tec
execute0_lowered:
.L_overlay_start_1:
0x0: {  	(tag) =	ssettag $0x1  }
0x1: {  	s1 =	rddreg [dreg:$0x0]  }
0x2: {  	s0 =	srdreg.scid;
	s2 =	rddreg [dreg:$0x1]  }
0x3: {  	s9 =	stileid.u32;
	s3 =	rddreg [dreg:$0x2];
	s5 =	simm.s32 $0x0  }
0x4: {  	s16 =	simm.s32 $0x13C00;
	s17 =	simm.s32 $0x16310;
	s18 =	simm.s32 $0x1  }
0x5: {  	s19 =	simm.s32 $0x2;
	s20 =	simm.s32 $0x3;
	s31 =	simm.s32 $0x6  }
0x6: {  	s28 =	simm.s32 $0x9;
	s30 =	simm.s32 $0x0;
	s0 =	sand.u32 $0x1, s0  }
0x7: {  	[smem:$0x7FF] =	sst s5;
	s21 =	smul.u32 $0x9E00, s9;
	s4 =	sshll.u32 s0, $0x4  }
0x8: {  	_ =	strace $0x80000050;
	s6 =	ssub.s32 $0x2, s0;
	p0 =	seq.s32 s0, $0x1  }
0x9: {  	s0 =	simm.s32 $0x91200;
	s4 =	sor.u32 s9, s4;
	s7 =	sshrl.u32 s21, $0x3  }
0xa: {  	s8 =	sshrl.u32 s6, $0x1;
	s23 =	sadd.s32 s21, s2;
	s5 =	sadd.s32 s21, s3  }
0xb: {  	s0 =	simm.s32 @!p0 $0xA4E00;
	s21 =	simm.s32 $0x70;
	s4 =	smul.u32 $0x2710, s4  }
0xc: {  	s22 =	ssub.s32 s6, s8;
	s6 =	sshll.u32 s9, $0x6;
	s13 =	sshrl.u32 s23, $0x3  }
0xd: {  	s15 =	sshrl.u32 s5, $0x3;
	s23 =	simm.s32 $0x5;
	s9 =	sor.u32 $0x1C01, s6  }
0xe: {  	s29 =	smax.u32 s22, $0x1;
	s14 =	sor.u32 $0x1C02, s6;
	s4 =	sshrl.u32 s4, $0x3  }
0xf: {  	[dreg:$0x5] =	wrdreg s9;
	s4 =	sadd.s32 s4, s1;
	s1 =	sadd.s32 s7, s1  }
0x10: {  	s22 =	simm.s32 $0x18A20;
	[dreg:$0x9] =	wrdreg s29;
	s24 =	sadd.s32 $0x7D600, s1  }
0x11: {  	s25 =	sadd.s32 $0x69A00, s1;
	s26 =	sadd.s32 $0x7000, s4;
	[dreg:$0x4] =	wrdreg s24  }
0x12: {  	s4 =	sadd.s32 $0x10C40, s4;
	s12 =	sadd.s32 s0, s1;
	[dreg:$0x6] =	wrdreg s25  }
0x13: {  	s1 =	simm.s32 $0x7;
	s0 =	simm.s32 $0x8;
	[dreg:$0x7] =	wrdreg s26  }
0x14: {  	[dreg:$0x8] =	wrdreg s4;
	s24 =	simm.s32 $0x1A620;
	s25 =	simm.s32 $0x20  }
.LBB2_1:
0x15: {  	s4 =	rddreg [dreg:$0x4]  }
0x16: {  	s5 =	rddreg [dreg:$0x5]  }
0x17: {  	[spmem:s13], [sflag:s5] =	dma.local [hbm:s4], $0x13C0  }
0x18: {  	s4 =	rddreg [dreg:$0x6]  }
0x19: {  	[spmem:s15], [sflag:s14] =	dma.local [hbm:s4], $0x13C0  }
0x1a: {  	s8 =	simm.s32 $0x0;
	s9 =	rddreg [dreg:$0x7]  }
0x1b: {  	[tilespmem:s16], [sflag:$0x3] =	stream.linear.gather [hbm4b:s9+s8], $0x2710, $0x38;
	[tilespmem:$0x1FA20] =	vst v63  }
0x1c: {  	s10 =	rddreg [dreg:$0x8]  }
0x1d: {  	[tilespmem:s17], [sflag:$0x4] =	stream.linear.gather [hbm4b:s10+s8], $0x2710, $0x38;
	[tilespmem:$0x1FA20] =	vst v63  }
0x1e: {  	_ =	swait.ge [sflag:s18], $0x13C0  }
0x1f: {  	[sflag:s18] =	ssyncset.done $0x0  }
0x20: {  	[sflag:s18] =	ssyncadd.s32 $0xFFFFEC40  }
0x21: {  	_ =	swait.ge [sflag:s19], $0x13C0  }
0x22: {  	[sflag:s19] =	ssyncset.done $0x0  }
0x23: {  	[sflag:s19] =	ssyncadd.s32 $0xFFFFEC40  }
0x24: {  	_ =	swait.ge [sflag:s20], $0x2710  }
0x25: {  	[sflag:s20] =	ssyncset.done $0x0  }
0x26: {  	s4 =	simm.s32 $0x4;
	[sflag:s20] =	ssyncadd.s32 $0xFFFFD8F0  }
0x27: {  	_ =	swait.ge [sflag:s4], $0x2710  }
0x28: {  	[sflag:s4] =	ssyncset.done $0x0  }
0x29: {  	[sflag:s4] =	ssyncadd.s32 $0xFFFFD8F0  }
0x2a: {  	[bflag:$0x0] =	sbarrier.arrive $0xFFFF  }
0x2b: {  	[tilespmem:s22], [sflag:$0x1] =	stream.indirect.gather [spmem:s3], $0x40, s16, s21, $0xb8;
	[tilespmem:$0x1FA20] =	vst v63  }
0x2c: {  	s11 =	simm.s32 $0x13C70  }
0x2d: {  	[tilespmem:s24], [sflag:$0x2] =	stream.indirect.gather [spmem:s3], $0x40, s11, s21, $0xb8;
	[tilespmem:$0x1FA20] =	vst v63  }
0x2e: {  	_ =	swait.ge [sflag:s18], $0x1C00  }
0x2f: {  	[sflag:s18] =	ssyncset.done $0x0  }
0x30: {  	[sflag:s18] =	ssyncadd.s32 $0xFFFFE400  }
0x31: {  	[spmem:s2] =	stream.indirect.scatter.add.f32 [tilespmem:s22], [sflag:$0x5], $0x40, s17, s21, $0xb8;
	[tilespmem:$0x1FA20] =	vst v63  }
0x32: {  	s26 =	simm.s32 $0x13CE0;
	s7 =	simm.s32 $0x1C220;
	p0 =	por $0x0, $0x0  }
0x33: {  	[tilespmem:s7], [sflag:$0x3] =	stream.indirect.gather [spmem:s3], $0x40, s26, s21, $0xb8;
	[tilespmem:$0x1FA20] =	vst v63  }
0x34: {  	s29 =	simm.s32 $0x5;
	s9 =	simm.s32 $0x1DE20;
	_ =	swait.ge [sflag:s19], $0x1C00  }
0x35: {  	s8 =	simm.s32 $0x13D50;
	s10 =	simm.s32 $0x2;
	[sflag:s19] =	ssyncset.done $0x0  }
0x36: {  	s5 =	sand.u32 $0x3, s10;
	s7 =	simm.s32 $0x16380;
	[sflag:s19] =	ssyncadd.s32 $0xFFFFE400  }
0x37: {  	[spmem:s2] =	stream.indirect.scatter.add.f32 [tilespmem:s24], [sflag:$0x6], $0x40, s7, s21, $0xb8;
	[tilespmem:$0x1FA20] =	vst v63  }
0x38: {  	s4 =	sand.u32 @!p0 $0x3, s4;
	s11 =	smul.u32 $0x7000, s5;
	s26 =	simm.s32 $0x13DC0  }
0x39: {  	[tilespmem:s9], [sflag:$0x4] =	stream.indirect.gather [spmem:s3], $0x40, s8, s21, $0xb8;
	[tilespmem:$0x1FA20] =	vst v63  }
0x3a: {  	s7 =	sshrl.u32 s11, $0x2;
	s11 =	smul.u32 @!p0 $0x7000, s4;
	s8 =	sadd.s32 $0x1, s5  }
0x3b: {  	s10 =	sadd.s32 $0x18A20, s7;
	s7 =	sadd.s32 @!p0 $0x5, s4;
	_ =	swait.ge [sflag:s8], $0x1C00  }
0x3c: {  	s9 =	simm.s32 $0x163F0;
	s5 =	sadd.s32 $0x5, s5;
	[sflag:s8] =	ssyncset.done $0x0  }
0x3d: {  	[sflag:s8] =	ssyncadd.s32 $0xFFFFE400;
	s8 =	sadd.s32 @!p0 $0x1, s4;
	s4 =	simm.s32 $0x16460  }
0x3e: {  	[spmem:s2] =	stream.indirect.scatter.add.f32 [tilespmem:s10], [sflag:s5], $0x40, s9, s21, $0xb8;
	[tilespmem:$0x1FA20] =	vst v63  }
0x3f: {  	s5 =	sshrl.u32 @!p0 s11, $0x2;
	s10 =	simm.s32 @!p0 $0x70;
	_ =	swait.ge @!p0 [sflag:s7], $0x1C00  }
0x40: {  	s9 =	sadd.s32 @!p0 $0x18A20, s5;
	s5 =	simm.s32 $0x13DC0;
	[sflag:s7] =	ssyncset.done @!p0 $0x0  }
.LBB2_2:
0x41: {  	[sflag:s7] =	ssyncadd.s32 @!p0 $0xFFFFE400  }
0x42: {  	s26 =	sadd.s32 $0x70, s26;
	s7 =	smov.u32 s29;
	s29 =	sadd.s32 $0x1, s29  }
0x43: {  	[tilespmem:s9], [sflag:s8] =	stream.indirect.gather @!p0 [spmem:s3], $0x40, s5, s10, $0xb8;
	[tilespmem:$0x1FA20] =	vst v63  }
0x44: {  	s8 =	sadd.s32 $0xFFFFFFFE, s7;
	p1 =	sne.s32 s29, $0x5B;
	s5 =	smov.u32 s26  }
0x45: {  	s9 =	sand.u32 $0x3, s8  }
0x46: {  	s10 =	smul.u32 $0x7000, s9;
	s11 =	sadd.s32 $0x1, s9  }
0x47: {  	p0 =	sgt.u32 s8, $0x56;
	s9 =	sadd.s32 $0x5, s9;
	_ =	swait.ge [sflag:s11], $0x1C00  }
0x48: {  	s8 =	sand.u32 @!p0 $0x3, s7;
	s10 =	sshrl.u32 s10, $0x2;
	[sflag:s11] =	ssyncset.done $0x0  }
.Ltmp0:
0x49: {  	s10 =	sadd.s32 $0x18A20, s10;
	[sflag:s11] =	ssyncadd.s32 $0xFFFFE400;
	(pc) =	sbr.rel @p1 .LBB2_2-.Ltmp0, $4  }
0x4a: {  	s7 =	sadd.s32 @!p0 $0x5, s8;
	s11 =	smul.u32 @!p0 $0x7000, s8;
	s8 =	sadd.s32 @!p0 $0x1, s8  }
0x4b: {  	[spmem:s2] =	stream.indirect.scatter.add.f32 [tilespmem:s10], [sflag:s9], $0x40, s4, s21, $0xb8;
	[tilespmem:$0x1FA20] =	vst v63  }
0x4c: {  	s9 =	sshrl.u32 @!p0 s11, $0x2;
	s4 =	sadd.s32 $0x70, s4;
	_ =	swait.ge @!p0 [sflag:s7], $0x1C00  }
0x4d: {  	s10 =	simm.s32 @!p0 $0x70;
	s9 =	sadd.s32 @!p0 $0x18A20, s9;
	[sflag:s7] =	ssyncset.done @!p0 $0x0  }
0x4e: {  	[sflag:s7] =	ssyncadd.s32 @!p0 $0xFFFFE400  }
0x4f: {  	[tilespmem:s9], [sflag:s8] =	stream.indirect.gather @!p0 [spmem:s3], $0x40, s5, s10, $0xb8;
	[tilespmem:$0x1FA20] =	vst v63  }
0x50: {  	_ =	swait.ge [sflag:s31], $0x1C00  }
0x51: {  	[sflag:s31] =	ssyncset.done $0x0  }
0x52: {  	[sflag:s31] =	ssyncadd.s32 $0xFFFFE400  }
0x53: {  	_ =	swait.ge [sflag:s1], $0x1C00  }
0x54: {  	[sflag:s1] =	ssyncset.done $0x0  }
0x55: {  	[sflag:s1] =	ssyncadd.s32 $0xFFFFE400  }
0x56: {  	_ =	swait.ge [sflag:s0], $0x1C00  }
0x57: {  	[sflag:s0] =	ssyncset.done $0x0  }
0x58: {  	[sflag:s0] =	ssyncadd.s32 $0xFFFFE400  }
0x59: {  	_ =	swait.ge [sflag:s23], $0x1C00  }
0x5a: {  	[sflag:s23] =	ssyncset.done $0x0  }
0x5b: {  	s4 =	simm.s32 $0x162F0;
	[sflag:s23] =	ssyncadd.s32 $0xFFFFE400  }
0x5c: {  	[tilespmem:s22], [sflag:$0x9] =	stream.indirect.gather [spmem:s3], $0x40, s4, s25, $0xb8;
	[tilespmem:$0x1FA20] =	vst v63  }
0x5d: {  	_ =	swait.ge [sflag:s28], $0x800  }
0x5e: {  	[sflag:s28] =	ssyncset.done $0x0  }
0x5f: {  	s11 =	simm.s32 $0x18A00;
	[sflag:s28] =	ssyncadd.s32 $0xFFFFF800  }
0x60: {  	[spmem:s2] =	stream.indirect.scatter.add.f32 [tilespmem:s22], [sflag:$0x9], $0x40, s11, s25, $0xb8;
	[tilespmem:$0x1FA20] =	vst v63  }
0x61: {  	_ =	swait.ge [sflag:s28], $0x800  }
0x62: {  	[sflag:s28] =	ssyncset.done $0x0  }
0x63: {  	[sflag:s28] =	ssyncadd.s32 $0xFFFFF800  }
0x64: {  	s26 =	sor.u32 $0x1C09, s6;
	[bflag:$0x0] =	sbarrier.arrive $0xFFFF  }
0x65: {  	[hbm:s12], [sflag:s26] =	dma.local [spmem:s13], $0x13C0  }
0x66: {  	_ =	swait.ge [sflag:s28], $0x13C0  }
0x67: {  	s30 =	sadd.s32 $0x1, s30;
	s29 =	rddreg [dreg:$0x9]  }
0x68: {  	p0 =	sne.s32 s30, s29  }
.Ltmp1:
0x69: {  	_ = 	snop;
	(pc) =	sbr.rel @p0 .LBB2_1-.Ltmp1, $3  }
0x6a: {  	_ =	sdelay $0x1  }
0x6b: {  	[sflag:s28] =	ssyncset.done $0x0  }
0x6c: {  	[sflag:s28] =	ssyncadd.s32 $0xFFFFEC40  }
0x6d: {  	_ =	sfence.sel $0x180000  }
0x6e: {  	[bflag:$0x0] =	sbarrier.arrive $0xFFFF  }
0x6f: {  	_ =	strace $0x90000050  }
0x70: {  	s0 =	stileid.u32;
	[bflag:$0x2] =	sbarrier.arrive $0xFFFF  }
0x71: {  	p0 =	sne.s32 s0, $0x0;
	s0 =	rddreg [dreg:$0x3]  }
0x72: {  	s0 =	sadd.s32 @!p0 $0x100000, s0  }
0x73: {  	[sflag:s0] =	ssyncadd.tile.s32 @!p0 $0x1;
	_ =	shalt  }
.Lfunc_end2:
_tile_overlayer_lowered:
.L_overlay_start_2:
0x74: {  	(tag) =	ssettag $0x2  }
0x75: {  	s0 =	rddreg [dreg:$0x0];
	s2 =	stileid.u32  }
0x76: {  	s1 =	rddreg [dreg:$0x1];
	p0 =	sne.s32 s2, $0x0  }
0x77: {  	s3 =	rddreg [dreg:$0x2];
	[bflag:$0x3] =	sbarrier.arrive $0xFFFF;
	s2 =	simm.s32 @!p0 $0x1C09  }
0x78: {  	[timem:s3], [sflag:s2] =	dma.local @!p0 [hbm:s0], s1  }
0x79: {  	s0 =	simm.s32 @!p0 $0x9  }
0x7a: {  	_ =	swait.ge @!p0 [sflag:s0], s1  }
0x7b: {  	s1 =	ssub.s32 @!p0 $0x0, s1;
	[sflag:s0] =	ssyncset.done @!p0 $0x0  }
0x7c: {  	[sflag:s0] =	ssyncadd.s32 @!p0 s1  }
0x7d: {  	[bflag:$0x3] =	sbarrier.arrive $0xFFFF  }
0x7e: {  	_ =	shalt  }

</sc_bundles>
